<compile_context>
chip_gen: v7x
topology: tpu7x:2x2x1
jax: 0.10.2.dev20260603
libtpu: 0.0.44.dev20260713+nightly
codegen_flags: <defaults>
</compile_context>

<pallas_src>
import jax
import jax.numpy as jnp
from jax import lax
from jax.experimental import pallas as pl
from jax.experimental.pallas import tpu as pltpu
from jax.experimental.pallas import tpu_sc as plsc

NC = 2
NS = 16
CH = 128



def _lin_norm_body(x_ref, w_ref, b_ref, o_ref):
    h = jnp.dot(x_ref[...], w_ref[...], preferred_element_type=jnp.float32)
    h = h + b_ref[...]
    n = jnp.sqrt(jnp.sum(h * h, axis=1, keepdims=True))
    o_ref[...] = h / jnp.maximum(n, 1e-12)


def _combine_lin_norm_body(p_ref, c_ref, w_ref, b_ref, o_ref):
    agg = p_ref[...]
    cnt = c_ref[:, 0:1]
    agg = agg / jnp.maximum(cnt, 1.0)
    h = jnp.maximum(agg, 0.0)
    h = jnp.dot(h, w_ref[...], preferred_element_type=jnp.float32) + b_ref[...]
    n = jnp.sqrt(jnp.sum(h * h, axis=1, keepdims=True))
    o_ref[...] = h / jnp.maximum(n, 1e-12)


def _post_body(q_ref, c_ref, w1_ref, b1_ref, w2_ref, b2_ref, o_ref):
    agg = q_ref[...]
    cnt = c_ref[:, 0:1]
    agg = agg / jnp.maximum(cnt, 1.0)
    h = jnp.maximum(agg, 0.0)
    t = jnp.dot(h, w1_ref[...], preferred_element_type=jnp.float32) + b1_ref[...]
    o = jnp.dot(t, w2_ref[...], preferred_element_type=jnp.float32) + b2_ref[...]
    m = jnp.max(o, axis=1, keepdims=True)
    e = jnp.exp(o - m)
    s = jnp.sum(e, axis=1, keepdims=True)
    o_ref[...] = o - m - jnp.log(s)


def _tc_lin_norm(xp, W, b, NP, BR):
    grid = NP // BR
    return pl.pallas_call(
        _lin_norm_body,
        grid=(grid,),
        in_specs=[
            pl.BlockSpec((BR, 128), lambda i: (i, 0)),
            pl.BlockSpec((128, 128), lambda i: (0, 0)),
            pl.BlockSpec((1, 128), lambda i: (0, 0)),
        ],
        out_specs=pl.BlockSpec((BR, 128), lambda i: (i, 0)),
        out_shape=jax.ShapeDtypeStruct((NP, 128), jnp.float32),
    )(xp, W, b.reshape(1, 128))


def _tc_combine_lin_norm(p, c, W, b, NP, BR):
    grid = NP // BR
    return pl.pallas_call(
        _combine_lin_norm_body,
        grid=(grid,),
        in_specs=[
            pl.BlockSpec((BR, 128), lambda i: (i, 0)),
            pl.BlockSpec((BR, 128), lambda i: (i, 0)),
            pl.BlockSpec((128, 128), lambda i: (0, 0)),
            pl.BlockSpec((1, 128), lambda i: (0, 0)),
        ],
        out_specs=pl.BlockSpec((BR, 128), lambda i: (i, 0)),
        out_shape=jax.ShapeDtypeStruct((NP, 128), jnp.float32),
    )(p, c, W, b.reshape(1, 128))


def _tc_post(q, c, W1, b1, W2, b2, NP, BR, DOUT):
    grid = NP // BR
    return pl.pallas_call(
        _post_body,
        grid=(grid,),
        in_specs=[
            pl.BlockSpec((BR, 128), lambda i: (i, 0)),
            pl.BlockSpec((BR, 128), lambda i: (i, 0)),
            pl.BlockSpec((128, 128), lambda i: (0, 0)),
            pl.BlockSpec((1, 128), lambda i: (0, 0)),
            pl.BlockSpec((128, DOUT), lambda i: (0, 0)),
            pl.BlockSpec((1, DOUT), lambda i: (0, 0)),
        ],
        out_specs=pl.BlockSpec((BR, DOUT), lambda i: (i, 0)),
        out_shape=jax.ShapeDtypeStruct((NP, DOUT), jnp.float32),
    )(q, c, W1, b1.reshape(1, 128), W2, b2.reshape(1, DOUT))



def _make_sc_agg(NP, NSP, KP, pipe_cid, with_counts):
    mesh = plsc.VectorSubcoreMesh(core_axis_name="c", subcore_axis_name="s")
    out_type = [jax.ShapeDtypeStruct((NP, 128), jnp.float32)]
    if with_counts:
        out_type.append(jax.ShapeDtypeStruct((NP, 128), jnp.float32))
    scratch = [
        pltpu.VMEM((KP, CH), jnp.int32),
        pltpu.VMEM((2, CH), jnp.int32),
        pltpu.VMEM((2, CH, 128), jnp.float32),
        pltpu.VMEM_SHARED((NSP, 128), jnp.float32),
        pltpu.SemaphoreType.DMA,
        pltpu.SemaphoreType.DMA,
    ]
    RPT = NSP // NS
    KH = KP // 2

    def body(*refs):
        if with_counts:
            (h_hbm, src_hbm, dst_hbm, inita_hbm, initc_hbm, ones_hbm,
             agg_out, cnt_out,
             src_v, dstb_v, rows_v, accum_sh, sem0, sem1) = refs
        else:
            (h_hbm, src_hbm, dst_hbm, inita_hbm, agg_out,
             src_v, dstb_v, rows_v, accum_sh, sem0, sem1) = refs
        cid = lax.axis_index("c")
        sid = lax.axis_index("s")
        r0 = sid * RPT

        @pl.when(cid == pipe_cid)
        def _init_fast():
            pltpu.sync_copy(inita_hbm.at[pl.ds(r0, RPT)],
                            accum_sh.at[pl.ds(r0, RPT)])
            pltpu.sync_copy(src_hbm.at[sid], src_v)

        if with_counts:
            @pl.when(cid != pipe_cid)
            def _init_slow():
                pltpu.sync_copy(initc_hbm.at[pl.ds(r0, RPT)],
                                accum_sh.at[pl.ds(r0, RPT)])
                pltpu.sync_copy(ones_hbm, rows_v.at[0])
                pltpu.sync_copy(dst_hbm.at[sid], src_v)
        plsc.subcore_barrier()

        def issue(j, slot, sem):
            pltpu.async_copy(dst_hbm.at[sid, j], dstb_v.at[slot], sem)
            pltpu.async_copy(h_hbm.at[src_v.at[j]], rows_v.at[slot], sem)

        def wait(slot, sem):
            pltpu.make_async_copy(dst_hbm.at[sid, 0],
                                  dstb_v.at[slot], sem).wait()
            pltpu.make_async_copy(inita_hbm.at[pl.ds(0, CH)],
                                  rows_v.at[slot], sem).wait()

        @pl.when(cid == pipe_cid)
        def _fast():
            issue(0, 0, sem0)
            issue(1, 1, sem1)

            def step(t, carry):
                wait(0, sem0)
                pltpu.sync_copy(rows_v.at[0],
                                accum_sh.at[dstb_v.at[0]], add=True)

                @pl.when(t < KH - 1)
                def _():
                    issue(2 * t + 2, 0, sem0)

                wait(1, sem1)
                pltpu.sync_copy(rows_v.at[1],
                                accum_sh.at[dstb_v.at[1]], add=True)

                @pl.when(t < KH - 1)
                def _():
                    issue(2 * t + 3, 1, sem1)

                return carry

            lax.fori_loop(0, KH, step, 0)

        if with_counts:
            @pl.when(cid != pipe_cid)
            def _slow():
                def cstep(j, carry):
                    pltpu.sync_copy(rows_v.at[0],
                                    accum_sh.at[src_v.at[j]], add=True)
                    return carry

                lax.fori_loop(0, KP, cstep, 0)

        plsc.subcore_barrier()

        @pl.when(cid == pipe_cid)
        def _wb_agg():
            pltpu.sync_copy(accum_sh.at[pl.ds(r0, RPT)],
                            agg_out.at[pl.ds(r0, RPT)])

        if with_counts:
            @pl.when(cid != pipe_cid)
            def _wb_cnt():
                pltpu.sync_copy(accum_sh.at[pl.ds(r0, RPT)],
                                cnt_out.at[pl.ds(r0, RPT)])

    return pl.kernel(body, out_type=out_type, mesh=mesh, scratch_types=scratch)



_PIPE_CID = 0
_KP = 80
_NCALL = 2


def kernel(x, edge_index, batch, W0, b0, W1, b1, Wp1, bp1, Wp2, bp2):
    N, D = x.shape
    DOUT = Wp2.shape[1]
    E = edge_index.shape[1]
    BR = 1280
    NP = ((N + 16 + BR - 1) // BR) * BR
    NSP = ((N + 16 + 8 * NS - 1) // (8 * NS)) * (8 * NS)
    KP, NCALL = _KP, _NCALL
    assert NS * KP * NCALL * CH >= E
    EP = NS * KP * NCALL * CH

    src = edge_index[0].astype(jnp.int32)
    dst = edge_index[1].astype(jnp.int32)
    src_p = jnp.concatenate([src, jnp.zeros((EP - E,), jnp.int32)])
    dst_p = jnp.concatenate([dst, jnp.full((EP - E,), N, jnp.int32)])
    srcC = src_p.reshape(NCALL, NS, KP, CH)
    dstC = dst_p.reshape(NCALL, NS, KP, CH)

    xp = jnp.pad(x, ((0, NP - N), (0, 0)))
    z128 = jnp.zeros((NP, 128), jnp.float32)
    ones128 = jnp.zeros((CH, 128), jnp.float32).at[:, 0].set(1.0)

    sc_cnt = _make_sc_agg(NP, NSP, KP, _PIPE_CID, with_counts=True)
    sc_plain = _make_sc_agg(NP, NSP, KP, _PIPE_CID, with_counts=False)

    h0 = _tc_lin_norm(xp, W0, b0, NP, BR)
    p0, c0 = z128, z128
    for i in range(NCALL):
        p0, c0 = sc_cnt(h0, srcC[i], dstC[i], p0, c0, ones128)
    h1 = _tc_combine_lin_norm(p0, c0, W1, b1, NP, BR)
    p1 = z128
    for i in range(NCALL):
        (p1,) = sc_plain(h1, srcC[i], dstC[i], p1)
    out = _tc_post(p1, c0, Wp1, bp1, Wp2, bp2, NP, BR, DOUT)
    return out[:N]

# --- scband reference (transcript-rebuilt; emitter-appended) ---
"""Pipeline reference for scband-gnnstack-8581344657723 (READ-ONLY COPY).

The authoritative reference and input builder live on the scoring server;
editing this copy changes nothing except your own understanding.
"""

import jax, jax.numpy as jnp
import numpy as np

N_NODES = 10000
N_EDGES = 320000
D_IN = 128
D_HID = 128
D_OUT = 40


def setup_inputs(seed: int = 0) -> dict:
    key = jax.random.key(seed)
    ks = [jax.random.fold_in(key, i) for i in range(12)]
    x = jax.random.normal(ks[0], (N_NODES, D_IN), dtype=jnp.float32)
    edge_index = jax.random.randint(ks[1], (2, N_EDGES), 0, N_NODES, dtype=jnp.int64)
    batch = jnp.zeros((N_NODES,), dtype=jnp.int64)
    s_in = 1.0 / np.sqrt(D_IN)
    s_hid = 1.0 / np.sqrt(D_HID)
    W0 = jax.random.uniform(ks[2], (D_IN, D_HID), jnp.float32, -s_in, s_in)
    b0 = jax.random.uniform(ks[3], (D_HID,), jnp.float32, -s_in, s_in)
    W1 = jax.random.uniform(ks[4], (D_HID, D_HID), jnp.float32, -s_hid, s_hid)
    b1 = jax.random.uniform(ks[5], (D_HID,), jnp.float32, -s_hid, s_hid)
    Wp1 = jax.random.uniform(ks[6], (D_HID, D_HID), jnp.float32, -s_hid, s_hid)
    bp1 = jax.random.uniform(ks[7], (D_HID,), jnp.float32, -s_hid, s_hid)
    Wp2 = jax.random.uniform(ks[8], (D_HID, D_OUT), jnp.float32, -s_hid, s_hid)
    bp2 = jax.random.uniform(ks[9], (D_OUT,), jnp.float32, -s_hid, s_hid)
    return {"x": x, "edge_index": edge_index, "batch": batch,
            "W0": W0, "b0": b0, "W1": W1, "b1": b1,
            "Wp1": Wp1, "bp1": bp1, "Wp2": Wp2, "bp2": bp2}


def _sage_layer(x, W, b, edge_index):
    # GraphSage: linear -> L2 normalize -> mean aggregation over incoming edges
    h = x @ W + b
    norm = jnp.sqrt(jnp.sum(h * h, axis=1, keepdims=True))
    h = h / jnp.maximum(norm, 1e-12)  # F.normalize(x) row-wise L2, eps=1e-12
    src = edge_index[0]
    dst = edge_index[1]
    msg = jnp.take(h, src, axis=0)  # gather x_j (source features)
    summed = jax.ops.segment_sum(msg, dst, num_segments=x.shape[0])
    cnt = jax.ops.segment_sum(jnp.ones((edge_index.shape[1],), dtype=h.dtype), dst,
                              num_segments=x.shape[0])
    out = summed / jnp.maximum(cnt, 1.0)[:, None]  # mean aggr; isolated nodes -> 0
    return out


def reference(x, edge_index, batch, W0, b0, W1, b1, Wp1, bp1, Wp2, bp2):
    # GNNStack.forward (dropout p=0.0 -> identity)
    h = _sage_layer(x, W0, b0, edge_index)
    h = jax.nn.relu(h)
    h = _sage_layer(h, W1, b1, edge_index)
    h = jax.nn.relu(h)
    # post_mp: Linear -> Dropout(0.0) -> Linear
    h = h @ Wp1 + bp1
    h = h @ Wp2 + bp2
    return jax.nn.log_softmax(h, axis=1)

if __name__ == "__main__":
    import jax
    _d = setup_inputs()
    print(jax.jit(kernel)(*tuple(_d.values())))

</pallas_src>

<mosaic_0001>
#map = affine_map<(d0, d1) -> (0, 0)>
#map1 = affine_map<(d0, d1) -> (0, 0, 0)>
module attributes {stable_mosaic.version = 14 : i64} {
  func.func @body(%arg0: i32, %arg1: i32, %arg2: memref<10240x128xf32, #tpu.memory_space<hbm>>, %arg3: memref<16x80x128xi32, #tpu.memory_space<hbm>>, %arg4: memref<16x80x128xi32, #tpu.memory_space<hbm>>, %arg5: memref<10240x128xf32, #tpu.memory_space<hbm>>, %arg6: memref<10240x128xf32, #tpu.memory_space<hbm>>, %arg7: memref<128x128xf32, #tpu.memory_space<hbm>>, %arg8: memref<10240x128xf32, #tpu.memory_space<hbm>>, %arg9: memref<10240x128xf32, #tpu.memory_space<hbm>>, %arg10: memref<80x128xi32, #tpu.memory_space<vmem>>, %arg11: memref<2x128xi32, #tpu.memory_space<vmem>>, %arg12: memref<2x128x128xf32, #tpu.memory_space<vmem>>, %arg13: memref<10112x128xf32, #tpu.memory_space<vmem_shared>>, %arg14: memref<!tpu.dma_semaphore, #tpu.memory_space<semaphore_mem>>, %arg15: memref<!tpu.dma_semaphore, #tpu.memory_space<semaphore_mem>>) attributes {dimension_semantics = [#tpu.dimension_semantics<core_parallel>, #tpu.dimension_semantics<subcore_parallel>], iteration_bounds = array<i64: 2, 16>, scalar_prefetch = 0 : i64, scratch_operands = 6 : i64, tpu.core_type = #tpu.core_type<sc_vector_subcore>, window_params = [{transform_indices = #map}, {transform_indices = #map1}, {transform_indices = #map1}, {transform_indices = #map}, {transform_indices = #map}, {transform_indices = #map}, {transform_indices = #map}, {transform_indices = #map}]} {
    %mul3A = arith.constant 632 : i32
    %mul3A_0 = arith.muli %arg1, %mul3A : i32
    %eq3A = arith.constant 0 : i32
    %eq3A_1 = arith.cmpi eq, %arg0, %eq3A : i32
    %convert_element_type3A = arith.extui %eq3A_1 : i1 to i32
    %cond3A = arith.constant 0 : i32
    %cond3A_2 = arith.cmpi ne, %convert_element_type3A, %cond3A : i32
    scf.if %cond3A_2 {
      "tpu.region"() ({
        %run_scoped3A = tpu.sem_alloc : memref<!tpu.dma_semaphore, #tpu.memory_space<semaphore_mem>>
        %dma_start3A = arith.constant 0 : i32
        %dma_start3A_28 = tpu.memref_slice %arg13[%mul3A_0, %dma_start3A] : memref<10112x128xf32, #tpu.memory_space<vmem_shared>> -> memref<632x128xf32, #tpu.memory_space<vmem_shared>>
        %dma_start3A_29 = arith.constant 0 : i32
        %dma_start3A_30 = tpu.memref_slice %arg5[%mul3A_0, %dma_start3A_29] : memref<10240x128xf32, #tpu.memory_space<hbm>> -> memref<632x128xf32, #tpu.memory_space<hbm>>
        tpu.enqueue_dma source(%dma_start3A_30 : memref<632x128xf32, #tpu.memory_space<hbm>>) target(%dma_start3A_28 : memref<632x128xf32, #tpu.memory_space<vmem_shared>>) target_semaphore(%run_scoped3A : memref<!tpu.dma_semaphore, #tpu.memory_space<semaphore_mem>>)
        %dma_wait3A = arith.constant 0 : i32
        %dma_wait3A_31 = tpu.memref_slice %arg13[%mul3A_0, %dma_wait3A] : memref<10112x128xf32, #tpu.memory_space<vmem_shared>> -> memref<632x128xf32, #tpu.memory_space<vmem_shared>>
        %dma_wait3A_32 = arith.constant 0 : i32
        %dma_wait3A_33 = tpu.memref_slice %arg5[%mul3A_0, %dma_wait3A_32] : memref<10240x128xf32, #tpu.memory_space<hbm>> -> memref<632x128xf32, #tpu.memory_space<hbm>>
        tpu.wait_dma2 semaphore(%run_scoped3A : memref<!tpu.dma_semaphore, #tpu.memory_space<semaphore_mem>>) src(%dma_wait3A_33 : memref<632x128xf32, #tpu.memory_space<hbm>>) dst(%dma_wait3A_31 : memref<632x128xf32, #tpu.memory_space<vmem_shared>>)
        tpu.yield
      }) : () -> ()
      "tpu.region"() ({
        %run_scoped3A = tpu.sem_alloc : memref<!tpu.dma_semaphore, #tpu.memory_space<semaphore_mem>>
        %dma_start3A = arith.constant 0 : i32
        %dma_start3A_28 = arith.constant 0 : i32
        %dma_start3A_29 = tpu.memref_slice %arg3[%arg1, %dma_start3A, %dma_start3A_28] : memref<16x80x128xi32, #tpu.memory_space<hbm>> -> memref<1x80x128xi32, #tpu.memory_space<hbm>>
        %dma_start3A_30 = tpu.memref_squeeze %dma_start3A_29 : memref<1x80x128xi32, #tpu.memory_space<hbm>> -> memref<80x128xi32, #tpu.memory_space<hbm>>
        %dma_start3A_31 = arith.constant 0 : i32
        %dma_start3A_32 = arith.constant 0 : i32
        %dma_start3A_33 = tpu.memref_slice %arg3[%arg1, %dma_start3A_31, %dma_start3A_32] : memref<16x80x128xi32, #tpu.memory_space<hbm>> -> memref<1x80x128xi32, #tpu.memory_space<hbm>>
        %dma_start3A_34 = tpu.memref_squeeze %dma_start3A_33 : memref<1x80x128xi32, #tpu.memory_space<hbm>> -> memref<80x128xi32, #tpu.memory_space<hbm>>
        tpu.enqueue_dma source(%dma_start3A_34 : memref<80x128xi32, #tpu.memory_space<hbm>>) target(%arg10 : memref<80x128xi32, #tpu.memory_space<vmem>>) target_semaphore(%run_scoped3A : memref<!tpu.dma_semaphore, #tpu.memory_space<semaphore_mem>>)
        %dma_wait3A = arith.constant 0 : i32
        %dma_wait3A_35 = arith.constant 0 : i32
        %dma_wait3A_36 = tpu.memref_slice %arg3[%arg1, %dma_wait3A, %dma_wait3A_35] : memref<16x80x128xi32, #tpu.memory_space<hbm>> -> memref<1x80x128xi32, #tpu.memory_space<hbm>>
        %dma_wait3A_37 = tpu.memref_squeeze %dma_wait3A_36 : memref<1x80x128xi32, #tpu.memory_space<hbm>> -> memref<80x128xi32, #tpu.memory_space<hbm>>
        %dma_wait3A_38 = arith.constant 0 : i32
        %dma_wait3A_39 = arith.constant 0 : i32
        %dma_wait3A_40 = tpu.memref_slice %arg3[%arg1, %dma_wait3A_38, %dma_wait3A_39] : memref<16x80x128xi32, #tpu.memory_space<hbm>> -> memref<1x80x128xi32, #tpu.memory_space<hbm>>
        %dma_wait3A_41 = tpu.memref_squeeze %dma_wait3A_40 : memref<1x80x128xi32, #tpu.memory_space<hbm>> -> memref<80x128xi32, #tpu.memory_space<hbm>>
        tpu.wait_dma2 semaphore(%run_scoped3A : memref<!tpu.dma_semaphore, #tpu.memory_space<semaphore_mem>>) src(%dma_wait3A_41 : memref<80x128xi32, #tpu.memory_space<hbm>>) dst(%arg10 : memref<80x128xi32, #tpu.memory_space<vmem>>)
        tpu.yield
      }) : () -> ()
    } else {
    }
    %ne3A = arith.constant 0 : i32
    %ne3A_3 = arith.cmpi ne, %arg0, %ne3A : i32
    %convert_element_type3A_4 = arith.extui %ne3A_3 : i1 to i32
    %cond3A_5 = arith.constant 0 : i32
    %cond3A_6 = arith.cmpi ne, %convert_element_type3A_4, %cond3A_5 : i32
    scf.if %cond3A_6 {
      "tpu.region"() ({
        %run_scoped3A_28 = tpu.sem_alloc : memref<!tpu.dma_semaphore, #tpu.memory_space<semaphore_mem>>
        %dma_start3A = arith.constant 0 : i32
        %dma_start3A_29 = tpu.memref_slice %arg13[%mul3A_0, %dma_start3A] : memref<10112x128xf32, #tpu.memory_space<vmem_shared>> -> memref<632x128xf32, #tpu.memory_space<vmem_shared>>
        %dma_start3A_30 = arith.constant 0 : i32
        %dma_start3A_31 = tpu.memref_slice %arg6[%mul3A_0, %dma_start3A_30] : memref<10240x128xf32, #tpu.memory_space<hbm>> -> memref<632x128xf32, #tpu.memory_space<hbm>>
        tpu.enqueue_dma source(%dma_start3A_31 : memref<632x128xf32, #tpu.memory_space<hbm>>) target(%dma_start3A_29 : memref<632x128xf32, #tpu.memory_space<vmem_shared>>) target_semaphore(%run_scoped3A_28 : memref<!tpu.dma_semaphore, #tpu.memory_space<semaphore_mem>>)
        %dma_wait3A = arith.constant 0 : i32
        %dma_wait3A_32 = tpu.memref_slice %arg13[%mul3A_0, %dma_wait3A] : memref<10112x128xf32, #tpu.memory_space<vmem_shared>> -> memref<632x128xf32, #tpu.memory_space<vmem_shared>>
        %dma_wait3A_33 = arith.constant 0 : i32
        %dma_wait3A_34 = tpu.memref_slice %arg6[%mul3A_0, %dma_wait3A_33] : memref<10240x128xf32, #tpu.memory_space<hbm>> -> memref<632x128xf32, #tpu.memory_space<hbm>>
        tpu.wait_dma2 semaphore(%run_scoped3A_28 : memref<!tpu.dma_semaphore, #tpu.memory_space<semaphore_mem>>) src(%dma_wait3A_34 : memref<632x128xf32, #tpu.memory_space<hbm>>) dst(%dma_wait3A_32 : memref<632x128xf32, #tpu.memory_space<vmem_shared>>)
        tpu.yield
      }) : () -> ()
      %run_scoped3A = arith.constant 0 : i32
      "tpu.region"() ({
        %run_scoped3A_28 = tpu.sem_alloc : memref<!tpu.dma_semaphore, #tpu.memory_space<semaphore_mem>>
        %dma_start3A = arith.constant 0 : i32
        %dma_start3A_29 = arith.constant 0 : i32
        %dma_start3A_30 = tpu.memref_slice %arg12[%run_scoped3A, %dma_start3A, %dma_start3A_29] : memref<2x128x128xf32, #tpu.memory_space<vmem>> -> memref<1x128x128xf32, #tpu.memory_space<vmem>>
        %dma_start3A_31 = tpu.memref_squeeze %dma_start3A_30 : memref<1x128x128xf32, #tpu.memory_space<vmem>> -> memref<128x128xf32, #tpu.memory_space<vmem>>
        %dma_start3A_32 = arith.constant 0 : i32
        %dma_start3A_33 = arith.constant 0 : i32
        %dma_start3A_34 = tpu.memref_slice %arg12[%run_scoped3A, %dma_start3A_32, %dma_start3A_33] : memref<2x128x128xf32, #tpu.memory_space<vmem>> -> memref<1x128x128xf32, #tpu.memory_space<vmem>>
        %dma_start3A_35 = tpu.memref_squeeze %dma_start3A_34 : memref<1x128x128xf32, #tpu.memory_space<vmem>> -> memref<128x128xf32, #tpu.memory_space<vmem>>
        tpu.enqueue_dma source(%arg7 : memref<128x128xf32, #tpu.memory_space<hbm>>) target(%dma_start3A_35 : memref<128x128xf32, #tpu.memory_space<vmem>>) target_semaphore(%run_scoped3A_28 : memref<!tpu.dma_semaphore, #tpu.memory_space<semaphore_mem>>)
        %dma_wait3A = arith.constant 0 : i32
        %dma_wait3A_36 = arith.constant 0 : i32
        %dma_wait3A_37 = tpu.memref_slice %arg12[%run_scoped3A, %dma_wait3A, %dma_wait3A_36] : memref<2x128x128xf32, #tpu.memory_space<vmem>> -> memref<1x128x128xf32, #tpu.memory_space<vmem>>
        %dma_wait3A_38 = tpu.memref_squeeze %dma_wait3A_37 : memref<1x128x128xf32, #tpu.memory_space<vmem>> -> memref<128x128xf32, #tpu.memory_space<vmem>>
        %dma_wait3A_39 = arith.constant 0 : i32
        %dma_wait3A_40 = arith.constant 0 : i32
        %dma_wait3A_41 = tpu.memref_slice %arg12[%run_scoped3A, %dma_wait3A_39, %dma_wait3A_40] : memref<2x128x128xf32, #tpu.memory_space<vmem>> -> memref<1x128x128xf32, #tpu.memory_space<vmem>>
        %dma_wait3A_42 = tpu.memref_squeeze %dma_wait3A_41 : memref<1x128x128xf32, #tpu.memory_space<vmem>> -> memref<128x128xf32, #tpu.memory_space<vmem>>
        tpu.wait_dma2 semaphore(%run_scoped3A_28 : memref<!tpu.dma_semaphore, #tpu.memory_space<semaphore_mem>>) src(%arg7 : memref<128x128xf32, #tpu.memory_space<hbm>>) dst(%dma_wait3A_42 : memref<128x128xf32, #tpu.memory_space<vmem>>)
        tpu.yield
      }) : () -> ()
      "tpu.region"() ({
        %run_scoped3A_28 = tpu.sem_alloc : memref<!tpu.dma_semaphore, #tpu.memory_space<semaphore_mem>>
        %dma_start3A = arith.constant 0 : i32
        %dma_start3A_29 = arith.constant 0 : i32
        %dma_start3A_30 = tpu.memref_slice %arg4[%arg1, %dma_start3A, %dma_start3A_29] : memref<16x80x128xi32, #tpu.memory_space<hbm>> -> memref<1x80x128xi32, #tpu.memory_space<hbm>>
        %dma_start3A_31 = tpu.memref_squeeze %dma_start3A_30 : memref<1x80x128xi32, #tpu.memory_space<hbm>> -> memref<80x128xi32, #tpu.memory_space<hbm>>
        %dma_start3A_32 = arith.constant 0 : i32
        %dma_start3A_33 = arith.constant 0 : i32
        %dma_start3A_34 = tpu.memref_slice %arg4[%arg1, %dma_start3A_32, %dma_start3A_33] : memref<16x80x128xi32, #tpu.memory_space<hbm>> -> memref<1x80x128xi32, #tpu.memory_space<hbm>>
        %dma_start3A_35 = tpu.memref_squeeze %dma_start3A_34 : memref<1x80x128xi32, #tpu.memory_space<hbm>> -> memref<80x128xi32, #tpu.memory_space<hbm>>
        tpu.enqueue_dma source(%dma_start3A_35 : memref<80x128xi32, #tpu.memory_space<hbm>>) target(%arg10 : memref<80x128xi32, #tpu.memory_space<vmem>>) target_semaphore(%run_scoped3A_28 : memref<!tpu.dma_semaphore, #tpu.memory_space<semaphore_mem>>)
        %dma_wait3A = arith.constant 0 : i32
        %dma_wait3A_36 = arith.constant 0 : i32
        %dma_wait3A_37 = tpu.memref_slice %arg4[%arg1, %dma_wait3A, %dma_wait3A_36] : memref<16x80x128xi32, #tpu.memory_space<hbm>> -> memref<1x80x128xi32, #tpu.memory_space<hbm>>
        %dma_wait3A_38 = tpu.memref_squeeze %dma_wait3A_37 : memref<1x80x128xi32, #tpu.memory_space<hbm>> -> memref<80x128xi32, #tpu.memory_space<hbm>>
        %dma_wait3A_39 = arith.constant 0 : i32
        %dma_wait3A_40 = arith.constant 0 : i32
        %dma_wait3A_41 = tpu.memref_slice %arg4[%arg1, %dma_wait3A_39, %dma_wait3A_40] : memref<16x80x128xi32, #tpu.memory_space<hbm>> -> memref<1x80x128xi32, #tpu.memory_space<hbm>>
        %dma_wait3A_42 = tpu.memref_squeeze %dma_wait3A_41 : memref<1x80x128xi32, #tpu.memory_space<hbm>> -> memref<80x128xi32, #tpu.memory_space<hbm>>
        tpu.wait_dma2 semaphore(%run_scoped3A_28 : memref<!tpu.dma_semaphore, #tpu.memory_space<semaphore_mem>>) src(%dma_wait3A_42 : memref<80x128xi32, #tpu.memory_space<hbm>>) dst(%arg10 : memref<80x128xi32, #tpu.memory_space<vmem>>)
        tpu.yield
      }) : () -> ()
    } else {
    }
    %barrier3A = arith.constant 0 : index
    tpu.barrier barrier_id(%barrier3A)
    %eq3A_7 = arith.constant 0 : i32
    %eq3A_8 = arith.cmpi eq, %arg0, %eq3A_7 : i32
    %convert_element_type3A_9 = arith.extui %eq3A_8 : i1 to i32
    %cond3A_10 = arith.constant 0 : i32
    %cond3A_11 = arith.cmpi ne, %convert_element_type3A_9, %cond3A_10 : i32
    scf.if %cond3A_11 {
      %dma_start3A = arith.constant 0 : i32
      %dma_start3A_28 = arith.constant 0 : i32
      %dma_start3A_29 = arith.constant 0 : i32
      %dma_start3A_30 = tpu.memref_slice %arg11[%dma_start3A_28, %dma_start3A_29] : memref<2x128xi32, #tpu.memory_space<vmem>> -> memref<1x128xi32, #tpu.memory_space<vmem>>
      %dma_start3A_31 = tpu.memref_squeeze %dma_start3A_30 : memref<1x128xi32, #tpu.memory_space<vmem>> -> memref<128xi32, #tpu.memory_space<vmem>>
      %dma_start3A_32 = arith.constant 0 : i32
      %dma_start3A_33 = tpu.memref_slice %arg4[%arg1, %dma_start3A, %dma_start3A_32] : memref<16x80x128xi32, #tpu.memory_space<hbm>> -> memref<1x1x128xi32, #tpu.memory_space<hbm>>
      %dma_start3A_34 = tpu.memref_squeeze %dma_start3A_33 : memref<1x1x128xi32, #tpu.memory_space<hbm>> -> memref<128xi32, #tpu.memory_space<hbm>>
      %dma_start3A_35 = arith.constant 0 : i32
      %dma_start3A_36 = tpu.memref_slice %arg11[%dma_start3A_28, %dma_start3A_35] : memref<2x128xi32, #tpu.memory_space<vmem>> -> memref<1x128xi32, #tpu.memory_space<vmem>>
      %dma_start3A_37 = tpu.memref_squeeze %dma_start3A_36 : memref<1x128xi32, #tpu.memory_space<vmem>> -> memref<128xi32, #tpu.memory_space<vmem>>
      %dma_start3A_38 = arith.constant 0 : i32
      %dma_start3A_39 = tpu.memref_slice %arg4[%arg1, %dma_start3A, %dma_start3A_38] : memref<16x80x128xi32, #tpu.memory_space<hbm>> -> memref<1x1x128xi32, #tpu.memory_space<hbm>>
      %dma_start3A_40 = tpu.memref_squeeze %dma_start3A_39 : memref<1x1x128xi32, #tpu.memory_space<hbm>> -> memref<128xi32, #tpu.memory_space<hbm>>
      tpu.enqueue_dma source(%dma_start3A_40 : memref<128xi32, #tpu.memory_space<hbm>>) target(%dma_start3A_37 : memref<128xi32, #tpu.memory_space<vmem>>) target_semaphore(%arg14 : memref<!tpu.dma_semaphore, #tpu.memory_space<semaphore_mem>>)
      %dma_start3A_41 = arith.constant 0 : i32
      %dma_start3A_42 = arith.constant 0 : i32
      %dma_start3A_43 = arith.constant 0 : i32
      %dma_start3A_44 = arith.constant 0 : i32
      %dma_start3A_45 = tpu.memref_slice %arg12[%dma_start3A_42, %dma_start3A_43, %dma_start3A_44] : memref<2x128x128xf32, #tpu.memory_space<vmem>> -> memref<1x128x128xf32, #tpu.memory_space<vmem>>
      %dma_start3A_46 = tpu.memref_squeeze %dma_start3A_45 : memref<1x128x128xf32, #tpu.memory_space<vmem>> -> memref<128x128xf32, #tpu.memory_space<vmem>>
      %dma_start3A_47 = arith.constant 0 : i32
      %dma_start3A_48 = tpu.memref_slice %arg10[%dma_start3A_41, %dma_start3A_47] : memref<80x128xi32, #tpu.memory_space<vmem>> -> memref<1x128xi32, #tpu.memory_space<vmem>>
      %dma_start3A_49 = tpu.memref_squeeze %dma_start3A_48 : memref<1x128xi32, #tpu.memory_space<vmem>> -> memref<128xi32, #tpu.memory_space<vmem>>
      %dma_start3A_50 = arith.constant 0 : i32
      %dma_start3A_51 = arith.constant 0 : i32
      %dma_start3A_52 = tpu.memref_slice %arg2[%dma_start3A_50, %dma_start3A_51] : memref<10240x128xf32, #tpu.memory_space<hbm>> -> memref<10240x128xf32, #tpu.memory_space<hbm>>
      tpu.enqueue_indirect_dma source(%dma_start3A_52 : memref<10240x128xf32, #tpu.memory_space<hbm>>) target(%dma_start3A_46 : memref<128x128xf32, #tpu.memory_space<vmem>>) offsets(%dma_start3A_49 : memref<128xi32, #tpu.memory_space<vmem>>) semaphore(%arg14 : memref<!tpu.dma_semaphore, #tpu.memory_space<semaphore_mem>>)
      %dma_start3A_53 = arith.constant 1 : i32
      %dma_start3A_54 = arith.constant 1 : i32
      %dma_start3A_55 = arith.constant 0 : i32
      %dma_start3A_56 = tpu.memref_slice %arg11[%dma_start3A_54, %dma_start3A_55] : memref<2x128xi32, #tpu.memory_space<vmem>> -> memref<1x128xi32, #tpu.memory_space<vmem>>
      %dma_start3A_57 = tpu.memref_squeeze %dma_start3A_56 : memref<1x128xi32, #tpu.memory_space<vmem>> -> memref<128xi32, #tpu.memory_space<vmem>>
      %dma_start3A_58 = arith.constant 0 : i32
      %dma_start3A_59 = tpu.memref_slice %arg4[%arg1, %dma_start3A_53, %dma_start3A_58] : memref<16x80x128xi32, #tpu.memory_space<hbm>> -> memref<1x1x128xi32, #tpu.memory_space<hbm>>
      %dma_start3A_60 = tpu.memref_squeeze %dma_start3A_59 : memref<1x1x128xi32, #tpu.memory_space<hbm>> -> memref<128xi32, #tpu.memory_space<hbm>>
      %dma_start3A_61 = arith.constant 0 : i32
      %dma_start3A_62 = tpu.memref_slice %arg11[%dma_start3A_54, %dma_start3A_61] : memref<2x128xi32, #tpu.memory_space<vmem>> -> memref<1x128xi32, #tpu.memory_space<vmem>>
      %dma_start3A_63 = tpu.memref_squeeze %dma_start3A_62 : memref<1x128xi32, #tpu.memory_space<vmem>> -> memref<128xi32, #tpu.memory_space<vmem>>
      %dma_start3A_64 = arith.constant 0 : i32
      %dma_start3A_65 = tpu.memref_slice %arg4[%arg1, %dma_start3A_53, %dma_start3A_64] : memref<16x80x128xi32, #tpu.memory_space<hbm>> -> memref<1x1x128xi32, #tpu.memory_space<hbm>>
      %dma_start3A_66 = tpu.memref_squeeze %dma_start3A_65 : memref<1x1x128xi32, #tpu.memory_space<hbm>> -> memref<128xi32, #tpu.memory_space<hbm>>
      tpu.enqueue_dma source(%dma_start3A_66 : memref<128xi32, #tpu.memory_space<hbm>>) target(%dma_start3A_63 : memref<128xi32, #tpu.memory_space<vmem>>) target_semaphore(%arg15 : memref<!tpu.dma_semaphore, #tpu.memory_space<semaphore_mem>>)
      %dma_start3A_67 = arith.constant 1 : i32
      %dma_start3A_68 = arith.constant 1 : i32
      %dma_start3A_69 = arith.constant 0 : i32
      %dma_start3A_70 = arith.constant 0 : i32
      %dma_start3A_71 = tpu.memref_slice %arg12[%dma_start3A_68, %dma_start3A_69, %dma_start3A_70] : memref<2x128x128xf32, #tpu.memory_space<vmem>> -> memref<1x128x128xf32, #tpu.memory_space<vmem>>
      %dma_start3A_72 = tpu.memref_squeeze %dma_start3A_71 : memref<1x128x128xf32, #tpu.memory_space<vmem>> -> memref<128x128xf32, #tpu.memory_space<vmem>>
      %dma_start3A_73 = arith.constant 0 : i32
      %dma_start3A_74 = tpu.memref_slice %arg10[%dma_start3A_67, %dma_start3A_73] : memref<80x128xi32, #tpu.memory_space<vmem>> -> memref<1x128xi32, #tpu.memory_space<vmem>>
      %dma_start3A_75 = tpu.memref_squeeze %dma_start3A_74 : memref<1x128xi32, #tpu.memory_space<vmem>> -> memref<128xi32, #tpu.memory_space<vmem>>
      %dma_start3A_76 = arith.constant 0 : i32
      %dma_start3A_77 = arith.constant 0 : i32
      %dma_start3A_78 = tpu.memref_slice %arg2[%dma_start3A_76, %dma_start3A_77] : memref<10240x128xf32, #tpu.memory_space<hbm>> -> memref<10240x128xf32, #tpu.memory_space<hbm>>
      tpu.enqueue_indirect_dma source(%dma_start3A_78 : memref<10240x128xf32, #tpu.memory_space<hbm>>) target(%dma_start3A_72 : memref<128x128xf32, #tpu.memory_space<vmem>>) offsets(%dma_start3A_75 : memref<128xi32, #tpu.memory_space<vmem>>) semaphore(%arg15 : memref<!tpu.dma_semaphore, #tpu.memory_space<semaphore_mem>>)
      %scan3A = arith.constant 0 : i32
      %scan3A_79 = arith.constant 0 : i32
      %scan3A_80 = arith.constant 40 : i32
      %scan3A_81 = arith.addi %scan3A_79, %scan3A_80 : i32
      %scan3A_82 = arith.constant 1 : i32
      scf.for %scan3A_84 = %scan3A_79 to %scan3A_81 step %scan3A_82  : i32 {
        %dma_wait3A = arith.constant 0 : i32
        %dma_wait3A_85 = arith.constant 0 : i32
        %dma_wait3A_86 = arith.constant 0 : i32
        %dma_wait3A_87 = tpu.memref_slice %arg11[%dma_wait3A_85, %dma_wait3A_86] : memref<2x128xi32, #tpu.memory_space<vmem>> -> memref<1x128xi32, #tpu.memory_space<vmem>>
        %dma_wait3A_88 = tpu.memref_squeeze %dma_wait3A_87 : memref<1x128xi32, #tpu.memory_space<vmem>> -> memref<128xi32, #tpu.memory_space<vmem>>
        %dma_wait3A_89 = arith.constant 0 : i32
        %dma_wait3A_90 = tpu.memref_slice %arg4[%arg1, %dma_wait3A, %dma_wait3A_89] : memref<16x80x128xi32, #tpu.memory_space<hbm>> -> memref<1x1x128xi32, #tpu.memory_space<hbm>>
        %dma_wait3A_91 = tpu.memref_squeeze %dma_wait3A_90 : memref<1x1x128xi32, #tpu.memory_space<hbm>> -> memref<128xi32, #tpu.memory_space<hbm>>
        %dma_wait3A_92 = arith.constant 0 : i32
        %dma_wait3A_93 = tpu.memref_slice %arg11[%dma_wait3A_85, %dma_wait3A_92] : memref<2x128xi32, #tpu.memory_space<vmem>> -> memref<1x128xi32, #tpu.memory_space<vmem>>
        %dma_wait3A_94 = tpu.memref_squeeze %dma_wait3A_93 : memref<1x128xi32, #tpu.memory_space<vmem>> -> memref<128xi32, #tpu.memory_space<vmem>>
        %dma_wait3A_95 = arith.constant 0 : i32
        %dma_wait3A_96 = tpu.memref_slice %arg4[%arg1, %dma_wait3A, %dma_wait3A_95] : memref<16x80x128xi32, #tpu.memory_space<hbm>> -> memref<1x1x128xi32, #tpu.memory_space<hbm>>
        %dma_wait3A_97 = tpu.memref_squeeze %dma_wait3A_96 : memref<1x1x128xi32, #tpu.memory_space<hbm>> -> memref<128xi32, #tpu.memory_space<hbm>>
        tpu.wait_dma2 semaphore(%arg14 : memref<!tpu.dma_semaphore, #tpu.memory_space<semaphore_mem>>) src(%dma_wait3A_97 : memref<128xi32, #tpu.memory_space<hbm>>) dst(%dma_wait3A_94 : memref<128xi32, #tpu.memory_space<vmem>>)
        %dma_wait3A_98 = arith.constant 0 : i32
        %dma_wait3A_99 = arith.constant 0 : i32
        %dma_wait3A_100 = arith.constant 0 : i32
        %dma_wait3A_101 = tpu.memref_slice %arg12[%dma_wait3A_98, %dma_wait3A_99, %dma_wait3A_100] : memref<2x128x128xf32, #tpu.memory_space<vmem>> -> memref<1x128x128xf32, #tpu.memory_space<vmem>>
        %dma_wait3A_102 = tpu.memref_squeeze %dma_wait3A_101 : memref<1x128x128xf32, #tpu.memory_space<vmem>> -> memref<128x128xf32, #tpu.memory_space<vmem>>
        %dma_wait3A_103 = arith.constant 0 : i32
        %dma_wait3A_104 = arith.constant 0 : i32
        %dma_wait3A_105 = tpu.memref_slice %arg5[%dma_wait3A_103, %dma_wait3A_104] : memref<10240x128xf32, #tpu.memory_space<hbm>> -> memref<128x128xf32, #tpu.memory_space<hbm>>
        %dma_wait3A_106 = arith.constant 0 : i32
        %dma_wait3A_107 = arith.constant 0 : i32
        %dma_wait3A_108 = tpu.memref_slice %arg12[%dma_wait3A_98, %dma_wait3A_106, %dma_wait3A_107] : memref<2x128x128xf32, #tpu.memory_space<vmem>> -> memref<1x128x128xf32, #tpu.memory_space<vmem>>
        %dma_wait3A_109 = tpu.memref_squeeze %dma_wait3A_108 : memref<1x128x128xf32, #tpu.memory_space<vmem>> -> memref<128x128xf32, #tpu.memory_space<vmem>>
        %dma_wait3A_110 = arith.constant 0 : i32
        %dma_wait3A_111 = arith.constant 0 : i32
        %dma_wait3A_112 = tpu.memref_slice %arg5[%dma_wait3A_110, %dma_wait3A_111] : memref<10240x128xf32, #tpu.memory_space<hbm>> -> memref<128x128xf32, #tpu.memory_space<hbm>>
        tpu.wait_dma2 semaphore(%arg14 : memref<!tpu.dma_semaphore, #tpu.memory_space<semaphore_mem>>) src(%dma_wait3A_112 : memref<128x128xf32, #tpu.memory_space<hbm>>) dst(%dma_wait3A_109 : memref<128x128xf32, #tpu.memory_space<vmem>>)
        %run_scoped3A = arith.constant 0 : i32
        %run_scoped3A_113 = arith.constant 0 : i32
        "tpu.region"() ({
          %run_scoped3A_154 = tpu.sem_alloc : memref<!tpu.dma_semaphore, #tpu.memory_space<semaphore_mem>>
          %dma_start3A_155 = arith.constant 0 : i32
          %dma_start3A_156 = arith.constant 0 : i32
          %dma_start3A_157 = tpu.memref_slice %arg12[%run_scoped3A, %dma_start3A_155, %dma_start3A_156] : memref<2x128x128xf32, #tpu.memory_space<vmem>> -> memref<1x128x128xf32, #tpu.memory_space<vmem>>
          %dma_start3A_158 = tpu.memref_squeeze %dma_start3A_157 : memref<1x128x128xf32, #tpu.memory_space<vmem>> -> memref<128x128xf32, #tpu.memory_space<vmem>>
          %dma_start3A_159 = arith.constant 0 : i32
          %dma_start3A_160 = tpu.memref_slice %arg11[%run_scoped3A_113, %dma_start3A_159] : memref<2x128xi32, #tpu.memory_space<vmem>> -> memref<1x128xi32, #tpu.memory_space<vmem>>
          %dma_start3A_161 = tpu.memref_squeeze %dma_start3A_160 : memref<1x128xi32, #tpu.memory_space<vmem>> -> memref<128xi32, #tpu.memory_space<vmem>>
          %dma_start3A_162 = arith.constant 0 : i32
          %dma_start3A_163 = arith.constant 0 : i32
          %dma_start3A_164 = tpu.memref_slice %arg13[%dma_start3A_162, %dma_start3A_163] : memref<10112x128xf32, #tpu.memory_space<vmem_shared>> -> memref<10112x128xf32, #tpu.memory_space<vmem_shared>>
          tpu.enqueue_indirect_dma source(%dma_start3A_158 : memref<128x128xf32, #tpu.memory_space<vmem>>) target(%dma_start3A_164 : memref<10112x128xf32, #tpu.memory_space<vmem_shared>>) offsets(%dma_start3A_161 : memref<128xi32, #tpu.memory_space<vmem>>) semaphore(%run_scoped3A_154 : memref<!tpu.dma_semaphore, #tpu.memory_space<semaphore_mem>>) {add = true}
          %dma_wait3A_165 = arith.constant 0 : i32
          %dma_wait3A_166 = arith.constant 0 : i32
          %dma_wait3A_167 = tpu.memref_slice %arg12[%run_scoped3A, %dma_wait3A_165, %dma_wait3A_166] : memref<2x128x128xf32, #tpu.memory_space<vmem>> -> memref<1x128x128xf32, #tpu.memory_space<vmem>>
          %dma_wait3A_168 = tpu.memref_squeeze %dma_wait3A_167 : memref<1x128x128xf32, #tpu.memory_space<vmem>> -> memref<128x128xf32, #tpu.memory_space<vmem>>
          %dma_wait3A_169 = arith.constant 0 : i32
          %dma_wait3A_170 = tpu.memref_slice %arg11[%run_scoped3A_113, %dma_wait3A_169] : memref<2x128xi32, #tpu.memory_space<vmem>> -> memref<1x128xi32, #tpu.memory_space<vmem>>
          %dma_wait3A_171 = tpu.memref_squeeze %dma_wait3A_170 : memref<1x128xi32, #tpu.memory_space<vmem>> -> memref<128xi32, #tpu.memory_space<vmem>>
          %dma_wait3A_172 = arith.constant 0 : i32
          %dma_wait3A_173 = arith.constant 0 : i32
          %dma_wait3A_174 = tpu.memref_slice %arg13[%dma_wait3A_172, %dma_wait3A_173] : memref<10112x128xf32, #tpu.memory_space<vmem_shared>> -> memref<10112x128xf32, #tpu.memory_space<vmem_shared>>
          tpu.wait_indirect_dma semaphore(%run_scoped3A_154 : memref<!tpu.dma_semaphore, #tpu.memory_space<semaphore_mem>>) src(%dma_wait3A_168 : memref<128x128xf32, #tpu.memory_space<vmem>>) dst(%dma_wait3A_174 : memref<10112x128xf32, #tpu.memory_space<vmem_shared>>)
          tpu.yield
        }) : () -> ()
        %lt3A = arith.constant 39 : i32
        %lt3A_114 = arith.cmpi slt, %scan3A_84, %lt3A : i32
        %convert_element_type3A_115 = arith.extui %lt3A_114 : i1 to i32
        %cond3A_116 = arith.constant 0 : i32
        %cond3A_117 = arith.cmpi ne, %convert_element_type3A_115, %cond3A_116 : i32
        scf.if %cond3A_117 {
          %mul3A_154 = arith.constant 2 : i32
          %mul3A_155 = arith.muli %mul3A_154, %scan3A_84 : i32
          %add3A = arith.constant 2 : i32
          %add3A_156 = arith.addi %mul3A_155, %add3A : i32
          %dma_start3A_157 = arith.constant 0 : i32
          %dma_start3A_158 = arith.constant 0 : i32
          %dma_start3A_159 = tpu.memref_slice %arg11[%dma_start3A_157, %dma_start3A_158] : memref<2x128xi32, #tpu.memory_space<vmem>> -> memref<1x128xi32, #tpu.memory_space<vmem>>
          %dma_start3A_160 = tpu.memref_squeeze %dma_start3A_159 : memref<1x128xi32, #tpu.memory_space<vmem>> -> memref<128xi32, #tpu.memory_space<vmem>>
          %dma_start3A_161 = arith.constant 0 : i32
          %dma_start3A_162 = tpu.memref_slice %arg4[%arg1, %add3A_156, %dma_start3A_161] : memref<16x80x128xi32, #tpu.memory_space<hbm>> -> memref<1x1x128xi32, #tpu.memory_space<hbm>>
          %dma_start3A_163 = tpu.memref_squeeze %dma_start3A_162 : memref<1x1x128xi32, #tpu.memory_space<hbm>> -> memref<128xi32, #tpu.memory_space<hbm>>
          %dma_start3A_164 = arith.constant 0 : i32
          %dma_start3A_165 = tpu.memref_slice %arg11[%dma_start3A_157, %dma_start3A_164] : memref<2x128xi32, #tpu.memory_space<vmem>> -> memref<1x128xi32, #tpu.memory_space<vmem>>
          %dma_start3A_166 = tpu.memref_squeeze %dma_start3A_165 : memref<1x128xi32, #tpu.memory_space<vmem>> -> memref<128xi32, #tpu.memory_space<vmem>>
          %dma_start3A_167 = arith.constant 0 : i32
          %dma_start3A_168 = tpu.memref_slice %arg4[%arg1, %add3A_156, %dma_start3A_167] : memref<16x80x128xi32, #tpu.memory_space<hbm>> -> memref<1x1x128xi32, #tpu.memory_space<hbm>>
          %dma_start3A_169 = tpu.memref_squeeze %dma_start3A_168 : memref<1x1x128xi32, #tpu.memory_space<hbm>> -> memref<128xi32, #tpu.memory_space<hbm>>
          tpu.enqueue_dma source(%dma_start3A_169 : memref<128xi32, #tpu.memory_space<hbm>>) target(%dma_start3A_166 : memref<128xi32, #tpu.memory_space<vmem>>) target_semaphore(%arg14 : memref<!tpu.dma_semaphore, #tpu.memory_space<semaphore_mem>>)
          %dma_start3A_170 = arith.constant 0 : i32
          %dma_start3A_171 = arith.constant 0 : i32
          %dma_start3A_172 = arith.constant 0 : i32
          %dma_start3A_173 = tpu.memref_slice %arg12[%dma_start3A_170, %dma_start3A_171, %dma_start3A_172] : memref<2x128x128xf32, #tpu.memory_space<vmem>> -> memref<1x128x128xf32, #tpu.memory_space<vmem>>
          %dma_start3A_174 = tpu.memref_squeeze %dma_start3A_173 : memref<1x128x128xf32, #tpu.memory_space<vmem>> -> memref<128x128xf32, #tpu.memory_space<vmem>>
          %dma_start3A_175 = arith.constant 0 : i32
          %dma_start3A_176 = tpu.memref_slice %arg10[%add3A_156, %dma_start3A_175] : memref<80x128xi32, #tpu.memory_space<vmem>> -> memref<1x128xi32, #tpu.memory_space<vmem>>
          %dma_start3A_177 = tpu.memref_squeeze %dma_start3A_176 : memref<1x128xi32, #tpu.memory_space<vmem>> -> memref<128xi32, #tpu.memory_space<vmem>>
          %dma_start3A_178 = arith.constant 0 : i32
          %dma_start3A_179 = arith.constant 0 : i32
          %dma_start3A_180 = tpu.memref_slice %arg2[%dma_start3A_178, %dma_start3A_179] : memref<10240x128xf32, #tpu.memory_space<hbm>> -> memref<10240x128xf32, #tpu.memory_space<hbm>>
          tpu.enqueue_indirect_dma source(%dma_start3A_180 : memref<10240x128xf32, #tpu.memory_space<hbm>>) target(%dma_start3A_174 : memref<128x128xf32, #tpu.memory_space<vmem>>) offsets(%dma_start3A_177 : memref<128xi32, #tpu.memory_space<vmem>>) semaphore(%arg14 : memref<!tpu.dma_semaphore, #tpu.memory_space<semaphore_mem>>)
        } else {
        }
        %dma_wait3A_118 = arith.constant 0 : i32
        %dma_wait3A_119 = arith.constant 1 : i32
        %dma_wait3A_120 = arith.constant 0 : i32
        %dma_wait3A_121 = tpu.memref_slice %arg11[%dma_wait3A_119, %dma_wait3A_120] : memref<2x128xi32, #tpu.memory_space<vmem>> -> memref<1x128xi32, #tpu.memory_space<vmem>>
        %dma_wait3A_122 = tpu.memref_squeeze %dma_wait3A_121 : memref<1x128xi32, #tpu.memory_space<vmem>> -> memref<128xi32, #tpu.memory_space<vmem>>
        %dma_wait3A_123 = arith.constant 0 : i32
        %dma_wait3A_124 = tpu.memref_slice %arg4[%arg1, %dma_wait3A_118, %dma_wait3A_123] : memref<16x80x128xi32, #tpu.memory_space<hbm>> -> memref<1x1x128xi32, #tpu.memory_space<hbm>>
        %dma_wait3A_125 = tpu.memref_squeeze %dma_wait3A_124 : memref<1x1x128xi32, #tpu.memory_space<hbm>> -> memref<128xi32, #tpu.memory_space<hbm>>
        %dma_wait3A_126 = arith.constant 0 : i32
        %dma_wait3A_127 = tpu.memref_slice %arg11[%dma_wait3A_119, %dma_wait3A_126] : memref<2x128xi32, #tpu.memory_space<vmem>> -> memref<1x128xi32, #tpu.memory_space<vmem>>
        %dma_wait3A_128 = tpu.memref_squeeze %dma_wait3A_127 : memref<1x128xi32, #tpu.memory_space<vmem>> -> memref<128xi32, #tpu.memory_space<vmem>>
        %dma_wait3A_129 = arith.constant 0 : i32
        %dma_wait3A_130 = tpu.memref_slice %arg4[%arg1, %dma_wait3A_118, %dma_wait3A_129] : memref<16x80x128xi32, #tpu.memory_space<hbm>> -> memref<1x1x128xi32, #tpu.memory_space<hbm>>
        %dma_wait3A_131 = tpu.memref_squeeze %dma_wait3A_130 : memref<1x1x128xi32, #tpu.memory_space<hbm>> -> memref<128xi32, #tpu.memory_space<hbm>>
        tpu.wait_dma2 semaphore(%arg15 : memref<!tpu.dma_semaphore, #tpu.memory_space<semaphore_mem>>) src(%dma_wait3A_131 : memref<128xi32, #tpu.memory_space<hbm>>) dst(%dma_wait3A_128 : memref<128xi32, #tpu.memory_space<vmem>>)
        %dma_wait3A_132 = arith.constant 1 : i32
        %dma_wait3A_133 = arith.constant 0 : i32
        %dma_wait3A_134 = arith.constant 0 : i32
        %dma_wait3A_135 = tpu.memref_slice %arg12[%dma_wait3A_132, %dma_wait3A_133, %dma_wait3A_134] : memref<2x128x128xf32, #tpu.memory_space<vmem>> -> memref<1x128x128xf32, #tpu.memory_space<vmem>>
        %dma_wait3A_136 = tpu.memref_squeeze %dma_wait3A_135 : memref<1x128x128xf32, #tpu.memory_space<vmem>> -> memref<128x128xf32, #tpu.memory_space<vmem>>
        %dma_wait3A_137 = arith.constant 0 : i32
        %dma_wait3A_138 = arith.constant 0 : i32
        %dma_wait3A_139 = tpu.memref_slice %arg5[%dma_wait3A_137, %dma_wait3A_138] : memref<10240x128xf32, #tpu.memory_space<hbm>> -> memref<128x128xf32, #tpu.memory_space<hbm>>
        %dma_wait3A_140 = arith.constant 0 : i32
        %dma_wait3A_141 = arith.constant 0 : i32
        %dma_wait3A_142 = tpu.memref_slice %arg12[%dma_wait3A_132, %dma_wait3A_140, %dma_wait3A_141] : memref<2x128x128xf32, #tpu.memory_space<vmem>> -> memref<1x128x128xf32, #tpu.memory_space<vmem>>
        %dma_wait3A_143 = tpu.memref_squeeze %dma_wait3A_142 : memref<1x128x128xf32, #tpu.memory_space<vmem>> -> memref<128x128xf32, #tpu.memory_space<vmem>>
        %dma_wait3A_144 = arith.constant 0 : i32
        %dma_wait3A_145 = arith.constant 0 : i32
        %dma_wait3A_146 = tpu.memref_slice %arg5[%dma_wait3A_144, %dma_wait3A_145] : memref<10240x128xf32, #tpu.memory_space<hbm>> -> memref<128x128xf32, #tpu.memory_space<hbm>>
        tpu.wait_dma2 semaphore(%arg15 : memref<!tpu.dma_semaphore, #tpu.memory_space<semaphore_mem>>) src(%dma_wait3A_146 : memref<128x128xf32, #tpu.memory_space<hbm>>) dst(%dma_wait3A_143 : memref<128x128xf32, #tpu.memory_space<vmem>>)
        %run_scoped3A_147 = arith.constant 1 : i32
        %run_scoped3A_148 = arith.constant 1 : i32
        "tpu.region"() ({
          %run_scoped3A_154 = tpu.sem_alloc : memref<!tpu.dma_semaphore, #tpu.memory_space<semaphore_mem>>
          %dma_start3A_155 = arith.constant 0 : i32
          %dma_start3A_156 = arith.constant 0 : i32
          %dma_start3A_157 = tpu.memref_slice %arg12[%run_scoped3A_147, %dma_start3A_155, %dma_start3A_156] : memref<2x128x128xf32, #tpu.memory_space<vmem>> -> memref<1x128x128xf32, #tpu.memory_space<vmem>>
          %dma_start3A_158 = tpu.memref_squeeze %dma_start3A_157 : memref<1x128x128xf32, #tpu.memory_space<vmem>> -> memref<128x128xf32, #tpu.memory_space<vmem>>
          %dma_start3A_159 = arith.constant 0 : i32
          %dma_start3A_160 = tpu.memref_slice %arg11[%run_scoped3A_148, %dma_start3A_159] : memref<2x128xi32, #tpu.memory_space<vmem>> -> memref<1x128xi32, #tpu.memory_space<vmem>>
          %dma_start3A_161 = tpu.memref_squeeze %dma_start3A_160 : memref<1x128xi32, #tpu.memory_space<vmem>> -> memref<128xi32, #tpu.memory_space<vmem>>
          %dma_start3A_162 = arith.constant 0 : i32
          %dma_start3A_163 = arith.constant 0 : i32
          %dma_start3A_164 = tpu.memref_slice %arg13[%dma_start3A_162, %dma_start3A_163] : memref<10112x128xf32, #tpu.memory_space<vmem_shared>> -> memref<10112x128xf32, #tpu.memory_space<vmem_shared>>
          tpu.enqueue_indirect_dma source(%dma_start3A_158 : memref<128x128xf32, #tpu.memory_space<vmem>>) target(%dma_start3A_164 : memref<10112x128xf32, #tpu.memory_space<vmem_shared>>) offsets(%dma_start3A_161 : memref<128xi32, #tpu.memory_space<vmem>>) semaphore(%run_scoped3A_154 : memref<!tpu.dma_semaphore, #tpu.memory_space<semaphore_mem>>) {add = true}
          %dma_wait3A_165 = arith.constant 0 : i32
          %dma_wait3A_166 = arith.constant 0 : i32
          %dma_wait3A_167 = tpu.memref_slice %arg12[%run_scoped3A_147, %dma_wait3A_165, %dma_wait3A_166] : memref<2x128x128xf32, #tpu.memory_space<vmem>> -> memref<1x128x128xf32, #tpu.memory_space<vmem>>
          %dma_wait3A_168 = tpu.memref_squeeze %dma_wait3A_167 : memref<1x128x128xf32, #tpu.memory_space<vmem>> -> memref<128x128xf32, #tpu.memory_space<vmem>>
          %dma_wait3A_169 = arith.constant 0 : i32
          %dma_wait3A_170 = tpu.memref_slice %arg11[%run_scoped3A_148, %dma_wait3A_169] : memref<2x128xi32, #tpu.memory_space<vmem>> -> memref<1x128xi32, #tpu.memory_space<vmem>>
          %dma_wait3A_171 = tpu.memref_squeeze %dma_wait3A_170 : memref<1x128xi32, #tpu.memory_space<vmem>> -> memref<128xi32, #tpu.memory_space<vmem>>
          %dma_wait3A_172 = arith.constant 0 : i32
          %dma_wait3A_173 = arith.constant 0 : i32
          %dma_wait3A_174 = tpu.memref_slice %arg13[%dma_wait3A_172, %dma_wait3A_173] : memref<10112x128xf32, #tpu.memory_space<vmem_shared>> -> memref<10112x128xf32, #tpu.memory_space<vmem_shared>>
          tpu.wait_indirect_dma semaphore(%run_scoped3A_154 : memref<!tpu.dma_semaphore, #tpu.memory_space<semaphore_mem>>) src(%dma_wait3A_168 : memref<128x128xf32, #tpu.memory_space<vmem>>) dst(%dma_wait3A_174 : memref<10112x128xf32, #tpu.memory_space<vmem_shared>>)
          tpu.yield
        }) : () -> ()
        %lt3A_149 = arith.constant 39 : i32
        %lt3A_150 = arith.cmpi slt, %scan3A_84, %lt3A_149 : i32
        %convert_element_type3A_151 = arith.extui %lt3A_150 : i1 to i32
        %cond3A_152 = arith.constant 0 : i32
        %cond3A_153 = arith.cmpi ne, %convert_element_type3A_151, %cond3A_152 : i32
        scf.if %cond3A_153 {
          %mul3A_154 = arith.constant 2 : i32
          %mul3A_155 = arith.muli %mul3A_154, %scan3A_84 : i32
          %add3A = arith.constant 3 : i32
          %add3A_156 = arith.addi %mul3A_155, %add3A : i32
          %dma_start3A_157 = arith.constant 1 : i32
          %dma_start3A_158 = arith.constant 0 : i32
          %dma_start3A_159 = tpu.memref_slice %arg11[%dma_start3A_157, %dma_start3A_158] : memref<2x128xi32, #tpu.memory_space<vmem>> -> memref<1x128xi32, #tpu.memory_space<vmem>>
          %dma_start3A_160 = tpu.memref_squeeze %dma_start3A_159 : memref<1x128xi32, #tpu.memory_space<vmem>> -> memref<128xi32, #tpu.memory_space<vmem>>
          %dma_start3A_161 = arith.constant 0 : i32
          %dma_start3A_162 = tpu.memref_slice %arg4[%arg1, %add3A_156, %dma_start3A_161] : memref<16x80x128xi32, #tpu.memory_space<hbm>> -> memref<1x1x128xi32, #tpu.memory_space<hbm>>
          %dma_start3A_163 = tpu.memref_squeeze %dma_start3A_162 : memref<1x1x128xi32, #tpu.memory_space<hbm>> -> memref<128xi32, #tpu.memory_space<hbm>>
          %dma_start3A_164 = arith.constant 0 : i32
          %dma_start3A_165 = tpu.memref_slice %arg11[%dma_start3A_157, %dma_start3A_164] : memref<2x128xi32, #tpu.memory_space<vmem>> -> memref<1x128xi32, #tpu.memory_space<vmem>>
          %dma_start3A_166 = tpu.memref_squeeze %dma_start3A_165 : memref<1x128xi32, #tpu.memory_space<vmem>> -> memref<128xi32, #tpu.memory_space<vmem>>
          %dma_start3A_167 = arith.constant 0 : i32
          %dma_start3A_168 = tpu.memref_slice %arg4[%arg1, %add3A_156, %dma_start3A_167] : memref<16x80x128xi32, #tpu.memory_space<hbm>> -> memref<1x1x128xi32, #tpu.memory_space<hbm>>
          %dma_start3A_169 = tpu.memref_squeeze %dma_start3A_168 : memref<1x1x128xi32, #tpu.memory_space<hbm>> -> memref<128xi32, #tpu.memory_space<hbm>>
          tpu.enqueue_dma source(%dma_start3A_169 : memref<128xi32, #tpu.memory_space<hbm>>) target(%dma_start3A_166 : memref<128xi32, #tpu.memory_space<vmem>>) target_semaphore(%arg15 : memref<!tpu.dma_semaphore, #tpu.memory_space<semaphore_mem>>)
          %dma_start3A_170 = arith.constant 1 : i32
          %dma_start3A_171 = arith.constant 0 : i32
          %dma_start3A_172 = arith.constant 0 : i32
          %dma_start3A_173 = tpu.memref_slice %arg12[%dma_start3A_170, %dma_start3A_171, %dma_start3A_172] : memref<2x128x128xf32, #tpu.memory_space<vmem>> -> memref<1x128x128xf32, #tpu.memory_space<vmem>>
          %dma_start3A_174 = tpu.memref_squeeze %dma_start3A_173 : memref<1x128x128xf32, #tpu.memory_space<vmem>> -> memref<128x128xf32, #tpu.memory_space<vmem>>
          %dma_start3A_175 = arith.constant 0 : i32
          %dma_start3A_176 = tpu.memref_slice %arg10[%add3A_156, %dma_start3A_175] : memref<80x128xi32, #tpu.memory_space<vmem>> -> memref<1x128xi32, #tpu.memory_space<vmem>>
          %dma_start3A_177 = tpu.memref_squeeze %dma_start3A_176 : memref<1x128xi32, #tpu.memory_space<vmem>> -> memref<128xi32, #tpu.memory_space<vmem>>
          %dma_start3A_178 = arith.constant 0 : i32
          %dma_start3A_179 = arith.constant 0 : i32
          %dma_start3A_180 = tpu.memref_slice %arg2[%dma_start3A_178, %dma_start3A_179] : memref<10240x128xf32, #tpu.memory_space<hbm>> -> memref<10240x128xf32, #tpu.memory_space<hbm>>
          tpu.enqueue_indirect_dma source(%dma_start3A_180 : memref<10240x128xf32, #tpu.memory_space<hbm>>) target(%dma_start3A_174 : memref<128x128xf32, #tpu.memory_space<vmem>>) offsets(%dma_start3A_177 : memref<128xi32, #tpu.memory_space<vmem>>) semaphore(%arg15 : memref<!tpu.dma_semaphore, #tpu.memory_space<semaphore_mem>>)
        } else {
        }
      }
      %scan3A_83 = arith.constant 40 : i32
    } else {
    }
    %ne3A_12 = arith.constant 0 : i32
    %ne3A_13 = arith.cmpi ne, %arg0, %ne3A_12 : i32
    %convert_element_type3A_14 = arith.extui %ne3A_13 : i1 to i32
    %cond3A_15 = arith.constant 0 : i32
    %cond3A_16 = arith.cmpi ne, %convert_element_type3A_14, %cond3A_15 : i32
    scf.if %cond3A_16 {
      %scan3A = arith.constant 0 : i32
      %scan3A_28 = arith.constant 0 : i32
      %scan3A_29 = arith.constant 80 : i32
      %scan3A_30 = arith.addi %scan3A_28, %scan3A_29 : i32
      %scan3A_31 = arith.constant 1 : i32
      scf.for %scan3A_33 = %scan3A_28 to %scan3A_30 step %scan3A_31  : i32 {
        %run_scoped3A = arith.constant 0 : i32
        "tpu.region"() ({
          %run_scoped3A_34 = tpu.sem_alloc : memref<!tpu.dma_semaphore, #tpu.memory_space<semaphore_mem>>
          %dma_start3A = arith.constant 0 : i32
          %dma_start3A_35 = arith.constant 0 : i32
          %dma_start3A_36 = tpu.memref_slice %arg12[%run_scoped3A, %dma_start3A, %dma_start3A_35] : memref<2x128x128xf32, #tpu.memory_space<vmem>> -> memref<1x128x128xf32, #tpu.memory_space<vmem>>
          %dma_start3A_37 = tpu.memref_squeeze %dma_start3A_36 : memref<1x128x128xf32, #tpu.memory_space<vmem>> -> memref<128x128xf32, #tpu.memory_space<vmem>>
          %dma_start3A_38 = arith.constant 0 : i32
          %dma_start3A_39 = tpu.memref_slice %arg10[%scan3A_33, %dma_start3A_38] : memref<80x128xi32, #tpu.memory_space<vmem>> -> memref<1x128xi32, #tpu.memory_space<vmem>>
          %dma_start3A_40 = tpu.memref_squeeze %dma_start3A_39 : memref<1x128xi32, #tpu.memory_space<vmem>> -> memref<128xi32, #tpu.memory_space<vmem>>
          %dma_start3A_41 = arith.constant 0 : i32
          %dma_start3A_42 = arith.constant 0 : i32
          %dma_start3A_43 = tpu.memref_slice %arg13[%dma_start3A_41, %dma_start3A_42] : memref<10112x128xf32, #tpu.memory_space<vmem_shared>> -> memref<10112x128xf32, #tpu.memory_space<vmem_shared>>
          tpu.enqueue_indirect_dma source(%dma_start3A_37 : memref<128x128xf32, #tpu.memory_space<vmem>>) target(%dma_start3A_43 : memref<10112x128xf32, #tpu.memory_space<vmem_shared>>) offsets(%dma_start3A_40 : memref<128xi32, #tpu.memory_space<vmem>>) semaphore(%run_scoped3A_34 : memref<!tpu.dma_semaphore, #tpu.memory_space<semaphore_mem>>) {add = true}
          %dma_wait3A = arith.constant 0 : i32
          %dma_wait3A_44 = arith.constant 0 : i32
          %dma_wait3A_45 = tpu.memref_slice %arg12[%run_scoped3A, %dma_wait3A, %dma_wait3A_44] : memref<2x128x128xf32, #tpu.memory_space<vmem>> -> memref<1x128x128xf32, #tpu.memory_space<vmem>>
          %dma_wait3A_46 = tpu.memref_squeeze %dma_wait3A_45 : memref<1x128x128xf32, #tpu.memory_space<vmem>> -> memref<128x128xf32, #tpu.memory_space<vmem>>
          %dma_wait3A_47 = arith.constant 0 : i32
          %dma_wait3A_48 = tpu.memref_slice %arg10[%scan3A_33, %dma_wait3A_47] : memref<80x128xi32, #tpu.memory_space<vmem>> -> memref<1x128xi32, #tpu.memory_space<vmem>>
          %dma_wait3A_49 = tpu.memref_squeeze %dma_wait3A_48 : memref<1x128xi32, #tpu.memory_space<vmem>> -> memref<128xi32, #tpu.memory_space<vmem>>
          %dma_wait3A_50 = arith.constant 0 : i32
          %dma_wait3A_51 = arith.constant 0 : i32
          %dma_wait3A_52 = tpu.memref_slice %arg13[%dma_wait3A_50, %dma_wait3A_51] : memref<10112x128xf32, #tpu.memory_space<vmem_shared>> -> memref<10112x128xf32, #tpu.memory_space<vmem_shared>>
          tpu.wait_indirect_dma semaphore(%run_scoped3A_34 : memref<!tpu.dma_semaphore, #tpu.memory_space<semaphore_mem>>) src(%dma_wait3A_46 : memref<128x128xf32, #tpu.memory_space<vmem>>) dst(%dma_wait3A_52 : memref<10112x128xf32, #tpu.memory_space<vmem_shared>>)
          tpu.yield
        }) : () -> ()
      }
      %scan3A_32 = arith.constant 80 : i32
    } else {
    }
    %barrier3A_17 = arith.constant 0 : index
    tpu.barrier barrier_id(%barrier3A_17)
    %eq3A_18 = arith.constant 0 : i32
    %eq3A_19 = arith.cmpi eq, %arg0, %eq3A_18 : i32
    %convert_element_type3A_20 = arith.extui %eq3A_19 : i1 to i32
    %cond3A_21 = arith.constant 0 : i32
    %cond3A_22 = arith.cmpi ne, %convert_element_type3A_20, %cond3A_21 : i32
    scf.if %cond3A_22 {
      "tpu.region"() ({
        %run_scoped3A = tpu.sem_alloc : memref<!tpu.dma_semaphore, #tpu.memory_space<semaphore_mem>>
        %dma_start3A = arith.constant 0 : i32
        %dma_start3A_28 = tpu.memref_slice %arg8[%mul3A_0, %dma_start3A] : memref<10240x128xf32, #tpu.memory_space<hbm>> -> memref<632x128xf32, #tpu.memory_space<hbm>>
        %dma_start3A_29 = arith.constant 0 : i32
        %dma_start3A_30 = tpu.memref_slice %arg13[%mul3A_0, %dma_start3A_29] : memref<10112x128xf32, #tpu.memory_space<vmem_shared>> -> memref<632x128xf32, #tpu.memory_space<vmem_shared>>
        tpu.enqueue_dma source(%dma_start3A_30 : memref<632x128xf32, #tpu.memory_space<vmem_shared>>) target(%dma_start3A_28 : memref<632x128xf32, #tpu.memory_space<hbm>>) target_semaphore(%run_scoped3A : memref<!tpu.dma_semaphore, #tpu.memory_space<semaphore_mem>>)
        %dma_wait3A = arith.constant 0 : i32
        %dma_wait3A_31 = tpu.memref_slice %arg8[%mul3A_0, %dma_wait3A] : memref<10240x128xf32, #tpu.memory_space<hbm>> -> memref<632x128xf32, #tpu.memory_space<hbm>>
        %dma_wait3A_32 = arith.constant 0 : i32
        %dma_wait3A_33 = tpu.memref_slice %arg13[%mul3A_0, %dma_wait3A_32] : memref<10112x128xf32, #tpu.memory_space<vmem_shared>> -> memref<632x128xf32, #tpu.memory_space<vmem_shared>>
        tpu.wait_dma2 semaphore(%run_scoped3A : memref<!tpu.dma_semaphore, #tpu.memory_space<semaphore_mem>>) src(%dma_wait3A_33 : memref<632x128xf32, #tpu.memory_space<vmem_shared>>) dst(%dma_wait3A_31 : memref<632x128xf32, #tpu.memory_space<hbm>>)
        tpu.yield
      }) : () -> ()
    } else {
    }
    %ne3A_23 = arith.constant 0 : i32
    %ne3A_24 = arith.cmpi ne, %arg0, %ne3A_23 : i32
    %convert_element_type3A_25 = arith.extui %ne3A_24 : i1 to i32
    %cond3A_26 = arith.constant 0 : i32
    %cond3A_27 = arith.cmpi ne, %convert_element_type3A_25, %cond3A_26 : i32
    scf.if %cond3A_27 {
      "tpu.region"() ({
        %run_scoped3A = tpu.sem_alloc : memref<!tpu.dma_semaphore, #tpu.memory_space<semaphore_mem>>
        %dma_start3A = arith.constant 0 : i32
        %dma_start3A_28 = tpu.memref_slice %arg9[%mul3A_0, %dma_start3A] : memref<10240x128xf32, #tpu.memory_space<hbm>> -> memref<632x128xf32, #tpu.memory_space<hbm>>
        %dma_start3A_29 = arith.constant 0 : i32
        %dma_start3A_30 = tpu.memref_slice %arg13[%mul3A_0, %dma_start3A_29] : memref<10112x128xf32, #tpu.memory_space<vmem_shared>> -> memref<632x128xf32, #tpu.memory_space<vmem_shared>>
        tpu.enqueue_dma source(%dma_start3A_30 : memref<632x128xf32, #tpu.memory_space<vmem_shared>>) target(%dma_start3A_28 : memref<632x128xf32, #tpu.memory_space<hbm>>) target_semaphore(%run_scoped3A : memref<!tpu.dma_semaphore, #tpu.memory_space<semaphore_mem>>)
        %dma_wait3A = arith.constant 0 : i32
        %dma_wait3A_31 = tpu.memref_slice %arg9[%mul3A_0, %dma_wait3A] : memref<10240x128xf32, #tpu.memory_space<hbm>> -> memref<632x128xf32, #tpu.memory_space<hbm>>
        %dma_wait3A_32 = arith.constant 0 : i32
        %dma_wait3A_33 = tpu.memref_slice %arg13[%mul3A_0, %dma_wait3A_32] : memref<10112x128xf32, #tpu.memory_space<vmem_shared>> -> memref<632x128xf32, #tpu.memory_space<vmem_shared>>
        tpu.wait_dma2 semaphore(%run_scoped3A : memref<!tpu.dma_semaphore, #tpu.memory_space<semaphore_mem>>) src(%dma_wait3A_33 : memref<632x128xf32, #tpu.memory_space<vmem_shared>>) dst(%dma_wait3A_31 : memref<632x128xf32, #tpu.memory_space<hbm>>)
        tpu.yield
      }) : () -> ()
    } else {
    }
    return
  }
}

#map = affine_map<(d0, d1) -> (0, 0)>
#map1 = affine_map<(d0, d1) -> (0, 0, 0)>
module attributes {stable_mosaic.version = 14 : i64} {
  func.func @body(%arg0: i32, %arg1: i32, %arg2: memref<10240x128xf32, #tpu.memory_space<hbm>>, %arg3: memref<16x80x128xi32, #tpu.memory_space<hbm>>, %arg4: memref<16x80x128xi32, #tpu.memory_space<hbm>>, %arg5: memref<10240x128xf32, #tpu.memory_space<hbm>>, %arg6: memref<10240x128xf32, #tpu.memory_space<hbm>>, %arg7: memref<128x128xf32, #tpu.memory_space<hbm>>, %arg8: memref<10240x128xf32, #tpu.memory_space<hbm>>, %arg9: memref<10240x128xf32, #tpu.memory_space<hbm>>, %arg10: memref<80x128xi32, #tpu.memory_space<vmem>>, %arg11: memref<2x128xi32, #tpu.memory_space<vmem>>, %arg12: memref<2x128x128xf32, #tpu.memory_space<vmem>>, %arg13: memref<10112x128xf32, #tpu.memory_space<vmem_shared>>, %arg14: memref<!tpu.dma_semaphore, #tpu.memory_space<semaphore_mem>>, %arg15: memref<!tpu.dma_semaphore, #tpu.memory_space<semaphore_mem>>) attributes {dimension_semantics = [#tpu.dimension_semantics<core_parallel>, #tpu.dimension_semantics<subcore_parallel>], iteration_bounds = array<i64: 2, 16>, scalar_prefetch = 0 : i64, scratch_operands = 6 : i64, tpu.core_type = #tpu.core_type<sc_vector_subcore>, window_params = [{transform_indices = #map}, {transform_indices = #map1}, {transform_indices = #map1}, {transform_indices = #map}, {transform_indices = #map}, {transform_indices = #map}, {transform_indices = #map}, {transform_indices = #map}]} {
    %mul3A = arith.constant 632 : i32
    %mul3A_0 = arith.muli %arg1, %mul3A : i32
    %eq3A = arith.constant 0 : i32
    %eq3A_1 = arith.cmpi eq, %arg0, %eq3A : i32
    %convert_element_type3A = arith.extui %eq3A_1 : i1 to i32
    %cond3A = arith.constant 0 : i32
    %cond3A_2 = arith.cmpi ne, %convert_element_type3A, %cond3A : i32
    scf.if %cond3A_2 {
      "tpu.region"() ({
        %run_scoped3A = tpu.sem_alloc : memref<!tpu.dma_semaphore, #tpu.memory_space<semaphore_mem>>
        %dma_start3A = arith.constant 0 : i32
        %dma_start3A_28 = tpu.memref_slice %arg13[%mul3A_0, %dma_start3A] : memref<10112x128xf32, #tpu.memory_space<vmem_shared>> -> memref<632x128xf32, #tpu.memory_space<vmem_shared>>
        %dma_start3A_29 = arith.constant 0 : i32
        %dma_start3A_30 = tpu.memref_slice %arg5[%mul3A_0, %dma_start3A_29] : memref<10240x128xf32, #tpu.memory_space<hbm>> -> memref<632x128xf32, #tpu.memory_space<hbm>>
        tpu.enqueue_dma source(%dma_start3A_30 : memref<632x128xf32, #tpu.memory_space<hbm>>) target(%dma_start3A_28 : memref<632x128xf32, #tpu.memory_space<vmem_shared>>) target_semaphore(%run_scoped3A : memref<!tpu.dma_semaphore, #tpu.memory_space<semaphore_mem>>)
        %dma_wait3A = arith.constant 0 : i32
        %dma_wait3A_31 = tpu.memref_slice %arg13[%mul3A_0, %dma_wait3A] : memref<10112x128xf32, #tpu.memory_space<vmem_shared>> -> memref<632x128xf32, #tpu.memory_space<vmem_shared>>
        %dma_wait3A_32 = arith.constant 0 : i32
        %dma_wait3A_33 = tpu.memref_slice %arg5[%mul3A_0, %dma_wait3A_32] : memref<10240x128xf32, #tpu.memory_space<hbm>> -> memref<632x128xf32, #tpu.memory_space<hbm>>
        tpu.wait_dma2 semaphore(%run_scoped3A : memref<!tpu.dma_semaphore, #tpu.memory_space<semaphore_mem>>) src(%dma_wait3A_33 : memref<632x128xf32, #tpu.memory_space<hbm>>) dst(%dma_wait3A_31 : memref<632x128xf32, #tpu.memory_space<vmem_shared>>)
        tpu.yield
      }) : () -> ()
      "tpu.region"() ({
        %run_scoped3A = tpu.sem_alloc : memref<!tpu.dma_semaphore, #tpu.memory_space<semaphore_mem>>
        %dma_start3A = arith.constant 0 : i32
        %dma_start3A_28 = arith.constant 0 : i32
        %dma_start3A_29 = tpu.memref_slice %arg3[%arg1, %dma_start3A, %dma_start3A_28] : memref<16x80x128xi32, #tpu.memory_space<hbm>> -> memref<1x80x128xi32, #tpu.memory_space<hbm>>
        %dma_start3A_30 = tpu.memref_squeeze %dma_start3A_29 : memref<1x80x128xi32, #tpu.memory_space<hbm>> -> memref<80x128xi32, #tpu.memory_space<hbm>>
        %dma_start3A_31 = arith.constant 0 : i32
        %dma_start3A_32 = arith.constant 0 : i32
        %dma_start3A_33 = tpu.memref_slice %arg3[%arg1, %dma_start3A_31, %dma_start3A_32] : memref<16x80x128xi32, #tpu.memory_space<hbm>> -> memref<1x80x128xi32, #tpu.memory_space<hbm>>
        %dma_start3A_34 = tpu.memref_squeeze %dma_start3A_33 : memref<1x80x128xi32, #tpu.memory_space<hbm>> -> memref<80x128xi32, #tpu.memory_space<hbm>>
        tpu.enqueue_dma source(%dma_start3A_34 : memref<80x128xi32, #tpu.memory_space<hbm>>) target(%arg10 : memref<80x128xi32, #tpu.memory_space<vmem>>) target_semaphore(%run_scoped3A : memref<!tpu.dma_semaphore, #tpu.memory_space<semaphore_mem>>)
        %dma_wait3A = arith.constant 0 : i32
        %dma_wait3A_35 = arith.constant 0 : i32
        %dma_wait3A_36 = tpu.memref_slice %arg3[%arg1, %dma_wait3A, %dma_wait3A_35] : memref<16x80x128xi32, #tpu.memory_space<hbm>> -> memref<1x80x128xi32, #tpu.memory_space<hbm>>
        %dma_wait3A_37 = tpu.memref_squeeze %dma_wait3A_36 : memref<1x80x128xi32, #tpu.memory_space<hbm>> -> memref<80x128xi32, #tpu.memory_space<hbm>>
        %dma_wait3A_38 = arith.constant 0 : i32
        %dma_wait3A_39 = arith.constant 0 : i32
        %dma_wait3A_40 = tpu.memref_slice %arg3[%arg1, %dma_wait3A_38, %dma_wait3A_39] : memref<16x80x128xi32, #tpu.memory_space<hbm>> -> memref<1x80x128xi32, #tpu.memory_space<hbm>>
        %dma_wait3A_41 = tpu.memref_squeeze %dma_wait3A_40 : memref<1x80x128xi32, #tpu.memory_space<hbm>> -> memref<80x128xi32, #tpu.memory_space<hbm>>
        tpu.wait_dma2 semaphore(%run_scoped3A : memref<!tpu.dma_semaphore, #tpu.memory_space<semaphore_mem>>) src(%dma_wait3A_41 : memref<80x128xi32, #tpu.memory_space<hbm>>) dst(%arg10 : memref<80x128xi32, #tpu.memory_space<vmem>>)
        tpu.yield
      }) : () -> ()
    } else {
    }
    %ne3A = arith.constant 0 : i32
    %ne3A_3 = arith.cmpi ne, %arg0, %ne3A : i32
    %convert_element_type3A_4 = arith.extui %ne3A_3 : i1 to i32
    %cond3A_5 = arith.constant 0 : i32
    %cond3A_6 = arith.cmpi ne, %convert_element_type3A_4, %cond3A_5 : i32
    scf.if %cond3A_6 {
      "tpu.region"() ({
        %run_scoped3A_28 = tpu.sem_alloc : memref<!tpu.dma_semaphore, #tpu.memory_space<semaphore_mem>>
        %dma_start3A = arith.constant 0 : i32
        %dma_start3A_29 = tpu.memref_slice %arg13[%mul3A_0, %dma_start3A] : memref<10112x128xf32, #tpu.memory_space<vmem_shared>> -> memref<632x128xf32, #tpu.memory_space<vmem_shared>>
        %dma_start3A_30 = arith.constant 0 : i32
        %dma_start3A_31 = tpu.memref_slice %arg6[%mul3A_0, %dma_start3A_30] : memref<10240x128xf32, #tpu.memory_space<hbm>> -> memref<632x128xf32, #tpu.memory_space<hbm>>
        tpu.enqueue_dma source(%dma_start3A_31 : memref<632x128xf32, #tpu.memory_space<hbm>>) target(%dma_start3A_29 : memref<632x128xf32, #tpu.memory_space<vmem_shared>>) target_semaphore(%run_scoped3A_28 : memref<!tpu.dma_semaphore, #tpu.memory_space<semaphore_mem>>)
        %dma_wait3A = arith.constant 0 : i32
        %dma_wait3A_32 = tpu.memref_slice %arg13[%mul3A_0, %dma_wait3A] : memref<10112x128xf32, #tpu.memory_space<vmem_shared>> -> memref<632x128xf32, #tpu.memory_space<vmem_shared>>
        %dma_wait3A_33 = arith.constant 0 : i32
        %dma_wait3A_34 = tpu.memref_slice %arg6[%mul3A_0, %dma_wait3A_33] : memref<10240x128xf32, #tpu.memory_space<hbm>> -> memref<632x128xf32, #tpu.memory_space<hbm>>
        tpu.wait_dma2 semaphore(%run_scoped3A_28 : memref<!tpu.dma_semaphore, #tpu.memory_space<semaphore_mem>>) src(%dma_wait3A_34 : memref<632x128xf32, #tpu.memory_space<hbm>>) dst(%dma_wait3A_32 : memref<632x128xf32, #tpu.memory_space<vmem_shared>>)
        tpu.yield
      }) : () -> ()
      %run_scoped3A = arith.constant 0 : i32
      "tpu.region"() ({
        %run_scoped3A_28 = tpu.sem_alloc : memref<!tpu.dma_semaphore, #tpu.memory_space<semaphore_mem>>
        %dma_start3A = arith.constant 0 : i32
        %dma_start3A_29 = arith.constant 0 : i32
        %dma_start3A_30 = tpu.memref_slice %arg12[%run_scoped3A, %dma_start3A, %dma_start3A_29] : memref<2x128x128xf32, #tpu.memory_space<vmem>> -> memref<1x128x128xf32, #tpu.memory_space<vmem>>
        %dma_start3A_31 = tpu.memref_squeeze %dma_start3A_30 : memref<1x128x128xf32, #tpu.memory_space<vmem>> -> memref<128x128xf32, #tpu.memory_space<vmem>>
        %dma_start3A_32 = arith.constant 0 : i32
        %dma_start3A_33 = arith.constant 0 : i32
        %dma_start3A_34 = tpu.memref_slice %arg12[%run_scoped3A, %dma_start3A_32, %dma_start3A_33] : memref<2x128x128xf32, #tpu.memory_space<vmem>> -> memref<1x128x128xf32, #tpu.memory_space<vmem>>
        %dma_start3A_35 = tpu.memref_squeeze %dma_start3A_34 : memref<1x128x128xf32, #tpu.memory_space<vmem>> -> memref<128x128xf32, #tpu.memory_space<vmem>>
        tpu.enqueue_dma source(%arg7 : memref<128x128xf32, #tpu.memory_space<hbm>>) target(%dma_start3A_35 : memref<128x128xf32, #tpu.memory_space<vmem>>) target_semaphore(%run_scoped3A_28 : memref<!tpu.dma_semaphore, #tpu.memory_space<semaphore_mem>>)
        %dma_wait3A = arith.constant 0 : i32
        %dma_wait3A_36 = arith.constant 0 : i32
        %dma_wait3A_37 = tpu.memref_slice %arg12[%run_scoped3A, %dma_wait3A, %dma_wait3A_36] : memref<2x128x128xf32, #tpu.memory_space<vmem>> -> memref<1x128x128xf32, #tpu.memory_space<vmem>>
        %dma_wait3A_38 = tpu.memref_squeeze %dma_wait3A_37 : memref<1x128x128xf32, #tpu.memory_space<vmem>> -> memref<128x128xf32, #tpu.memory_space<vmem>>
        %dma_wait3A_39 = arith.constant 0 : i32
        %dma_wait3A_40 = arith.constant 0 : i32
        %dma_wait3A_41 = tpu.memref_slice %arg12[%run_scoped3A, %dma_wait3A_39, %dma_wait3A_40] : memref<2x128x128xf32, #tpu.memory_space<vmem>> -> memref<1x128x128xf32, #tpu.memory_space<vmem>>
        %dma_wait3A_42 = tpu.memref_squeeze %dma_wait3A_41 : memref<1x128x128xf32, #tpu.memory_space<vmem>> -> memref<128x128xf32, #tpu.memory_space<vmem>>
        tpu.wait_dma2 semaphore(%run_scoped3A_28 : memref<!tpu.dma_semaphore, #tpu.memory_space<semaphore_mem>>) src(%arg7 : memref<128x128xf32, #tpu.memory_space<hbm>>) dst(%dma_wait3A_42 : memref<128x128xf32, #tpu.memory_space<vmem>>)
        tpu.yield
      }) : () -> ()
      "tpu.region"() ({
        %run_scoped3A_28 = tpu.sem_alloc : memref<!tpu.dma_semaphore, #tpu.memory_space<semaphore_mem>>
        %dma_start3A = arith.constant 0 : i32
        %dma_start3A_29 = arith.constant 0 : i32
        %dma_start3A_30 = tpu.memref_slice %arg4[%arg1, %dma_start3A, %dma_start3A_29] : memref<16x80x128xi32, #tpu.memory_space<hbm>> -> memref<1x80x128xi32, #tpu.memory_space<hbm>>
        %dma_start3A_31 = tpu.memref_squeeze %dma_start3A_30 : memref<1x80x128xi32, #tpu.memory_space<hbm>> -> memref<80x128xi32, #tpu.memory_space<hbm>>
        %dma_start3A_32 = arith.constant 0 : i32
        %dma_start3A_33 = arith.constant 0 : i32
        %dma_start3A_34 = tpu.memref_slice %arg4[%arg1, %dma_start3A_32, %dma_start3A_33] : memref<16x80x128xi32, #tpu.memory_space<hbm>> -> memref<1x80x128xi32, #tpu.memory_space<hbm>>
        %dma_start3A_35 = tpu.memref_squeeze %dma_start3A_34 : memref<1x80x128xi32, #tpu.memory_space<hbm>> -> memref<80x128xi32, #tpu.memory_space<hbm>>
        tpu.enqueue_dma source(%dma_start3A_35 : memref<80x128xi32, #tpu.memory_space<hbm>>) target(%arg10 : memref<80x128xi32, #tpu.memory_space<vmem>>) target_semaphore(%run_scoped3A_28 : memref<!tpu.dma_semaphore, #tpu.memory_space<semaphore_mem>>)
        %dma_wait3A = arith.constant 0 : i32
        %dma_wait3A_36 = arith.constant 0 : i32
        %dma_wait3A_37 = tpu.memref_slice %arg4[%arg1, %dma_wait3A, %dma_wait3A_36] : memref<16x80x128xi32, #tpu.memory_space<hbm>> -> memref<1x80x128xi32, #tpu.memory_space<hbm>>
        %dma_wait3A_38 = tpu.memref_squeeze %dma_wait3A_37 : memref<1x80x128xi32, #tpu.memory_space<hbm>> -> memref<80x128xi32, #tpu.memory_space<hbm>>
        %dma_wait3A_39 = arith.constant 0 : i32
        %dma_wait3A_40 = arith.constant 0 : i32
        %dma_wait3A_41 = tpu.memref_slice %arg4[%arg1, %dma_wait3A_39, %dma_wait3A_40] : memref<16x80x128xi32, #tpu.memory_space<hbm>> -> memref<1x80x128xi32, #tpu.memory_space<hbm>>
        %dma_wait3A_42 = tpu.memref_squeeze %dma_wait3A_41 : memref<1x80x128xi32, #tpu.memory_space<hbm>> -> memref<80x128xi32, #tpu.memory_space<hbm>>
        tpu.wait_dma2 semaphore(%run_scoped3A_28 : memref<!tpu.dma_semaphore, #tpu.memory_space<semaphore_mem>>) src(%dma_wait3A_42 : memref<80x128xi32, #tpu.memory_space<hbm>>) dst(%arg10 : memref<80x128xi32, #tpu.memory_space<vmem>>)
        tpu.yield
      }) : () -> ()
    } else {
    }
    %barrier3A = arith.constant 0 : index
    tpu.barrier barrier_id(%barrier3A)
    %eq3A_7 = arith.constant 0 : i32
    %eq3A_8 = arith.cmpi eq, %arg0, %eq3A_7 : i32
    %convert_element_type3A_9 = arith.extui %eq3A_8 : i1 to i32
    %cond3A_10 = arith.constant 0 : i32
    %cond3A_11 = arith.cmpi ne, %convert_element_type3A_9, %cond3A_10 : i32
    scf.if %cond3A_11 {
      %dma_start3A = arith.constant 0 : i32
      %dma_start3A_28 = arith.constant 0 : i32
      %dma_start3A_29 = arith.constant 0 : i32
      %dma_start3A_30 = tpu.memref_slice %arg11[%dma_start3A_28, %dma_start3A_29] : memref<2x128xi32, #tpu.memory_space<vmem>> -> memref<1x128xi32, #tpu.memory_space<vmem>>
      %dma_start3A_31 = tpu.memref_squeeze %dma_start3A_30 : memref<1x128xi32, #tpu.memory_space<vmem>> -> memref<128xi32, #tpu.memory_space<vmem>>
      %dma_start3A_32 = arith.constant 0 : i32
      %dma_start3A_33 = tpu.memref_slice %arg4[%arg1, %dma_start3A, %dma_start3A_32] : memref<16x80x128xi32, #tpu.memory_space<hbm>> -> memref<1x1x128xi32, #tpu.memory_space<hbm>>
      %dma_start3A_34 = tpu.memref_squeeze %dma_start3A_33 : memref<1x1x128xi32, #tpu.memory_space<hbm>> -> memref<128xi32, #tpu.memory_space<hbm>>
      %dma_start3A_35 = arith.constant 0 : i32
      %dma_start3A_36 = tpu.memref_slice %arg11[%dma_start3A_28, %dma_start3A_35] : memref<2x128xi32, #tpu.memory_space<vmem>> -> memref<1x128xi32, #tpu.memory_space<vmem>>
      %dma_start3A_37 = tpu.memref_squeeze %dma_start3A_36 : memref<1x128xi32, #tpu.memory_space<vmem>> -> memref<128xi32, #tpu.memory_space<vmem>>
      %dma_start3A_38 = arith.constant 0 : i32
      %dma_start3A_39 = tpu.memref_slice %arg4[%arg1, %dma_start3A, %dma_start3A_38] : memref<16x80x128xi32, #tpu.memory_space<hbm>> -> memref<1x1x128xi32, #tpu.memory_space<hbm>>
      %dma_start3A_40 = tpu.memref_squeeze %dma_start3A_39 : memref<1x1x128xi32, #tpu.memory_space<hbm>> -> memref<128xi32, #tpu.memory_space<hbm>>
      tpu.enqueue_dma source(%dma_start3A_40 : memref<128xi32, #tpu.memory_space<hbm>>) target(%dma_start3A_37 : memref<128xi32, #tpu.memory_space<vmem>>) target_semaphore(%arg14 : memref<!tpu.dma_semaphore, #tpu.memory_space<semaphore_mem>>)
      %dma_start3A_41 = arith.constant 0 : i32
      %dma_start3A_42 = arith.constant 0 : i32
      %dma_start3A_43 = arith.constant 0 : i32
      %dma_start3A_44 = arith.constant 0 : i32
      %dma_start3A_45 = tpu.memref_slice %arg12[%dma_start3A_42, %dma_start3A_43, %dma_start3A_44] : memref<2x128x128xf32, #tpu.memory_space<vmem>> -> memref<1x128x128xf32, #tpu.memory_space<vmem>>
      %dma_start3A_46 = tpu.memref_squeeze %dma_start3A_45 : memref<1x128x128xf32, #tpu.memory_space<vmem>> -> memref<128x128xf32, #tpu.memory_space<vmem>>
      %dma_start3A_47 = arith.constant 0 : i32
      %dma_start3A_48 = tpu.memref_slice %arg10[%dma_start3A_41, %dma_start3A_47] : memref<80x128xi32, #tpu.memory_space<vmem>> -> memref<1x128xi32, #tpu.memory_space<vmem>>
      %dma_start3A_49 = tpu.memref_squeeze %dma_start3A_48 : memref<1x128xi32, #tpu.memory_space<vmem>> -> memref<128xi32, #tpu.memory_space<vmem>>
      %dma_start3A_50 = arith.constant 0 : i32
      %dma_start3A_51 = arith.constant 0 : i32
      %dma_start3A_52 = tpu.memref_slice %arg2[%dma_start3A_50, %dma_start3A_51] : memref<10240x128xf32, #tpu.memory_space<hbm>> -> memref<10240x128xf32, #tpu.memory_space<hbm>>
      tpu.enqueue_indirect_dma source(%dma_start3A_52 : memref<10240x128xf32, #tpu.memory_space<hbm>>) target(%dma_start3A_46 : memref<128x128xf32, #tpu.memory_space<vmem>>) offsets(%dma_start3A_49 : memref<128xi32, #tpu.memory_space<vmem>>) semaphore(%arg14 : memref<!tpu.dma_semaphore, #tpu.memory_space<semaphore_mem>>)
      %dma_start3A_53 = arith.constant 1 : i32
      %dma_start3A_54 = arith.constant 1 : i32
      %dma_start3A_55 = arith.constant 0 : i32
      %dma_start3A_56 = tpu.memref_slice %arg11[%dma_start3A_54, %dma_start3A_55] : memref<2x128xi32, #tpu.memory_space<vmem>> -> memref<1x128xi32, #tpu.memory_space<vmem>>
      %dma_start3A_57 = tpu.memref_squeeze %dma_start3A_56 : memref<1x128xi32, #tpu.memory_space<vmem>> -> memref<128xi32, #tpu.memory_space<vmem>>
      %dma_start3A_58 = arith.constant 0 : i32
      %dma_start3A_59 = tpu.memref_slice %arg4[%arg1, %dma_start3A_53, %dma_start3A_58] : memref<16x80x128xi32, #tpu.memory_space<hbm>> -> memref<1x1x128xi32, #tpu.memory_space<hbm>>
      %dma_start3A_60 = tpu.memref_squeeze %dma_start3A_59 : memref<1x1x128xi32, #tpu.memory_space<hbm>> -> memref<128xi32, #tpu.memory_space<hbm>>
      %dma_start3A_61 = arith.constant 0 : i32
      %dma_start3A_62 = tpu.memref_slice %arg11[%dma_start3A_54, %dma_start3A_61] : memref<2x128xi32, #tpu.memory_space<vmem>> -> memref<1x128xi32, #tpu.memory_space<vmem>>
      %dma_start3A_63 = tpu.memref_squeeze %dma_start3A_62 : memref<1x128xi32, #tpu.memory_space<vmem>> -> memref<128xi32, #tpu.memory_space<vmem>>
      %dma_start3A_64 = arith.constant 0 : i32
      %dma_start3A_65 = tpu.memref_slice %arg4[%arg1, %dma_start3A_53, %dma_start3A_64] : memref<16x80x128xi32, #tpu.memory_space<hbm>> -> memref<1x1x128xi32, #tpu.memory_space<hbm>>
      %dma_start3A_66 = tpu.memref_squeeze %dma_start3A_65 : memref<1x1x128xi32, #tpu.memory_space<hbm>> -> memref<128xi32, #tpu.memory_space<hbm>>
      tpu.enqueue_dma source(%dma_start3A_66 : memref<128xi32, #tpu.memory_space<hbm>>) target(%dma_start3A_63 : memref<128xi32, #tpu.memory_space<vmem>>) target_semaphore(%arg15 : memref<!tpu.dma_semaphore, #tpu.memory_space<semaphore_mem>>)
      %dma_start3A_67 = arith.constant 1 : i32
      %dma_start3A_68 = arith.constant 1 : i32
      %dma_start3A_69 = arith.constant 0 : i32
      %dma_start3A_70 = arith.constant 0 : i32
      %dma_start3A_71 = tpu.memref_slice %arg12[%dma_start3A_68, %dma_start3A_69, %dma_start3A_70] : memref<2x128x128xf32, #tpu.memory_space<vmem>> -> memref<1x128x128xf32, #tpu.memory_space<vmem>>
      %dma_start3A_72 = tpu.memref_squeeze %dma_start3A_71 : memref<1x128x128xf32, #tpu.memory_space<vmem>> -> memref<128x128xf32, #tpu.memory_space<vmem>>
      %dma_start3A_73 = arith.constant 0 : i32
      %dma_start3A_74 = tpu.memref_slice %arg10[%dma_start3A_67, %dma_start3A_73] : memref<80x128xi32, #tpu.memory_space<vmem>> -> memref<1x128xi32, #tpu.memory_space<vmem>>
      %dma_start3A_75 = tpu.memref_squeeze %dma_start3A_74 : memref<1x128xi32, #tpu.memory_space<vmem>> -> memref<128xi32, #tpu.memory_space<vmem>>
      %dma_start3A_76 = arith.constant 0 : i32
      %dma_start3A_77 = arith.constant 0 : i32
      %dma_start3A_78 = tpu.memref_slice %arg2[%dma_start3A_76, %dma_start3A_77] : memref<10240x128xf32, #tpu.memory_space<hbm>> -> memref<10240x128xf32, #tpu.memory_space<hbm>>
      tpu.enqueue_indirect_dma source(%dma_start3A_78 : memref<10240x128xf32, #tpu.memory_space<hbm>>) target(%dma_start3A_72 : memref<128x128xf32, #tpu.memory_space<vmem>>) offsets(%dma_start3A_75 : memref<128xi32, #tpu.memory_space<vmem>>) semaphore(%arg15 : memref<!tpu.dma_semaphore, #tpu.memory_space<semaphore_mem>>)
      %scan3A = arith.constant 0 : i32
      %scan3A_79 = arith.constant 0 : i32
      %scan3A_80 = arith.constant 40 : i32
      %scan3A_81 = arith.addi %scan3A_79, %scan3A_80 : i32
      %scan3A_82 = arith.constant 1 : i32
      scf.for %scan3A_84 = %scan3A_79 to %scan3A_81 step %scan3A_82  : i32 {
        %dma_wait3A = arith.constant 0 : i32
        %dma_wait3A_85 = arith.constant 0 : i32
        %dma_wait3A_86 = arith.constant 0 : i32
        %dma_wait3A_87 = tpu.memref_slice %arg11[%dma_wait3A_85, %dma_wait3A_86] : memref<2x128xi32, #tpu.memory_space<vmem>> -> memref<1x128xi32, #tpu.memory_space<vmem>>
        %dma_wait3A_88 = tpu.memref_squeeze %dma_wait3A_87 : memref<1x128xi32, #tpu.memory_space<vmem>> -> memref<128xi32, #tpu.memory_space<vmem>>
        %dma_wait3A_89 = arith.constant 0 : i32
        %dma_wait3A_90 = tpu.memref_slice %arg4[%arg1, %dma_wait3A, %dma_wait3A_89] : memref<16x80x128xi32, #tpu.memory_space<hbm>> -> memref<1x1x128xi32, #tpu.memory_space<hbm>>
        %dma_wait3A_91 = tpu.memref_squeeze %dma_wait3A_90 : memref<1x1x128xi32, #tpu.memory_space<hbm>> -> memref<128xi32, #tpu.memory_space<hbm>>
        %dma_wait3A_92 = arith.constant 0 : i32
        %dma_wait3A_93 = tpu.memref_slice %arg11[%dma_wait3A_85, %dma_wait3A_92] : memref<2x128xi32, #tpu.memory_space<vmem>> -> memref<1x128xi32, #tpu.memory_space<vmem>>
        %dma_wait3A_94 = tpu.memref_squeeze %dma_wait3A_93 : memref<1x128xi32, #tpu.memory_space<vmem>> -> memref<128xi32, #tpu.memory_space<vmem>>
        %dma_wait3A_95 = arith.constant 0 : i32
        %dma_wait3A_96 = tpu.memref_slice %arg4[%arg1, %dma_wait3A, %dma_wait3A_95] : memref<16x80x128xi32, #tpu.memory_space<hbm>> -> memref<1x1x128xi32, #tpu.memory_space<hbm>>
        %dma_wait3A_97 = tpu.memref_squeeze %dma_wait3A_96 : memref<1x1x128xi32, #tpu.memory_space<hbm>> -> memref<128xi32, #tpu.memory_space<hbm>>
        tpu.wait_dma2 semaphore(%arg14 : memref<!tpu.dma_semaphore, #tpu.memory_space<semaphore_mem>>) src(%dma_wait3A_97 : memref<128xi32, #tpu.memory_space<hbm>>) dst(%dma_wait3A_94 : memref<128xi32, #tpu.memory_space<vmem>>)
        %dma_wait3A_98 = arith.constant 0 : i32
        %dma_wait3A_99 = arith.constant 0 : i32
        %dma_wait3A_100 = arith.constant 0 : i32
        %dma_wait3A_101 = tpu.memref_slice %arg12[%dma_wait3A_98, %dma_wait3A_99, %dma_wait3A_100] : memref<2x128x128xf32, #tpu.memory_space<vmem>> -> memref<1x128x128xf32, #tpu.memory_space<vmem>>
        %dma_wait3A_102 = tpu.memref_squeeze %dma_wait3A_101 : memref<1x128x128xf32, #tpu.memory_space<vmem>> -> memref<128x128xf32, #tpu.memory_space<vmem>>
        %dma_wait3A_103 = arith.constant 0 : i32
        %dma_wait3A_104 = arith.constant 0 : i32
        %dma_wait3A_105 = tpu.memref_slice %arg5[%dma_wait3A_103, %dma_wait3A_104] : memref<10240x128xf32, #tpu.memory_space<hbm>> -> memref<128x128xf32, #tpu.memory_space<hbm>>
        %dma_wait3A_106 = arith.constant 0 : i32
        %dma_wait3A_107 = arith.constant 0 : i32
        %dma_wait3A_108 = tpu.memref_slice %arg12[%dma_wait3A_98, %dma_wait3A_106, %dma_wait3A_107] : memref<2x128x128xf32, #tpu.memory_space<vmem>> -> memref<1x128x128xf32, #tpu.memory_space<vmem>>
        %dma_wait3A_109 = tpu.memref_squeeze %dma_wait3A_108 : memref<1x128x128xf32, #tpu.memory_space<vmem>> -> memref<128x128xf32, #tpu.memory_space<vmem>>
        %dma_wait3A_110 = arith.constant 0 : i32
        %dma_wait3A_111 = arith.constant 0 : i32
        %dma_wait3A_112 = tpu.memref_slice %arg5[%dma_wait3A_110, %dma_wait3A_111] : memref<10240x128xf32, #tpu.memory_space<hbm>> -> memref<128x128xf32, #tpu.memory_space<hbm>>
        tpu.wait_dma2 semaphore(%arg14 : memref<!tpu.dma_semaphore, #tpu.memory_space<semaphore_mem>>) src(%dma_wait3A_112 : memref<128x128xf32, #tpu.memory_space<hbm>>) dst(%dma_wait3A_109 : memref<128x128xf32, #tpu.memory_space<vmem>>)
        %run_scoped3A = arith.constant 0 : i32
        %run_scoped3A_113 = arith.constant 0 : i32
        "tpu.region"() ({
          %run_scoped3A_154 = tpu.sem_alloc : memref<!tpu.dma_semaphore, #tpu.memory_space<semaphore_mem>>
          %dma_start3A_155 = arith.constant 0 : i32
          %dma_start3A_156 = arith.constant 0 : i32
          %dma_start3A_157 = tpu.memref_slice %arg12[%run_scoped3A, %dma_start3A_155, %dma_start3A_156] : memref<2x128x128xf32, #tpu.memory_space<vmem>> -> memref<1x128x128xf32, #tpu.memory_space<vmem>>
          %dma_start3A_158 = tpu.memref_squeeze %dma_start3A_157 : memref<1x128x128xf32, #tpu.memory_space<vmem>> -> memref<128x128xf32, #tpu.memory_space<vmem>>
          %dma_start3A_159 = arith.constant 0 : i32
          %dma_start3A_160 = tpu.memref_slice %arg11[%run_scoped3A_113, %dma_start3A_159] : memref<2x128xi32, #tpu.memory_space<vmem>> -> memref<1x128xi32, #tpu.memory_space<vmem>>
          %dma_start3A_161 = tpu.memref_squeeze %dma_start3A_160 : memref<1x128xi32, #tpu.memory_space<vmem>> -> memref<128xi32, #tpu.memory_space<vmem>>
          %dma_start3A_162 = arith.constant 0 : i32
          %dma_start3A_163 = arith.constant 0 : i32
          %dma_start3A_164 = tpu.memref_slice %arg13[%dma_start3A_162, %dma_start3A_163] : memref<10112x128xf32, #tpu.memory_space<vmem_shared>> -> memref<10112x128xf32, #tpu.memory_space<vmem_shared>>
          tpu.enqueue_indirect_dma source(%dma_start3A_158 : memref<128x128xf32, #tpu.memory_space<vmem>>) target(%dma_start3A_164 : memref<10112x128xf32, #tpu.memory_space<vmem_shared>>) offsets(%dma_start3A_161 : memref<128xi32, #tpu.memory_space<vmem>>) semaphore(%run_scoped3A_154 : memref<!tpu.dma_semaphore, #tpu.memory_space<semaphore_mem>>) {add = true}
          %dma_wait3A_165 = arith.constant 0 : i32
          %dma_wait3A_166 = arith.constant 0 : i32
          %dma_wait3A_167 = tpu.memref_slice %arg12[%run_scoped3A, %dma_wait3A_165, %dma_wait3A_166] : memref<2x128x128xf32, #tpu.memory_space<vmem>> -> memref<1x128x128xf32, #tpu.memory_space<vmem>>
          %dma_wait3A_168 = tpu.memref_squeeze %dma_wait3A_167 : memref<1x128x128xf32, #tpu.memory_space<vmem>> -> memref<128x128xf32, #tpu.memory_space<vmem>>
          %dma_wait3A_169 = arith.constant 0 : i32
          %dma_wait3A_170 = tpu.memref_slice %arg11[%run_scoped3A_113, %dma_wait3A_169] : memref<2x128xi32, #tpu.memory_space<vmem>> -> memref<1x128xi32, #tpu.memory_space<vmem>>
          %dma_wait3A_171 = tpu.memref_squeeze %dma_wait3A_170 : memref<1x128xi32, #tpu.memory_space<vmem>> -> memref<128xi32, #tpu.memory_space<vmem>>
          %dma_wait3A_172 = arith.constant 0 : i32
          %dma_wait3A_173 = arith.constant 0 : i32
          %dma_wait3A_174 = tpu.memref_slice %arg13[%dma_wait3A_172, %dma_wait3A_173] : memref<10112x128xf32, #tpu.memory_space<vmem_shared>> -> memref<10112x128xf32, #tpu.memory_space<vmem_shared>>
          tpu.wait_indirect_dma semaphore(%run_scoped3A_154 : memref<!tpu.dma_semaphore, #tpu.memory_space<semaphore_mem>>) src(%dma_wait3A_168 : memref<128x128xf32, #tpu.memory_space<vmem>>) dst(%dma_wait3A_174 : memref<10112x128xf32, #tpu.memory_space<vmem_shared>>)
          tpu.yield
        }) : () -> ()
        %lt3A = arith.constant 39 : i32
        %lt3A_114 = arith.cmpi slt, %scan3A_84, %lt3A : i32
        %convert_element_type3A_115 = arith.extui %lt3A_114 : i1 to i32
        %cond3A_116 = arith.constant 0 : i32
        %cond3A_117 = arith.cmpi ne, %convert_element_type3A_115, %cond3A_116 : i32
        scf.if %cond3A_117 {
          %mul3A_154 = arith.constant 2 : i32
          %mul3A_155 = arith.muli %mul3A_154, %scan3A_84 : i32
          %add3A = arith.constant 2 : i32
          %add3A_156 = arith.addi %mul3A_155, %add3A : i32
          %dma_start3A_157 = arith.constant 0 : i32
          %dma_start3A_158 = arith.constant 0 : i32
          %dma_start3A_159 = tpu.memref_slice %arg11[%dma_start3A_157, %dma_start3A_158] : memref<2x128xi32, #tpu.memory_space<vmem>> -> memref<1x128xi32, #tpu.memory_space<vmem>>
          %dma_start3A_160 = tpu.memref_squeeze %dma_start3A_159 : memref<1x128xi32, #tpu.memory_space<vmem>> -> memref<128xi32, #tpu.memory_space<vmem>>
          %dma_start3A_161 = arith.constant 0 : i32
          %dma_start3A_162 = tpu.memref_slice %arg4[%arg1, %add3A_156, %dma_start3A_161] : memref<16x80x128xi32, #tpu.memory_space<hbm>> -> memref<1x1x128xi32, #tpu.memory_space<hbm>>
          %dma_start3A_163 = tpu.memref_squeeze %dma_start3A_162 : memref<1x1x128xi32, #tpu.memory_space<hbm>> -> memref<128xi32, #tpu.memory_space<hbm>>
          %dma_start3A_164 = arith.constant 0 : i32
          %dma_start3A_165 = tpu.memref_slice %arg11[%dma_start3A_157, %dma_start3A_164] : memref<2x128xi32, #tpu.memory_space<vmem>> -> memref<1x128xi32, #tpu.memory_space<vmem>>
          %dma_start3A_166 = tpu.memref_squeeze %dma_start3A_165 : memref<1x128xi32, #tpu.memory_space<vmem>> -> memref<128xi32, #tpu.memory_space<vmem>>
          %dma_start3A_167 = arith.constant 0 : i32
          %dma_start3A_168 = tpu.memref_slice %arg4[%arg1, %add3A_156, %dma_start3A_167] : memref<16x80x128xi32, #tpu.memory_space<hbm>> -> memref<1x1x128xi32, #tpu.memory_space<hbm>>
          %dma_start3A_169 = tpu.memref_squeeze %dma_start3A_168 : memref<1x1x128xi32, #tpu.memory_space<hbm>> -> memref<128xi32, #tpu.memory_space<hbm>>
          tpu.enqueue_dma source(%dma_start3A_169 : memref<128xi32, #tpu.memory_space<hbm>>) target(%dma_start3A_166 : memref<128xi32, #tpu.memory_space<vmem>>) target_semaphore(%arg14 : memref<!tpu.dma_semaphore, #tpu.memory_space<semaphore_mem>>)
          %dma_start3A_170 = arith.constant 0 : i32
          %dma_start3A_171 = arith.constant 0 : i32
          %dma_start3A_172 = arith.constant 0 : i32
          %dma_start3A_173 = tpu.memref_slice %arg12[%dma_start3A_170, %dma_start3A_171, %dma_start3A_172] : memref<2x128x128xf32, #tpu.memory_space<vmem>> -> memref<1x128x128xf32, #tpu.memory_space<vmem>>
          %dma_start3A_174 = tpu.memref_squeeze %dma_start3A_173 : memref<1x128x128xf32, #tpu.memory_space<vmem>> -> memref<128x128xf32, #tpu.memory_space<vmem>>
          %dma_start3A_175 = arith.constant 0 : i32
          %dma_start3A_176 = tpu.memref_slice %arg10[%add3A_156, %dma_start3A_175] : memref<80x128xi32, #tpu.memory_space<vmem>> -> memref<1x128xi32, #tpu.memory_space<vmem>>
          %dma_start3A_177 = tpu.memref_squeeze %dma_start3A_176 : memref<1x128xi32, #tpu.memory_space<vmem>> -> memref<128xi32, #tpu.memory_space<vmem>>
          %dma_start3A_178 = arith.constant 0 : i32
          %dma_start3A_179 = arith.constant 0 : i32
          %dma_start3A_180 = tpu.memref_slice %arg2[%dma_start3A_178, %dma_start3A_179] : memref<10240x128xf32, #tpu.memory_space<hbm>> -> memref<10240x128xf32, #tpu.memory_space<hbm>>
          tpu.enqueue_indirect_dma source(%dma_start3A_180 : memref<10240x128xf32, #tpu.memory_space<hbm>>) target(%dma_start3A_174 : memref<128x128xf32, #tpu.memory_space<vmem>>) offsets(%dma_start3A_177 : memref<128xi32, #tpu.memory_space<vmem>>) semaphore(%arg14 : memref<!tpu.dma_semaphore, #tpu.memory_space<semaphore_mem>>)
        } else {
        }
        %dma_wait3A_118 = arith.constant 0 : i32
        %dma_wait3A_119 = arith.constant 1 : i32
        %dma_wait3A_120 = arith.constant 0 : i32
        %dma_wait3A_121 = tpu.memref_slice %arg11[%dma_wait3A_119, %dma_wait3A_120] : memref<2x128xi32, #tpu.memory_space<vmem>> -> memref<1x128xi32, #tpu.memory_space<vmem>>
        %dma_wait3A_122 = tpu.memref_squeeze %dma_wait3A_121 : memref<1x128xi32, #tpu.memory_space<vmem>> -> memref<128xi32, #tpu.memory_space<vmem>>
        %dma_wait3A_123 = arith.constant 0 : i32
        %dma_wait3A_124 = tpu.memref_slice %arg4[%arg1, %dma_wait3A_118, %dma_wait3A_123] : memref<16x80x128xi32, #tpu.memory_space<hbm>> -> memref<1x1x128xi32, #tpu.memory_space<hbm>>
        %dma_wait3A_125 = tpu.memref_squeeze %dma_wait3A_124 : memref<1x1x128xi32, #tpu.memory_space<hbm>> -> memref<128xi32, #tpu.memory_space<hbm>>
        %dma_wait3A_126 = arith.constant 0 : i32
        %dma_wait3A_127 = tpu.memref_slice %arg11[%dma_wait3A_119, %dma_wait3A_126] : memref<2x128xi32, #tpu.memory_space<vmem>> -> memref<1x128xi32, #tpu.memory_space<vmem>>
        %dma_wait3A_128 = tpu.memref_squeeze %dma_wait3A_127 : memref<1x128xi32, #tpu.memory_space<vmem>> -> memref<128xi32, #tpu.memory_space<vmem>>
        %dma_wait3A_129 = arith.constant 0 : i32
        %dma_wait3A_130 = tpu.memref_slice %arg4[%arg1, %dma_wait3A_118, %dma_wait3A_129] : memref<16x80x128xi32, #tpu.memory_space<hbm>> -> memref<1x1x128xi32, #tpu.memory_space<hbm>>
        %dma_wait3A_131 = tpu.memref_squeeze %dma_wait3A_130 : memref<1x1x128xi32, #tpu.memory_space<hbm>> -> memref<128xi32, #tpu.memory_space<hbm>>
        tpu.wait_dma2 semaphore(%arg15 : memref<!tpu.dma_semaphore, #tpu.memory_space<semaphore_mem>>) src(%dma_wait3A_131 : memref<128xi32, #tpu.memory_space<hbm>>) dst(%dma_wait3A_128 : memref<128xi32, #tpu.memory_space<vmem>>)
        %dma_wait3A_132 = arith.constant 1 : i32
        %dma_wait3A_133 = arith.constant 0 : i32
        %dma_wait3A_134 = arith.constant 0 : i32
        %dma_wait3A_135 = tpu.memref_slice %arg12[%dma_wait3A_132, %dma_wait3A_133, %dma_wait3A_134] : memref<2x128x128xf32, #tpu.memory_space<vmem>> -> memref<1x128x128xf32, #tpu.memory_space<vmem>>
        %dma_wait3A_136 = tpu.memref_squeeze %dma_wait3A_135 : memref<1x128x128xf32, #tpu.memory_space<vmem>> -> memref<128x128xf32, #tpu.memory_space<vmem>>
        %dma_wait3A_137 = arith.constant 0 : i32
        %dma_wait3A_138 = arith.constant 0 : i32
        %dma_wait3A_139 = tpu.memref_slice %arg5[%dma_wait3A_137, %dma_wait3A_138] : memref<10240x128xf32, #tpu.memory_space<hbm>> -> memref<128x128xf32, #tpu.memory_space<hbm>>
        %dma_wait3A_140 = arith.constant 0 : i32
        %dma_wait3A_141 = arith.constant 0 : i32
        %dma_wait3A_142 = tpu.memref_slice %arg12[%dma_wait3A_132, %dma_wait3A_140, %dma_wait3A_141] : memref<2x128x128xf32, #tpu.memory_space<vmem>> -> memref<1x128x128xf32, #tpu.memory_space<vmem>>
        %dma_wait3A_143 = tpu.memref_squeeze %dma_wait3A_142 : memref<1x128x128xf32, #tpu.memory_space<vmem>> -> memref<128x128xf32, #tpu.memory_space<vmem>>
        %dma_wait3A_144 = arith.constant 0 : i32
        %dma_wait3A_145 = arith.constant 0 : i32
        %dma_wait3A_146 = tpu.memref_slice %arg5[%dma_wait3A_144, %dma_wait3A_145] : memref<10240x128xf32, #tpu.memory_space<hbm>> -> memref<128x128xf32, #tpu.memory_space<hbm>>
        tpu.wait_dma2 semaphore(%arg15 : memref<!tpu.dma_semaphore, #tpu.memory_space<semaphore_mem>>) src(%dma_wait3A_146 : memref<128x128xf32, #tpu.memory_space<hbm>>) dst(%dma_wait3A_143 : memref<128x128xf32, #tpu.memory_space<vmem>>)
        %run_scoped3A_147 = arith.constant 1 : i32
        %run_scoped3A_148 = arith.constant 1 : i32
        "tpu.region"() ({
          %run_scoped3A_154 = tpu.sem_alloc : memref<!tpu.dma_semaphore, #tpu.memory_space<semaphore_mem>>
          %dma_start3A_155 = arith.constant 0 : i32
          %dma_start3A_156 = arith.constant 0 : i32
          %dma_start3A_157 = tpu.memref_slice %arg12[%run_scoped3A_147, %dma_start3A_155, %dma_start3A_156] : memref<2x128x128xf32, #tpu.memory_space<vmem>> -> memref<1x128x128xf32, #tpu.memory_space<vmem>>
          %dma_start3A_158 = tpu.memref_squeeze %dma_start3A_157 : memref<1x128x128xf32, #tpu.memory_space<vmem>> -> memref<128x128xf32, #tpu.memory_space<vmem>>
          %dma_start3A_159 = arith.constant 0 : i32
          %dma_start3A_160 = tpu.memref_slice %arg11[%run_scoped3A_148, %dma_start3A_159] : memref<2x128xi32, #tpu.memory_space<vmem>> -> memref<1x128xi32, #tpu.memory_space<vmem>>
          %dma_start3A_161 = tpu.memref_squeeze %dma_start3A_160 : memref<1x128xi32, #tpu.memory_space<vmem>> -> memref<128xi32, #tpu.memory_space<vmem>>
          %dma_start3A_162 = arith.constant 0 : i32
          %dma_start3A_163 = arith.constant 0 : i32
          %dma_start3A_164 = tpu.memref_slice %arg13[%dma_start3A_162, %dma_start3A_163] : memref<10112x128xf32, #tpu.memory_space<vmem_shared>> -> memref<10112x128xf32, #tpu.memory_space<vmem_shared>>
          tpu.enqueue_indirect_dma source(%dma_start3A_158 : memref<128x128xf32, #tpu.memory_space<vmem>>) target(%dma_start3A_164 : memref<10112x128xf32, #tpu.memory_space<vmem_shared>>) offsets(%dma_start3A_161 : memref<128xi32, #tpu.memory_space<vmem>>) semaphore(%run_scoped3A_154 : memref<!tpu.dma_semaphore, #tpu.memory_space<semaphore_mem>>) {add = true}
          %dma_wait3A_165 = arith.constant 0 : i32
          %dma_wait3A_166 = arith.constant 0 : i32
          %dma_wait3A_167 = tpu.memref_slice %arg12[%run_scoped3A_147, %dma_wait3A_165, %dma_wait3A_166] : memref<2x128x128xf32, #tpu.memory_space<vmem>> -> memref<1x128x128xf32, #tpu.memory_space<vmem>>
          %dma_wait3A_168 = tpu.memref_squeeze %dma_wait3A_167 : memref<1x128x128xf32, #tpu.memory_space<vmem>> -> memref<128x128xf32, #tpu.memory_space<vmem>>
          %dma_wait3A_169 = arith.constant 0 : i32
          %dma_wait3A_170 = tpu.memref_slice %arg11[%run_scoped3A_148, %dma_wait3A_169] : memref<2x128xi32, #tpu.memory_space<vmem>> -> memref<1x128xi32, #tpu.memory_space<vmem>>
          %dma_wait3A_171 = tpu.memref_squeeze %dma_wait3A_170 : memref<1x128xi32, #tpu.memory_space<vmem>> -> memref<128xi32, #tpu.memory_space<vmem>>
          %dma_wait3A_172 = arith.constant 0 : i32
          %dma_wait3A_173 = arith.constant 0 : i32
          %dma_wait3A_174 = tpu.memref_slice %arg13[%dma_wait3A_172, %dma_wait3A_173] : memref<10112x128xf32, #tpu.memory_space<vmem_shared>> -> memref<10112x128xf32, #tpu.memory_space<vmem_shared>>
          tpu.wait_indirect_dma semaphore(%run_scoped3A_154 : memref<!tpu.dma_semaphore, #tpu.memory_space<semaphore_mem>>) src(%dma_wait3A_168 : memref<128x128xf32, #tpu.memory_space<vmem>>) dst(%dma_wait3A_174 : memref<10112x128xf32, #tpu.memory_space<vmem_shared>>)
          tpu.yield
        }) : () -> ()
        %lt3A_149 = arith.constant 39 : i32
        %lt3A_150 = arith.cmpi slt, %scan3A_84, %lt3A_149 : i32
        %convert_element_type3A_151 = arith.extui %lt3A_150 : i1 to i32
        %cond3A_152 = arith.constant 0 : i32
        %cond3A_153 = arith.cmpi ne, %convert_element_type3A_151, %cond3A_152 : i32
        scf.if %cond3A_153 {
          %mul3A_154 = arith.constant 2 : i32
          %mul3A_155 = arith.muli %mul3A_154, %scan3A_84 : i32
          %add3A = arith.constant 3 : i32
          %add3A_156 = arith.addi %mul3A_155, %add3A : i32
          %dma_start3A_157 = arith.constant 1 : i32
          %dma_start3A_158 = arith.constant 0 : i32
          %dma_start3A_159 = tpu.memref_slice %arg11[%dma_start3A_157, %dma_start3A_158] : memref<2x128xi32, #tpu.memory_space<vmem>> -> memref<1x128xi32, #tpu.memory_space<vmem>>
          %dma_start3A_160 = tpu.memref_squeeze %dma_start3A_159 : memref<1x128xi32, #tpu.memory_space<vmem>> -> memref<128xi32, #tpu.memory_space<vmem>>
          %dma_start3A_161 = arith.constant 0 : i32
          %dma_start3A_162 = tpu.memref_slice %arg4[%arg1, %add3A_156, %dma_start3A_161] : memref<16x80x128xi32, #tpu.memory_space<hbm>> -> memref<1x1x128xi32, #tpu.memory_space<hbm>>
          %dma_start3A_163 = tpu.memref_squeeze %dma_start3A_162 : memref<1x1x128xi32, #tpu.memory_space<hbm>> -> memref<128xi32, #tpu.memory_space<hbm>>
          %dma_start3A_164 = arith.constant 0 : i32
          %dma_start3A_165 = tpu.memref_slice %arg11[%dma_start3A_157, %dma_start3A_164] : memref<2x128xi32, #tpu.memory_space<vmem>> -> memref<1x128xi32, #tpu.memory_space<vmem>>
          %dma_start3A_166 = tpu.memref_squeeze %dma_start3A_165 : memref<1x128xi32, #tpu.memory_space<vmem>> -> memref<128xi32, #tpu.memory_space<vmem>>
          %dma_start3A_167 = arith.constant 0 : i32
          %dma_start3A_168 = tpu.memref_slice %arg4[%arg1, %add3A_156, %dma_start3A_167] : memref<16x80x128xi32, #tpu.memory_space<hbm>> -> memref<1x1x128xi32, #tpu.memory_space<hbm>>
          %dma_start3A_169 = tpu.memref_squeeze %dma_start3A_168 : memref<1x1x128xi32, #tpu.memory_space<hbm>> -> memref<128xi32, #tpu.memory_space<hbm>>
          tpu.enqueue_dma source(%dma_start3A_169 : memref<128xi32, #tpu.memory_space<hbm>>) target(%dma_start3A_166 : memref<128xi32, #tpu.memory_space<vmem>>) target_semaphore(%arg15 : memref<!tpu.dma_semaphore, #tpu.memory_space<semaphore_mem>>)
          %dma_start3A_170 = arith.constant 1 : i32
          %dma_start3A_171 = arith.constant 0 : i32
          %dma_start3A_172 = arith.constant 0 : i32
          %dma_start3A_173 = tpu.memref_slice %arg12[%dma_start3A_170, %dma_start3A_171, %dma_start3A_172] : memref<2x128x128xf32, #tpu.memory_space<vmem>> -> memref<1x128x128xf32, #tpu.memory_space<vmem>>
          %dma_start3A_174 = tpu.memref_squeeze %dma_start3A_173 : memref<1x128x128xf32, #tpu.memory_space<vmem>> -> memref<128x128xf32, #tpu.memory_space<vmem>>
          %dma_start3A_175 = arith.constant 0 : i32
          %dma_start3A_176 = tpu.memref_slice %arg10[%add3A_156, %dma_start3A_175] : memref<80x128xi32, #tpu.memory_space<vmem>> -> memref<1x128xi32, #tpu.memory_space<vmem>>
          %dma_start3A_177 = tpu.memref_squeeze %dma_start3A_176 : memref<1x128xi32, #tpu.memory_space<vmem>> -> memref<128xi32, #tpu.memory_space<vmem>>
          %dma_start3A_178 = arith.constant 0 : i32
          %dma_start3A_179 = arith.constant 0 : i32
          %dma_start3A_180 = tpu.memref_slice %arg2[%dma_start3A_178, %dma_start3A_179] : memref<10240x128xf32, #tpu.memory_space<hbm>> -> memref<10240x128xf32, #tpu.memory_space<hbm>>
          tpu.enqueue_indirect_dma source(%dma_start3A_180 : memref<10240x128xf32, #tpu.memory_space<hbm>>) target(%dma_start3A_174 : memref<128x128xf32, #tpu.memory_space<vmem>>) offsets(%dma_start3A_177 : memref<128xi32, #tpu.memory_space<vmem>>) semaphore(%arg15 : memref<!tpu.dma_semaphore, #tpu.memory_space<semaphore_mem>>)
        } else {
        }
      }
      %scan3A_83 = arith.constant 40 : i32
    } else {
    }
    %ne3A_12 = arith.constant 0 : i32
    %ne3A_13 = arith.cmpi ne, %arg0, %ne3A_12 : i32
    %convert_element_type3A_14 = arith.extui %ne3A_13 : i1 to i32
    %cond3A_15 = arith.constant 0 : i32
    %cond3A_16 = arith.cmpi ne, %convert_element_type3A_14, %cond3A_15 : i32
    scf.if %cond3A_16 {
      %scan3A = arith.constant 0 : i32
      %scan3A_28 = arith.constant 0 : i32
      %scan3A_29 = arith.constant 80 : i32
      %scan3A_30 = arith.addi %scan3A_28, %scan3A_29 : i32
      %scan3A_31 = arith.constant 1 : i32
      scf.for %scan3A_33 = %scan3A_28 to %scan3A_30 step %scan3A_31  : i32 {
        %run_scoped3A = arith.constant 0 : i32
        "tpu.region"() ({
          %run_scoped3A_34 = tpu.sem_alloc : memref<!tpu.dma_semaphore, #tpu.memory_space<semaphore_mem>>
          %dma_start3A = arith.constant 0 : i32
          %dma_start3A_35 = arith.constant 0 : i32
          %dma_start3A_36 = tpu.memref_slice %arg12[%run_scoped3A, %dma_start3A, %dma_start3A_35] : memref<2x128x128xf32, #tpu.memory_space<vmem>> -> memref<1x128x128xf32, #tpu.memory_space<vmem>>
          %dma_start3A_37 = tpu.memref_squeeze %dma_start3A_36 : memref<1x128x128xf32, #tpu.memory_space<vmem>> -> memref<128x128xf32, #tpu.memory_space<vmem>>
          %dma_start3A_38 = arith.constant 0 : i32
          %dma_start3A_39 = tpu.memref_slice %arg10[%scan3A_33, %dma_start3A_38] : memref<80x128xi32, #tpu.memory_space<vmem>> -> memref<1x128xi32, #tpu.memory_space<vmem>>
          %dma_start3A_40 = tpu.memref_squeeze %dma_start3A_39 : memref<1x128xi32, #tpu.memory_space<vmem>> -> memref<128xi32, #tpu.memory_space<vmem>>
          %dma_start3A_41 = arith.constant 0 : i32
          %dma_start3A_42 = arith.constant 0 : i32
          %dma_start3A_43 = tpu.memref_slice %arg13[%dma_start3A_41, %dma_start3A_42] : memref<10112x128xf32, #tpu.memory_space<vmem_shared>> -> memref<10112x128xf32, #tpu.memory_space<vmem_shared>>
          tpu.enqueue_indirect_dma source(%dma_start3A_37 : memref<128x128xf32, #tpu.memory_space<vmem>>) target(%dma_start3A_43 : memref<10112x128xf32, #tpu.memory_space<vmem_shared>>) offsets(%dma_start3A_40 : memref<128xi32, #tpu.memory_space<vmem>>) semaphore(%run_scoped3A_34 : memref<!tpu.dma_semaphore, #tpu.memory_space<semaphore_mem>>) {add = true}
          %dma_wait3A = arith.constant 0 : i32
          %dma_wait3A_44 = arith.constant 0 : i32
          %dma_wait3A_45 = tpu.memref_slice %arg12[%run_scoped3A, %dma_wait3A, %dma_wait3A_44] : memref<2x128x128xf32, #tpu.memory_space<vmem>> -> memref<1x128x128xf32, #tpu.memory_space<vmem>>
          %dma_wait3A_46 = tpu.memref_squeeze %dma_wait3A_45 : memref<1x128x128xf32, #tpu.memory_space<vmem>> -> memref<128x128xf32, #tpu.memory_space<vmem>>
          %dma_wait3A_47 = arith.constant 0 : i32
          %dma_wait3A_48 = tpu.memref_slice %arg10[%scan3A_33, %dma_wait3A_47] : memref<80x128xi32, #tpu.memory_space<vmem>> -> memref<1x128xi32, #tpu.memory_space<vmem>>
          %dma_wait3A_49 = tpu.memref_squeeze %dma_wait3A_48 : memref<1x128xi32, #tpu.memory_space<vmem>> -> memref<128xi32, #tpu.memory_space<vmem>>
          %dma_wait3A_50 = arith.constant 0 : i32
          %dma_wait3A_51 = arith.constant 0 : i32
          %dma_wait3A_52 = tpu.memref_slice %arg13[%dma_wait3A_50, %dma_wait3A_51] : memref<10112x128xf32, #tpu.memory_space<vmem_shared>> -> memref<10112x128xf32, #tpu.memory_space<vmem_shared>>
          tpu.wait_indirect_dma semaphore(%run_scoped3A_34 : memref<!tpu.dma_semaphore, #tpu.memory_space<semaphore_mem>>) src(%dma_wait3A_46 : memref<128x128xf32, #tpu.memory_space<vmem>>) dst(%dma_wait3A_52 : memref<10112x128xf32, #tpu.memory_space<vmem_shared>>)
          tpu.yield
        }) : () -> ()
      }
      %scan3A_32 = arith.constant 80 : i32
    } else {
    }
    %barrier3A_17 = arith.constant 0 : index
    tpu.barrier barrier_id(%barrier3A_17)
    %eq3A_18 = arith.constant 0 : i32
    %eq3A_19 = arith.cmpi eq, %arg0, %eq3A_18 : i32
    %convert_element_type3A_20 = arith.extui %eq3A_19 : i1 to i32
    %cond3A_21 = arith.constant 0 : i32
    %cond3A_22 = arith.cmpi ne, %convert_element_type3A_20, %cond3A_21 : i32
    scf.if %cond3A_22 {
      "tpu.region"() ({
        %run_scoped3A = tpu.sem_alloc : memref<!tpu.dma_semaphore, #tpu.memory_space<semaphore_mem>>
        %dma_start3A = arith.constant 0 : i32
        %dma_start3A_28 = tpu.memref_slice %arg8[%mul3A_0, %dma_start3A] : memref<10240x128xf32, #tpu.memory_space<hbm>> -> memref<632x128xf32, #tpu.memory_space<hbm>>
        %dma_start3A_29 = arith.constant 0 : i32
        %dma_start3A_30 = tpu.memref_slice %arg13[%mul3A_0, %dma_start3A_29] : memref<10112x128xf32, #tpu.memory_space<vmem_shared>> -> memref<632x128xf32, #tpu.memory_space<vmem_shared>>
        tpu.enqueue_dma source(%dma_start3A_30 : memref<632x128xf32, #tpu.memory_space<vmem_shared>>) target(%dma_start3A_28 : memref<632x128xf32, #tpu.memory_space<hbm>>) target_semaphore(%run_scoped3A : memref<!tpu.dma_semaphore, #tpu.memory_space<semaphore_mem>>)
        %dma_wait3A = arith.constant 0 : i32
        %dma_wait3A_31 = tpu.memref_slice %arg8[%mul3A_0, %dma_wait3A] : memref<10240x128xf32, #tpu.memory_space<hbm>> -> memref<632x128xf32, #tpu.memory_space<hbm>>
        %dma_wait3A_32 = arith.constant 0 : i32
        %dma_wait3A_33 = tpu.memref_slice %arg13[%mul3A_0, %dma_wait3A_32] : memref<10112x128xf32, #tpu.memory_space<vmem_shared>> -> memref<632x128xf32, #tpu.memory_space<vmem_shared>>
        tpu.wait_dma2 semaphore(%run_scoped3A : memref<!tpu.dma_semaphore, #tpu.memory_space<semaphore_mem>>) src(%dma_wait3A_33 : memref<632x128xf32, #tpu.memory_space<vmem_shared>>) dst(%dma_wait3A_31 : memref<632x128xf32, #tpu.memory_space<hbm>>)
        tpu.yield
      }) : () -> ()
    } else {
    }
    %ne3A_23 = arith.constant 0 : i32
    %ne3A_24 = arith.cmpi ne, %arg0, %ne3A_23 : i32
    %convert_element_type3A_25 = arith.extui %ne3A_24 : i1 to i32
    %cond3A_26 = arith.constant 0 : i32
    %cond3A_27 = arith.cmpi ne, %convert_element_type3A_25, %cond3A_26 : i32
    scf.if %cond3A_27 {
      "tpu.region"() ({
        %run_scoped3A = tpu.sem_alloc : memref<!tpu.dma_semaphore, #tpu.memory_space<semaphore_mem>>
        %dma_start3A = arith.constant 0 : i32
        %dma_start3A_28 = tpu.memref_slice %arg9[%mul3A_0, %dma_start3A] : memref<10240x128xf32, #tpu.memory_space<hbm>> -> memref<632x128xf32, #tpu.memory_space<hbm>>
        %dma_start3A_29 = arith.constant 0 : i32
        %dma_start3A_30 = tpu.memref_slice %arg13[%mul3A_0, %dma_start3A_29] : memref<10112x128xf32, #tpu.memory_space<vmem_shared>> -> memref<632x128xf32, #tpu.memory_space<vmem_shared>>
        tpu.enqueue_dma source(%dma_start3A_30 : memref<632x128xf32, #tpu.memory_space<vmem_shared>>) target(%dma_start3A_28 : memref<632x128xf32, #tpu.memory_space<hbm>>) target_semaphore(%run_scoped3A : memref<!tpu.dma_semaphore, #tpu.memory_space<semaphore_mem>>)
        %dma_wait3A = arith.constant 0 : i32
        %dma_wait3A_31 = tpu.memref_slice %arg9[%mul3A_0, %dma_wait3A] : memref<10240x128xf32, #tpu.memory_space<hbm>> -> memref<632x128xf32, #tpu.memory_space<hbm>>
        %dma_wait3A_32 = arith.constant 0 : i32
        %dma_wait3A_33 = tpu.memref_slice %arg13[%mul3A_0, %dma_wait3A_32] : memref<10112x128xf32, #tpu.memory_space<vmem_shared>> -> memref<632x128xf32, #tpu.memory_space<vmem_shared>>
        tpu.wait_dma2 semaphore(%run_scoped3A : memref<!tpu.dma_semaphore, #tpu.memory_space<semaphore_mem>>) src(%dma_wait3A_33 : memref<632x128xf32, #tpu.memory_space<vmem_shared>>) dst(%dma_wait3A_31 : memref<632x128xf32, #tpu.memory_space<hbm>>)
        tpu.yield
      }) : () -> ()
    } else {
    }
    return
  }
}

#map = affine_map<(d0, d1) -> (0, 0)>
#map1 = affine_map<(d0, d1) -> (0, 0, 0)>
module attributes {stable_mosaic.version = 14 : i64} {
  func.func @body(%arg0: i32, %arg1: i32, %arg2: memref<10240x128xf32, #tpu.memory_space<hbm>>, %arg3: memref<16x80x128xi32, #tpu.memory_space<hbm>>, %arg4: memref<16x80x128xi32, #tpu.memory_space<hbm>>, %arg5: memref<10240x128xf32, #tpu.memory_space<hbm>>, %arg6: memref<10240x128xf32, #tpu.memory_space<hbm>>, %arg7: memref<80x128xi32, #tpu.memory_space<vmem>>, %arg8: memref<2x128xi32, #tpu.memory_space<vmem>>, %arg9: memref<2x128x128xf32, #tpu.memory_space<vmem>>, %arg10: memref<10112x128xf32, #tpu.memory_space<vmem_shared>>, %arg11: memref<!tpu.dma_semaphore, #tpu.memory_space<semaphore_mem>>, %arg12: memref<!tpu.dma_semaphore, #tpu.memory_space<semaphore_mem>>) attributes {dimension_semantics = [#tpu.dimension_semantics<core_parallel>, #tpu.dimension_semantics<subcore_parallel>], iteration_bounds = array<i64: 2, 16>, scalar_prefetch = 0 : i64, scratch_operands = 6 : i64, tpu.core_type = #tpu.core_type<sc_vector_subcore>, window_params = [{transform_indices = #map}, {transform_indices = #map1}, {transform_indices = #map1}, {transform_indices = #map}, {transform_indices = #map}]} {
    %mul3A = arith.constant 632 : i32
    %mul3A_0 = arith.muli %arg1, %mul3A : i32
    %eq3A = arith.constant 0 : i32
    %eq3A_1 = arith.cmpi eq, %arg0, %eq3A : i32
    %convert_element_type3A = arith.extui %eq3A_1 : i1 to i32
    %cond3A = arith.constant 0 : i32
    %cond3A_2 = arith.cmpi ne, %convert_element_type3A, %cond3A : i32
    scf.if %cond3A_2 {
      "tpu.region"() ({
        %run_scoped3A = tpu.sem_alloc : memref<!tpu.dma_semaphore, #tpu.memory_space<semaphore_mem>>
        %dma_start3A = arith.constant 0 : i32
        %dma_start3A_14 = tpu.memref_slice %arg10[%mul3A_0, %dma_start3A] : memref<10112x128xf32, #tpu.memory_space<vmem_shared>> -> memref<632x128xf32, #tpu.memory_space<vmem_shared>>
        %dma_start3A_15 = arith.constant 0 : i32
        %dma_start3A_16 = tpu.memref_slice %arg5[%mul3A_0, %dma_start3A_15] : memref<10240x128xf32, #tpu.memory_space<hbm>> -> memref<632x128xf32, #tpu.memory_space<hbm>>
        tpu.enqueue_dma source(%dma_start3A_16 : memref<632x128xf32, #tpu.memory_space<hbm>>) target(%dma_start3A_14 : memref<632x128xf32, #tpu.memory_space<vmem_shared>>) target_semaphore(%run_scoped3A : memref<!tpu.dma_semaphore, #tpu.memory_space<semaphore_mem>>)
        %dma_wait3A = arith.constant 0 : i32
        %dma_wait3A_17 = tpu.memref_slice %arg10[%mul3A_0, %dma_wait3A] : memref<10112x128xf32, #tpu.memory_space<vmem_shared>> -> memref<632x128xf32, #tpu.memory_space<vmem_shared>>
        %dma_wait3A_18 = arith.constant 0 : i32
        %dma_wait3A_19 = tpu.memref_slice %arg5[%mul3A_0, %dma_wait3A_18] : memref<10240x128xf32, #tpu.memory_space<hbm>> -> memref<632x128xf32, #tpu.memory_space<hbm>>
        tpu.wait_dma2 semaphore(%run_scoped3A : memref<!tpu.dma_semaphore, #tpu.memory_space<semaphore_mem>>) src(%dma_wait3A_19 : memref<632x128xf32, #tpu.memory_space<hbm>>) dst(%dma_wait3A_17 : memref<632x128xf32, #tpu.memory_space<vmem_shared>>)
        tpu.yield
      }) : () -> ()
      "tpu.region"() ({
        %run_scoped3A = tpu.sem_alloc : memref<!tpu.dma_semaphore, #tpu.memory_space<semaphore_mem>>
        %dma_start3A = arith.constant 0 : i32
        %dma_start3A_14 = arith.constant 0 : i32
        %dma_start3A_15 = tpu.memref_slice %arg3[%arg1, %dma_start3A, %dma_start3A_14] : memref<16x80x128xi32, #tpu.memory_space<hbm>> -> memref<1x80x128xi32, #tpu.memory_space<hbm>>
        %dma_start3A_16 = tpu.memref_squeeze %dma_start3A_15 : memref<1x80x128xi32, #tpu.memory_space<hbm>> -> memref<80x128xi32, #tpu.memory_space<hbm>>
        %dma_start3A_17 = arith.constant 0 : i32
        %dma_start3A_18 = arith.constant 0 : i32
        %dma_start3A_19 = tpu.memref_slice %arg3[%arg1, %dma_start3A_17, %dma_start3A_18] : memref<16x80x128xi32, #tpu.memory_space<hbm>> -> memref<1x80x128xi32, #tpu.memory_space<hbm>>
        %dma_start3A_20 = tpu.memref_squeeze %dma_start3A_19 : memref<1x80x128xi32, #tpu.memory_space<hbm>> -> memref<80x128xi32, #tpu.memory_space<hbm>>
        tpu.enqueue_dma source(%dma_start3A_20 : memref<80x128xi32, #tpu.memory_space<hbm>>) target(%arg7 : memref<80x128xi32, #tpu.memory_space<vmem>>) target_semaphore(%run_scoped3A : memref<!tpu.dma_semaphore, #tpu.memory_space<semaphore_mem>>)
        %dma_wait3A = arith.constant 0 : i32
        %dma_wait3A_21 = arith.constant 0 : i32
        %dma_wait3A_22 = tpu.memref_slice %arg3[%arg1, %dma_wait3A, %dma_wait3A_21] : memref<16x80x128xi32, #tpu.memory_space<hbm>> -> memref<1x80x128xi32, #tpu.memory_space<hbm>>
        %dma_wait3A_23 = tpu.memref_squeeze %dma_wait3A_22 : memref<1x80x128xi32, #tpu.memory_space<hbm>> -> memref<80x128xi32, #tpu.memory_space<hbm>>
        %dma_wait3A_24 = arith.constant 0 : i32
        %dma_wait3A_25 = arith.constant 0 : i32
        %dma_wait3A_26 = tpu.memref_slice %arg3[%arg1, %dma_wait3A_24, %dma_wait3A_25] : memref<16x80x128xi32, #tpu.memory_space<hbm>> -> memref<1x80x128xi32, #tpu.memory_space<hbm>>
        %dma_wait3A_27 = tpu.memref_squeeze %dma_wait3A_26 : memref<1x80x128xi32, #tpu.memory_space<hbm>> -> memref<80x128xi32, #tpu.memory_space<hbm>>
        tpu.wait_dma2 semaphore(%run_scoped3A : memref<!tpu.dma_semaphore, #tpu.memory_space<semaphore_mem>>) src(%dma_wait3A_27 : memref<80x128xi32, #tpu.memory_space<hbm>>) dst(%arg7 : memref<80x128xi32, #tpu.memory_space<vmem>>)
        tpu.yield
      }) : () -> ()
    } else {
    }
    %barrier3A = arith.constant 0 : index
    tpu.barrier barrier_id(%barrier3A)
    %eq3A_3 = arith.constant 0 : i32
    %eq3A_4 = arith.cmpi eq, %arg0, %eq3A_3 : i32
    %convert_element_type3A_5 = arith.extui %eq3A_4 : i1 to i32
    %cond3A_6 = arith.constant 0 : i32
    %cond3A_7 = arith.cmpi ne, %convert_element_type3A_5, %cond3A_6 : i32
    scf.if %cond3A_7 {
      %dma_start3A = arith.constant 0 : i32
      %dma_start3A_14 = arith.constant 0 : i32
      %dma_start3A_15 = arith.constant 0 : i32
      %dma_start3A_16 = tpu.memref_slice %arg8[%dma_start3A_14, %dma_start3A_15] : memref<2x128xi32, #tpu.memory_space<vmem>> -> memref<1x128xi32, #tpu.memory_space<vmem>>
      %dma_start3A_17 = tpu.memref_squeeze %dma_start3A_16 : memref<1x128xi32, #tpu.memory_space<vmem>> -> memref<128xi32, #tpu.memory_space<vmem>>
      %dma_start3A_18 = arith.constant 0 : i32
      %dma_start3A_19 = tpu.memref_slice %arg4[%arg1, %dma_start3A, %dma_start3A_18] : memref<16x80x128xi32, #tpu.memory_space<hbm>> -> memref<1x1x128xi32, #tpu.memory_space<hbm>>
      %dma_start3A_20 = tpu.memref_squeeze %dma_start3A_19 : memref<1x1x128xi32, #tpu.memory_space<hbm>> -> memref<128xi32, #tpu.memory_space<hbm>>
      %dma_start3A_21 = arith.constant 0 : i32
      %dma_start3A_22 = tpu.memref_slice %arg8[%dma_start3A_14, %dma_start3A_21] : memref<2x128xi32, #tpu.memory_space<vmem>> -> memref<1x128xi32, #tpu.memory_space<vmem>>
      %dma_start3A_23 = tpu.memref_squeeze %dma_start3A_22 : memref<1x128xi32, #tpu.memory_space<vmem>> -> memref<128xi32, #tpu.memory_space<vmem>>
      %dma_start3A_24 = arith.constant 0 : i32
      %dma_start3A_25 = tpu.memref_slice %arg4[%arg1, %dma_start3A, %dma_start3A_24] : memref<16x80x128xi32, #tpu.memory_space<hbm>> -> memref<1x1x128xi32, #tpu.memory_space<hbm>>
      %dma_start3A_26 = tpu.memref_squeeze %dma_start3A_25 : memref<1x1x128xi32, #tpu.memory_space<hbm>> -> memref<128xi32, #tpu.memory_space<hbm>>
      tpu.enqueue_dma source(%dma_start3A_26 : memref<128xi32, #tpu.memory_space<hbm>>) target(%dma_start3A_23 : memref<128xi32, #tpu.memory_space<vmem>>) target_semaphore(%arg11 : memref<!tpu.dma_semaphore, #tpu.memory_space<semaphore_mem>>)
      %dma_start3A_27 = arith.constant 0 : i32
      %dma_start3A_28 = arith.constant 0 : i32
      %dma_start3A_29 = arith.constant 0 : i32
      %dma_start3A_30 = arith.constant 0 : i32
      %dma_start3A_31 = tpu.memref_slice %arg9[%dma_start3A_28, %dma_start3A_29, %dma_start3A_30] : memref<2x128x128xf32, #tpu.memory_space<vmem>> -> memref<1x128x128xf32, #tpu.memory_space<vmem>>
      %dma_start3A_32 = tpu.memref_squeeze %dma_start3A_31 : memref<1x128x128xf32, #tpu.memory_space<vmem>> -> memref<128x128xf32, #tpu.memory_space<vmem>>
      %dma_start3A_33 = arith.constant 0 : i32
      %dma_start3A_34 = tpu.memref_slice %arg7[%dma_start3A_27, %dma_start3A_33] : memref<80x128xi32, #tpu.memory_space<vmem>> -> memref<1x128xi32, #tpu.memory_space<vmem>>
      %dma_start3A_35 = tpu.memref_squeeze %dma_start3A_34 : memref<1x128xi32, #tpu.memory_space<vmem>> -> memref<128xi32, #tpu.memory_space<vmem>>
      %dma_start3A_36 = arith.constant 0 : i32
      %dma_start3A_37 = arith.constant 0 : i32
      %dma_start3A_38 = tpu.memref_slice %arg2[%dma_start3A_36, %dma_start3A_37] : memref<10240x128xf32, #tpu.memory_space<hbm>> -> memref<10240x128xf32, #tpu.memory_space<hbm>>
      tpu.enqueue_indirect_dma source(%dma_start3A_38 : memref<10240x128xf32, #tpu.memory_space<hbm>>) target(%dma_start3A_32 : memref<128x128xf32, #tpu.memory_space<vmem>>) offsets(%dma_start3A_35 : memref<128xi32, #tpu.memory_space<vmem>>) semaphore(%arg11 : memref<!tpu.dma_semaphore, #tpu.memory_space<semaphore_mem>>)
      %dma_start3A_39 = arith.constant 1 : i32
      %dma_start3A_40 = arith.constant 1 : i32
      %dma_start3A_41 = arith.constant 0 : i32
      %dma_start3A_42 = tpu.memref_slice %arg8[%dma_start3A_40, %dma_start3A_41] : memref<2x128xi32, #tpu.memory_space<vmem>> -> memref<1x128xi32, #tpu.memory_space<vmem>>
      %dma_start3A_43 = tpu.memref_squeeze %dma_start3A_42 : memref<1x128xi32, #tpu.memory_space<vmem>> -> memref<128xi32, #tpu.memory_space<vmem>>
      %dma_start3A_44 = arith.constant 0 : i32
      %dma_start3A_45 = tpu.memref_slice %arg4[%arg1, %dma_start3A_39, %dma_start3A_44] : memref<16x80x128xi32, #tpu.memory_space<hbm>> -> memref<1x1x128xi32, #tpu.memory_space<hbm>>
      %dma_start3A_46 = tpu.memref_squeeze %dma_start3A_45 : memref<1x1x128xi32, #tpu.memory_space<hbm>> -> memref<128xi32, #tpu.memory_space<hbm>>
      %dma_start3A_47 = arith.constant 0 : i32
      %dma_start3A_48 = tpu.memref_slice %arg8[%dma_start3A_40, %dma_start3A_47] : memref<2x128xi32, #tpu.memory_space<vmem>> -> memref<1x128xi32, #tpu.memory_space<vmem>>
      %dma_start3A_49 = tpu.memref_squeeze %dma_start3A_48 : memref<1x128xi32, #tpu.memory_space<vmem>> -> memref<128xi32, #tpu.memory_space<vmem>>
      %dma_start3A_50 = arith.constant 0 : i32
      %dma_start3A_51 = tpu.memref_slice %arg4[%arg1, %dma_start3A_39, %dma_start3A_50] : memref<16x80x128xi32, #tpu.memory_space<hbm>> -> memref<1x1x128xi32, #tpu.memory_space<hbm>>
      %dma_start3A_52 = tpu.memref_squeeze %dma_start3A_51 : memref<1x1x128xi32, #tpu.memory_space<hbm>> -> memref<128xi32, #tpu.memory_space<hbm>>
      tpu.enqueue_dma source(%dma_start3A_52 : memref<128xi32, #tpu.memory_space<hbm>>) target(%dma_start3A_49 : memref<128xi32, #tpu.memory_space<vmem>>) target_semaphore(%arg12 : memref<!tpu.dma_semaphore, #tpu.memory_space<semaphore_mem>>)
      %dma_start3A_53 = arith.constant 1 : i32
      %dma_start3A_54 = arith.constant 1 : i32
      %dma_start3A_55 = arith.constant 0 : i32
      %dma_start3A_56 = arith.constant 0 : i32
      %dma_start3A_57 = tpu.memref_slice %arg9[%dma_start3A_54, %dma_start3A_55, %dma_start3A_56] : memref<2x128x128xf32, #tpu.memory_space<vmem>> -> memref<1x128x128xf32, #tpu.memory_space<vmem>>
      %dma_start3A_58 = tpu.memref_squeeze %dma_start3A_57 : memref<1x128x128xf32, #tpu.memory_space<vmem>> -> memref<128x128xf32, #tpu.memory_space<vmem>>
      %dma_start3A_59 = arith.constant 0 : i32
      %dma_start3A_60 = tpu.memref_slice %arg7[%dma_start3A_53, %dma_start3A_59] : memref<80x128xi32, #tpu.memory_space<vmem>> -> memref<1x128xi32, #tpu.memory_space<vmem>>
      %dma_start3A_61 = tpu.memref_squeeze %dma_start3A_60 : memref<1x128xi32, #tpu.memory_space<vmem>> -> memref<128xi32, #tpu.memory_space<vmem>>
      %dma_start3A_62 = arith.constant 0 : i32
      %dma_start3A_63 = arith.constant 0 : i32
      %dma_start3A_64 = tpu.memref_slice %arg2[%dma_start3A_62, %dma_start3A_63] : memref<10240x128xf32, #tpu.memory_space<hbm>> -> memref<10240x128xf32, #tpu.memory_space<hbm>>
      tpu.enqueue_indirect_dma source(%dma_start3A_64 : memref<10240x128xf32, #tpu.memory_space<hbm>>) target(%dma_start3A_58 : memref<128x128xf32, #tpu.memory_space<vmem>>) offsets(%dma_start3A_61 : memref<128xi32, #tpu.memory_space<vmem>>) semaphore(%arg12 : memref<!tpu.dma_semaphore, #tpu.memory_space<semaphore_mem>>)
      %scan3A = arith.constant 0 : i32
      %scan3A_65 = arith.constant 0 : i32
      %scan3A_66 = arith.constant 40 : i32
      %scan3A_67 = arith.addi %scan3A_65, %scan3A_66 : i32
      %scan3A_68 = arith.constant 1 : i32
      scf.for %scan3A_70 = %scan3A_65 to %scan3A_67 step %scan3A_68  : i32 {
        %dma_wait3A = arith.constant 0 : i32
        %dma_wait3A_71 = arith.constant 0 : i32
        %dma_wait3A_72 = arith.constant 0 : i32
        %dma_wait3A_73 = tpu.memref_slice %arg8[%dma_wait3A_71, %dma_wait3A_72] : memref<2x128xi32, #tpu.memory_space<vmem>> -> memref<1x128xi32, #tpu.memory_space<vmem>>
        %dma_wait3A_74 = tpu.memref_squeeze %dma_wait3A_73 : memref<1x128xi32, #tpu.memory_space<vmem>> -> memref<128xi32, #tpu.memory_space<vmem>>
        %dma_wait3A_75 = arith.constant 0 : i32
        %dma_wait3A_76 = tpu.memref_slice %arg4[%arg1, %dma_wait3A, %dma_wait3A_75] : memref<16x80x128xi32, #tpu.memory_space<hbm>> -> memref<1x1x128xi32, #tpu.memory_space<hbm>>
        %dma_wait3A_77 = tpu.memref_squeeze %dma_wait3A_76 : memref<1x1x128xi32, #tpu.memory_space<hbm>> -> memref<128xi32, #tpu.memory_space<hbm>>
        %dma_wait3A_78 = arith.constant 0 : i32
        %dma_wait3A_79 = tpu.memref_slice %arg8[%dma_wait3A_71, %dma_wait3A_78] : memref<2x128xi32, #tpu.memory_space<vmem>> -> memref<1x128xi32, #tpu.memory_space<vmem>>
        %dma_wait3A_80 = tpu.memref_squeeze %dma_wait3A_79 : memref<1x128xi32, #tpu.memory_space<vmem>> -> memref<128xi32, #tpu.memory_space<vmem>>
        %dma_wait3A_81 = arith.constant 0 : i32
        %dma_wait3A_82 = tpu.memref_slice %arg4[%arg1, %dma_wait3A, %dma_wait3A_81] : memref<16x80x128xi32, #tpu.memory_space<hbm>> -> memref<1x1x128xi32, #tpu.memory_space<hbm>>
        %dma_wait3A_83 = tpu.memref_squeeze %dma_wait3A_82 : memref<1x1x128xi32, #tpu.memory_space<hbm>> -> memref<128xi32, #tpu.memory_space<hbm>>
        tpu.wait_dma2 semaphore(%arg11 : memref<!tpu.dma_semaphore, #tpu.memory_space<semaphore_mem>>) src(%dma_wait3A_83 : memref<128xi32, #tpu.memory_space<hbm>>) dst(%dma_wait3A_80 : memref<128xi32, #tpu.memory_space<vmem>>)
        %dma_wait3A_84 = arith.constant 0 : i32
        %dma_wait3A_85 = arith.constant 0 : i32
        %dma_wait3A_86 = arith.constant 0 : i32
        %dma_wait3A_87 = tpu.memref_slice %arg9[%dma_wait3A_84, %dma_wait3A_85, %dma_wait3A_86] : memref<2x128x128xf32, #tpu.memory_space<vmem>> -> memref<1x128x128xf32, #tpu.memory_space<vmem>>
        %dma_wait3A_88 = tpu.memref_squeeze %dma_wait3A_87 : memref<1x128x128xf32, #tpu.memory_space<vmem>> -> memref<128x128xf32, #tpu.memory_space<vmem>>
        %dma_wait3A_89 = arith.constant 0 : i32
        %dma_wait3A_90 = arith.constant 0 : i32
        %dma_wait3A_91 = tpu.memref_slice %arg5[%dma_wait3A_89, %dma_wait3A_90] : memref<10240x128xf32, #tpu.memory_space<hbm>> -> memref<128x128xf32, #tpu.memory_space<hbm>>
        %dma_wait3A_92 = arith.constant 0 : i32
        %dma_wait3A_93 = arith.constant 0 : i32
        %dma_wait3A_94 = tpu.memref_slice %arg9[%dma_wait3A_84, %dma_wait3A_92, %dma_wait3A_93] : memref<2x128x128xf32, #tpu.memory_space<vmem>> -> memref<1x128x128xf32, #tpu.memory_space<vmem>>
        %dma_wait3A_95 = tpu.memref_squeeze %dma_wait3A_94 : memref<1x128x128xf32, #tpu.memory_space<vmem>> -> memref<128x128xf32, #tpu.memory_space<vmem>>
        %dma_wait3A_96 = arith.constant 0 : i32
        %dma_wait3A_97 = arith.constant 0 : i32
        %dma_wait3A_98 = tpu.memref_slice %arg5[%dma_wait3A_96, %dma_wait3A_97] : memref<10240x128xf32, #tpu.memory_space<hbm>> -> memref<128x128xf32, #tpu.memory_space<hbm>>
        tpu.wait_dma2 semaphore(%arg11 : memref<!tpu.dma_semaphore, #tpu.memory_space<semaphore_mem>>) src(%dma_wait3A_98 : memref<128x128xf32, #tpu.memory_space<hbm>>) dst(%dma_wait3A_95 : memref<128x128xf32, #tpu.memory_space<vmem>>)
        %run_scoped3A = arith.constant 0 : i32
        %run_scoped3A_99 = arith.constant 0 : i32
        "tpu.region"() ({
          %run_scoped3A_140 = tpu.sem_alloc : memref<!tpu.dma_semaphore, #tpu.memory_space<semaphore_mem>>
          %dma_start3A_141 = arith.constant 0 : i32
          %dma_start3A_142 = arith.constant 0 : i32
          %dma_start3A_143 = tpu.memref_slice %arg9[%run_scoped3A, %dma_start3A_141, %dma_start3A_142] : memref<2x128x128xf32, #tpu.memory_space<vmem>> -> memref<1x128x128xf32, #tpu.memory_space<vmem>>
          %dma_start3A_144 = tpu.memref_squeeze %dma_start3A_143 : memref<1x128x128xf32, #tpu.memory_space<vmem>> -> memref<128x128xf32, #tpu.memory_space<vmem>>
          %dma_start3A_145 = arith.constant 0 : i32
          %dma_start3A_146 = tpu.memref_slice %arg8[%run_scoped3A_99, %dma_start3A_145] : memref<2x128xi32, #tpu.memory_space<vmem>> -> memref<1x128xi32, #tpu.memory_space<vmem>>
          %dma_start3A_147 = tpu.memref_squeeze %dma_start3A_146 : memref<1x128xi32, #tpu.memory_space<vmem>> -> memref<128xi32, #tpu.memory_space<vmem>>
          %dma_start3A_148 = arith.constant 0 : i32
          %dma_start3A_149 = arith.constant 0 : i32
          %dma_start3A_150 = tpu.memref_slice %arg10[%dma_start3A_148, %dma_start3A_149] : memref<10112x128xf32, #tpu.memory_space<vmem_shared>> -> memref<10112x128xf32, #tpu.memory_space<vmem_shared>>
          tpu.enqueue_indirect_dma source(%dma_start3A_144 : memref<128x128xf32, #tpu.memory_space<vmem>>) target(%dma_start3A_150 : memref<10112x128xf32, #tpu.memory_space<vmem_shared>>) offsets(%dma_start3A_147 : memref<128xi32, #tpu.memory_space<vmem>>) semaphore(%run_scoped3A_140 : memref<!tpu.dma_semaphore, #tpu.memory_space<semaphore_mem>>) {add = true}
          %dma_wait3A_151 = arith.constant 0 : i32
          %dma_wait3A_152 = arith.constant 0 : i32
          %dma_wait3A_153 = tpu.memref_slice %arg9[%run_scoped3A, %dma_wait3A_151, %dma_wait3A_152] : memref<2x128x128xf32, #tpu.memory_space<vmem>> -> memref<1x128x128xf32, #tpu.memory_space<vmem>>
          %dma_wait3A_154 = tpu.memref_squeeze %dma_wait3A_153 : memref<1x128x128xf32, #tpu.memory_space<vmem>> -> memref<128x128xf32, #tpu.memory_space<vmem>>
          %dma_wait3A_155 = arith.constant 0 : i32
          %dma_wait3A_156 = tpu.memref_slice %arg8[%run_scoped3A_99, %dma_wait3A_155] : memref<2x128xi32, #tpu.memory_space<vmem>> -> memref<1x128xi32, #tpu.memory_space<vmem>>
          %dma_wait3A_157 = tpu.memref_squeeze %dma_wait3A_156 : memref<1x128xi32, #tpu.memory_space<vmem>> -> memref<128xi32, #tpu.memory_space<vmem>>
          %dma_wait3A_158 = arith.constant 0 : i32
          %dma_wait3A_159 = arith.constant 0 : i32
          %dma_wait3A_160 = tpu.memref_slice %arg10[%dma_wait3A_158, %dma_wait3A_159] : memref<10112x128xf32, #tpu.memory_space<vmem_shared>> -> memref<10112x128xf32, #tpu.memory_space<vmem_shared>>
          tpu.wait_indirect_dma semaphore(%run_scoped3A_140 : memref<!tpu.dma_semaphore, #tpu.memory_space<semaphore_mem>>) src(%dma_wait3A_154 : memref<128x128xf32, #tpu.memory_space<vmem>>) dst(%dma_wait3A_160 : memref<10112x128xf32, #tpu.memory_space<vmem_shared>>)
          tpu.yield
        }) : () -> ()
        %lt3A = arith.constant 39 : i32
        %lt3A_100 = arith.cmpi slt, %scan3A_70, %lt3A : i32
        %convert_element_type3A_101 = arith.extui %lt3A_100 : i1 to i32
        %cond3A_102 = arith.constant 0 : i32
        %cond3A_103 = arith.cmpi ne, %convert_element_type3A_101, %cond3A_102 : i32
        scf.if %cond3A_103 {
          %mul3A_140 = arith.constant 2 : i32
          %mul3A_141 = arith.muli %mul3A_140, %scan3A_70 : i32
          %add3A = arith.constant 2 : i32
          %add3A_142 = arith.addi %mul3A_141, %add3A : i32
          %dma_start3A_143 = arith.constant 0 : i32
          %dma_start3A_144 = arith.constant 0 : i32
          %dma_start3A_145 = tpu.memref_slice %arg8[%dma_start3A_143, %dma_start3A_144] : memref<2x128xi32, #tpu.memory_space<vmem>> -> memref<1x128xi32, #tpu.memory_space<vmem>>
          %dma_start3A_146 = tpu.memref_squeeze %dma_start3A_145 : memref<1x128xi32, #tpu.memory_space<vmem>> -> memref<128xi32, #tpu.memory_space<vmem>>
          %dma_start3A_147 = arith.constant 0 : i32
          %dma_start3A_148 = tpu.memref_slice %arg4[%arg1, %add3A_142, %dma_start3A_147] : memref<16x80x128xi32, #tpu.memory_space<hbm>> -> memref<1x1x128xi32, #tpu.memory_space<hbm>>
          %dma_start3A_149 = tpu.memref_squeeze %dma_start3A_148 : memref<1x1x128xi32, #tpu.memory_space<hbm>> -> memref<128xi32, #tpu.memory_space<hbm>>
          %dma_start3A_150 = arith.constant 0 : i32
          %dma_start3A_151 = tpu.memref_slice %arg8[%dma_start3A_143, %dma_start3A_150] : memref<2x128xi32, #tpu.memory_space<vmem>> -> memref<1x128xi32, #tpu.memory_space<vmem>>
          %dma_start3A_152 = tpu.memref_squeeze %dma_start3A_151 : memref<1x128xi32, #tpu.memory_space<vmem>> -> memref<128xi32, #tpu.memory_space<vmem>>
          %dma_start3A_153 = arith.constant 0 : i32
          %dma_start3A_154 = tpu.memref_slice %arg4[%arg1, %add3A_142, %dma_start3A_153] : memref<16x80x128xi32, #tpu.memory_space<hbm>> -> memref<1x1x128xi32, #tpu.memory_space<hbm>>
          %dma_start3A_155 = tpu.memref_squeeze %dma_start3A_154 : memref<1x1x128xi32, #tpu.memory_space<hbm>> -> memref<128xi32, #tpu.memory_space<hbm>>
          tpu.enqueue_dma source(%dma_start3A_155 : memref<128xi32, #tpu.memory_space<hbm>>) target(%dma_start3A_152 : memref<128xi32, #tpu.memory_space<vmem>>) target_semaphore(%arg11 : memref<!tpu.dma_semaphore, #tpu.memory_space<semaphore_mem>>)
          %dma_start3A_156 = arith.constant 0 : i32
          %dma_start3A_157 = arith.constant 0 : i32
          %dma_start3A_158 = arith.constant 0 : i32
          %dma_start3A_159 = tpu.memref_slice %arg9[%dma_start3A_156, %dma_start3A_157, %dma_start3A_158] : memref<2x128x128xf32, #tpu.memory_space<vmem>> -> memref<1x128x128xf32, #tpu.memory_space<vmem>>
          %dma_start3A_160 = tpu.memref_squeeze %dma_start3A_159 : memref<1x128x128xf32, #tpu.memory_space<vmem>> -> memref<128x128xf32, #tpu.memory_space<vmem>>
          %dma_start3A_161 = arith.constant 0 : i32
          %dma_start3A_162 = tpu.memref_slice %arg7[%add3A_142, %dma_start3A_161] : memref<80x128xi32, #tpu.memory_space<vmem>> -> memref<1x128xi32, #tpu.memory_space<vmem>>
          %dma_start3A_163 = tpu.memref_squeeze %dma_start3A_162 : memref<1x128xi32, #tpu.memory_space<vmem>> -> memref<128xi32, #tpu.memory_space<vmem>>
          %dma_start3A_164 = arith.constant 0 : i32
          %dma_start3A_165 = arith.constant 0 : i32
          %dma_start3A_166 = tpu.memref_slice %arg2[%dma_start3A_164, %dma_start3A_165] : memref<10240x128xf32, #tpu.memory_space<hbm>> -> memref<10240x128xf32, #tpu.memory_space<hbm>>
          tpu.enqueue_indirect_dma source(%dma_start3A_166 : memref<10240x128xf32, #tpu.memory_space<hbm>>) target(%dma_start3A_160 : memref<128x128xf32, #tpu.memory_space<vmem>>) offsets(%dma_start3A_163 : memref<128xi32, #tpu.memory_space<vmem>>) semaphore(%arg11 : memref<!tpu.dma_semaphore, #tpu.memory_space<semaphore_mem>>)
        } else {
        }
        %dma_wait3A_104 = arith.constant 0 : i32
        %dma_wait3A_105 = arith.constant 1 : i32
        %dma_wait3A_106 = arith.constant 0 : i32
        %dma_wait3A_107 = tpu.memref_slice %arg8[%dma_wait3A_105, %dma_wait3A_106] : memref<2x128xi32, #tpu.memory_space<vmem>> -> memref<1x128xi32, #tpu.memory_space<vmem>>
        %dma_wait3A_108 = tpu.memref_squeeze %dma_wait3A_107 : memref<1x128xi32, #tpu.memory_space<vmem>> -> memref<128xi32, #tpu.memory_space<vmem>>
        %dma_wait3A_109 = arith.constant 0 : i32
        %dma_wait3A_110 = tpu.memref_slice %arg4[%arg1, %dma_wait3A_104, %dma_wait3A_109] : memref<16x80x128xi32, #tpu.memory_space<hbm>> -> memref<1x1x128xi32, #tpu.memory_space<hbm>>
        %dma_wait3A_111 = tpu.memref_squeeze %dma_wait3A_110 : memref<1x1x128xi32, #tpu.memory_space<hbm>> -> memref<128xi32, #tpu.memory_space<hbm>>
        %dma_wait3A_112 = arith.constant 0 : i32
        %dma_wait3A_113 = tpu.memref_slice %arg8[%dma_wait3A_105, %dma_wait3A_112] : memref<2x128xi32, #tpu.memory_space<vmem>> -> memref<1x128xi32, #tpu.memory_space<vmem>>
        %dma_wait3A_114 = tpu.memref_squeeze %dma_wait3A_113 : memref<1x128xi32, #tpu.memory_space<vmem>> -> memref<128xi32, #tpu.memory_space<vmem>>
        %dma_wait3A_115 = arith.constant 0 : i32
        %dma_wait3A_116 = tpu.memref_slice %arg4[%arg1, %dma_wait3A_104, %dma_wait3A_115] : memref<16x80x128xi32, #tpu.memory_space<hbm>> -> memref<1x1x128xi32, #tpu.memory_space<hbm>>
        %dma_wait3A_117 = tpu.memref_squeeze %dma_wait3A_116 : memref<1x1x128xi32, #tpu.memory_space<hbm>> -> memref<128xi32, #tpu.memory_space<hbm>>
        tpu.wait_dma2 semaphore(%arg12 : memref<!tpu.dma_semaphore, #tpu.memory_space<semaphore_mem>>) src(%dma_wait3A_117 : memref<128xi32, #tpu.memory_space<hbm>>) dst(%dma_wait3A_114 : memref<128xi32, #tpu.memory_space<vmem>>)
        %dma_wait3A_118 = arith.constant 1 : i32
        %dma_wait3A_119 = arith.constant 0 : i32
        %dma_wait3A_120 = arith.constant 0 : i32
        %dma_wait3A_121 = tpu.memref_slice %arg9[%dma_wait3A_118, %dma_wait3A_119, %dma_wait3A_120] : memref<2x128x128xf32, #tpu.memory_space<vmem>> -> memref<1x128x128xf32, #tpu.memory_space<vmem>>
        %dma_wait3A_122 = tpu.memref_squeeze %dma_wait3A_121 : memref<1x128x128xf32, #tpu.memory_space<vmem>> -> memref<128x128xf32, #tpu.memory_space<vmem>>
        %dma_wait3A_123 = arith.constant 0 : i32
        %dma_wait3A_124 = arith.constant 0 : i32
        %dma_wait3A_125 = tpu.memref_slice %arg5[%dma_wait3A_123, %dma_wait3A_124] : memref<10240x128xf32, #tpu.memory_space<hbm>> -> memref<128x128xf32, #tpu.memory_space<hbm>>
        %dma_wait3A_126 = arith.constant 0 : i32
        %dma_wait3A_127 = arith.constant 0 : i32
        %dma_wait3A_128 = tpu.memref_slice %arg9[%dma_wait3A_118, %dma_wait3A_126, %dma_wait3A_127] : memref<2x128x128xf32, #tpu.memory_space<vmem>> -> memref<1x128x128xf32, #tpu.memory_space<vmem>>
        %dma_wait3A_129 = tpu.memref_squeeze %dma_wait3A_128 : memref<1x128x128xf32, #tpu.memory_space<vmem>> -> memref<128x128xf32, #tpu.memory_space<vmem>>
        %dma_wait3A_130 = arith.constant 0 : i32
        %dma_wait3A_131 = arith.constant 0 : i32
        %dma_wait3A_132 = tpu.memref_slice %arg5[%dma_wait3A_130, %dma_wait3A_131] : memref<10240x128xf32, #tpu.memory_space<hbm>> -> memref<128x128xf32, #tpu.memory_space<hbm>>
        tpu.wait_dma2 semaphore(%arg12 : memref<!tpu.dma_semaphore, #tpu.memory_space<semaphore_mem>>) src(%dma_wait3A_132 : memref<128x128xf32, #tpu.memory_space<hbm>>) dst(%dma_wait3A_129 : memref<128x128xf32, #tpu.memory_space<vmem>>)
        %run_scoped3A_133 = arith.constant 1 : i32
        %run_scoped3A_134 = arith.constant 1 : i32
        "tpu.region"() ({
          %run_scoped3A_140 = tpu.sem_alloc : memref<!tpu.dma_semaphore, #tpu.memory_space<semaphore_mem>>
          %dma_start3A_141 = arith.constant 0 : i32
          %dma_start3A_142 = arith.constant 0 : i32
          %dma_start3A_143 = tpu.memref_slice %arg9[%run_scoped3A_133, %dma_start3A_141, %dma_start3A_142] : memref<2x128x128xf32, #tpu.memory_space<vmem>> -> memref<1x128x128xf32, #tpu.memory_space<vmem>>
          %dma_start3A_144 = tpu.memref_squeeze %dma_start3A_143 : memref<1x128x128xf32, #tpu.memory_space<vmem>> -> memref<128x128xf32, #tpu.memory_space<vmem>>
          %dma_start3A_145 = arith.constant 0 : i32
          %dma_start3A_146 = tpu.memref_slice %arg8[%run_scoped3A_134, %dma_start3A_145] : memref<2x128xi32, #tpu.memory_space<vmem>> -> memref<1x128xi32, #tpu.memory_space<vmem>>
          %dma_start3A_147 = tpu.memref_squeeze %dma_start3A_146 : memref<1x128xi32, #tpu.memory_space<vmem>> -> memref<128xi32, #tpu.memory_space<vmem>>
          %dma_start3A_148 = arith.constant 0 : i32
          %dma_start3A_149 = arith.constant 0 : i32
          %dma_start3A_150 = tpu.memref_slice %arg10[%dma_start3A_148, %dma_start3A_149] : memref<10112x128xf32, #tpu.memory_space<vmem_shared>> -> memref<10112x128xf32, #tpu.memory_space<vmem_shared>>
          tpu.enqueue_indirect_dma source(%dma_start3A_144 : memref<128x128xf32, #tpu.memory_space<vmem>>) target(%dma_start3A_150 : memref<10112x128xf32, #tpu.memory_space<vmem_shared>>) offsets(%dma_start3A_147 : memref<128xi32, #tpu.memory_space<vmem>>) semaphore(%run_scoped3A_140 : memref<!tpu.dma_semaphore, #tpu.memory_space<semaphore_mem>>) {add = true}
          %dma_wait3A_151 = arith.constant 0 : i32
          %dma_wait3A_152 = arith.constant 0 : i32
          %dma_wait3A_153 = tpu.memref_slice %arg9[%run_scoped3A_133, %dma_wait3A_151, %dma_wait3A_152] : memref<2x128x128xf32, #tpu.memory_space<vmem>> -> memref<1x128x128xf32, #tpu.memory_space<vmem>>
          %dma_wait3A_154 = tpu.memref_squeeze %dma_wait3A_153 : memref<1x128x128xf32, #tpu.memory_space<vmem>> -> memref<128x128xf32, #tpu.memory_space<vmem>>
          %dma_wait3A_155 = arith.constant 0 : i32
          %dma_wait3A_156 = tpu.memref_slice %arg8[%run_scoped3A_134, %dma_wait3A_155] : memref<2x128xi32, #tpu.memory_space<vmem>> -> memref<1x128xi32, #tpu.memory_space<vmem>>
          %dma_wait3A_157 = tpu.memref_squeeze %dma_wait3A_156 : memref<1x128xi32, #tpu.memory_space<vmem>> -> memref<128xi32, #tpu.memory_space<vmem>>
          %dma_wait3A_158 = arith.constant 0 : i32
          %dma_wait3A_159 = arith.constant 0 : i32
          %dma_wait3A_160 = tpu.memref_slice %arg10[%dma_wait3A_158, %dma_wait3A_159] : memref<10112x128xf32, #tpu.memory_space<vmem_shared>> -> memref<10112x128xf32, #tpu.memory_space<vmem_shared>>
          tpu.wait_indirect_dma semaphore(%run_scoped3A_140 : memref<!tpu.dma_semaphore, #tpu.memory_space<semaphore_mem>>) src(%dma_wait3A_154 : memref<128x128xf32, #tpu.memory_space<vmem>>) dst(%dma_wait3A_160 : memref<10112x128xf32, #tpu.memory_space<vmem_shared>>)
          tpu.yield
        }) : () -> ()
        %lt3A_135 = arith.constant 39 : i32
        %lt3A_136 = arith.cmpi slt, %scan3A_70, %lt3A_135 : i32
        %convert_element_type3A_137 = arith.extui %lt3A_136 : i1 to i32
        %cond3A_138 = arith.constant 0 : i32
        %cond3A_139 = arith.cmpi ne, %convert_element_type3A_137, %cond3A_138 : i32
        scf.if %cond3A_139 {
          %mul3A_140 = arith.constant 2 : i32
          %mul3A_141 = arith.muli %mul3A_140, %scan3A_70 : i32
          %add3A = arith.constant 3 : i32
          %add3A_142 = arith.addi %mul3A_141, %add3A : i32
          %dma_start3A_143 = arith.constant 1 : i32
          %dma_start3A_144 = arith.constant 0 : i32
          %dma_start3A_145 = tpu.memref_slice %arg8[%dma_start3A_143, %dma_start3A_144] : memref<2x128xi32, #tpu.memory_space<vmem>> -> memref<1x128xi32, #tpu.memory_space<vmem>>
          %dma_start3A_146 = tpu.memref_squeeze %dma_start3A_145 : memref<1x128xi32, #tpu.memory_space<vmem>> -> memref<128xi32, #tpu.memory_space<vmem>>
          %dma_start3A_147 = arith.constant 0 : i32
          %dma_start3A_148 = tpu.memref_slice %arg4[%arg1, %add3A_142, %dma_start3A_147] : memref<16x80x128xi32, #tpu.memory_space<hbm>> -> memref<1x1x128xi32, #tpu.memory_space<hbm>>
          %dma_start3A_149 = tpu.memref_squeeze %dma_start3A_148 : memref<1x1x128xi32, #tpu.memory_space<hbm>> -> memref<128xi32, #tpu.memory_space<hbm>>
          %dma_start3A_150 = arith.constant 0 : i32
          %dma_start3A_151 = tpu.memref_slice %arg8[%dma_start3A_143, %dma_start3A_150] : memref<2x128xi32, #tpu.memory_space<vmem>> -> memref<1x128xi32, #tpu.memory_space<vmem>>
          %dma_start3A_152 = tpu.memref_squeeze %dma_start3A_151 : memref<1x128xi32, #tpu.memory_space<vmem>> -> memref<128xi32, #tpu.memory_space<vmem>>
          %dma_start3A_153 = arith.constant 0 : i32
          %dma_start3A_154 = tpu.memref_slice %arg4[%arg1, %add3A_142, %dma_start3A_153] : memref<16x80x128xi32, #tpu.memory_space<hbm>> -> memref<1x1x128xi32, #tpu.memory_space<hbm>>
          %dma_start3A_155 = tpu.memref_squeeze %dma_start3A_154 : memref<1x1x128xi32, #tpu.memory_space<hbm>> -> memref<128xi32, #tpu.memory_space<hbm>>
          tpu.enqueue_dma source(%dma_start3A_155 : memref<128xi32, #tpu.memory_space<hbm>>) target(%dma_start3A_152 : memref<128xi32, #tpu.memory_space<vmem>>) target_semaphore(%arg12 : memref<!tpu.dma_semaphore, #tpu.memory_space<semaphore_mem>>)
          %dma_start3A_156 = arith.constant 1 : i32
          %dma_start3A_157 = arith.constant 0 : i32
          %dma_start3A_158 = arith.constant 0 : i32
          %dma_start3A_159 = tpu.memref_slice %arg9[%dma_start3A_156, %dma_start3A_157, %dma_start3A_158] : memref<2x128x128xf32, #tpu.memory_space<vmem>> -> memref<1x128x128xf32, #tpu.memory_space<vmem>>
          %dma_start3A_160 = tpu.memref_squeeze %dma_start3A_159 : memref<1x128x128xf32, #tpu.memory_space<vmem>> -> memref<128x128xf32, #tpu.memory_space<vmem>>
          %dma_start3A_161 = arith.constant 0 : i32
          %dma_start3A_162 = tpu.memref_slice %arg7[%add3A_142, %dma_start3A_161] : memref<80x128xi32, #tpu.memory_space<vmem>> -> memref<1x128xi32, #tpu.memory_space<vmem>>
          %dma_start3A_163 = tpu.memref_squeeze %dma_start3A_162 : memref<1x128xi32, #tpu.memory_space<vmem>> -> memref<128xi32, #tpu.memory_space<vmem>>
          %dma_start3A_164 = arith.constant 0 : i32
          %dma_start3A_165 = arith.constant 0 : i32
          %dma_start3A_166 = tpu.memref_slice %arg2[%dma_start3A_164, %dma_start3A_165] : memref<10240x128xf32, #tpu.memory_space<hbm>> -> memref<10240x128xf32, #tpu.memory_space<hbm>>
          tpu.enqueue_indirect_dma source(%dma_start3A_166 : memref<10240x128xf32, #tpu.memory_space<hbm>>) target(%dma_start3A_160 : memref<128x128xf32, #tpu.memory_space<vmem>>) offsets(%dma_start3A_163 : memref<128xi32, #tpu.memory_space<vmem>>) semaphore(%arg12 : memref<!tpu.dma_semaphore, #tpu.memory_space<semaphore_mem>>)
        } else {
        }
      }
      %scan3A_69 = arith.constant 40 : i32
    } else {
    }
    %barrier3A_8 = arith.constant 0 : index
    tpu.barrier barrier_id(%barrier3A_8)
    %eq3A_9 = arith.constant 0 : i32
    %eq3A_10 = arith.cmpi eq, %arg0, %eq3A_9 : i32
    %convert_element_type3A_11 = arith.extui %eq3A_10 : i1 to i32
    %cond3A_12 = arith.constant 0 : i32
    %cond3A_13 = arith.cmpi ne, %convert_element_type3A_11, %cond3A_12 : i32
    scf.if %cond3A_13 {
      "tpu.region"() ({
        %run_scoped3A = tpu.sem_alloc : memref<!tpu.dma_semaphore, #tpu.memory_space<semaphore_mem>>
        %dma_start3A = arith.constant 0 : i32
        %dma_start3A_14 = tpu.memref_slice %arg6[%mul3A_0, %dma_start3A] : memref<10240x128xf32, #tpu.memory_space<hbm>> -> memref<632x128xf32, #tpu.memory_space<hbm>>
        %dma_start3A_15 = arith.constant 0 : i32
        %dma_start3A_16 = tpu.memref_slice %arg10[%mul3A_0, %dma_start3A_15] : memref<10112x128xf32, #tpu.memory_space<vmem_shared>> -> memref<632x128xf32, #tpu.memory_space<vmem_shared>>
        tpu.enqueue_dma source(%dma_start3A_16 : memref<632x128xf32, #tpu.memory_space<vmem_shared>>) target(%dma_start3A_14 : memref<632x128xf32, #tpu.memory_space<hbm>>) target_semaphore(%run_scoped3A : memref<!tpu.dma_semaphore, #tpu.memory_space<semaphore_mem>>)
        %dma_wait3A = arith.constant 0 : i32
        %dma_wait3A_17 = tpu.memref_slice %arg6[%mul3A_0, %dma_wait3A] : memref<10240x128xf32, #tpu.memory_space<hbm>> -> memref<632x128xf32, #tpu.memory_space<hbm>>
        %dma_wait3A_18 = arith.constant 0 : i32
        %dma_wait3A_19 = tpu.memref_slice %arg10[%mul3A_0, %dma_wait3A_18] : memref<10112x128xf32, #tpu.memory_space<vmem_shared>> -> memref<632x128xf32, #tpu.memory_space<vmem_shared>>
        tpu.wait_dma2 semaphore(%run_scoped3A : memref<!tpu.dma_semaphore, #tpu.memory_space<semaphore_mem>>) src(%dma_wait3A_19 : memref<632x128xf32, #tpu.memory_space<vmem_shared>>) dst(%dma_wait3A_17 : memref<632x128xf32, #tpu.memory_space<hbm>>)
        tpu.yield
      }) : () -> ()
    } else {
    }
    return
  }
}

#map = affine_map<(d0, d1) -> (0, 0)>
#map1 = affine_map<(d0, d1) -> (0, 0, 0)>
module attributes {stable_mosaic.version = 14 : i64} {
  func.func @body(%arg0: i32, %arg1: i32, %arg2: memref<10240x128xf32, #tpu.memory_space<hbm>>, %arg3: memref<16x80x128xi32, #tpu.memory_space<hbm>>, %arg4: memref<16x80x128xi32, #tpu.memory_space<hbm>>, %arg5: memref<10240x128xf32, #tpu.memory_space<hbm>>, %arg6: memref<10240x128xf32, #tpu.memory_space<hbm>>, %arg7: memref<80x128xi32, #tpu.memory_space<vmem>>, %arg8: memref<2x128xi32, #tpu.memory_space<vmem>>, %arg9: memref<2x128x128xf32, #tpu.memory_space<vmem>>, %arg10: memref<10112x128xf32, #tpu.memory_space<vmem_shared>>, %arg11: memref<!tpu.dma_semaphore, #tpu.memory_space<semaphore_mem>>, %arg12: memref<!tpu.dma_semaphore, #tpu.memory_space<semaphore_mem>>) attributes {dimension_semantics = [#tpu.dimension_semantics<core_parallel>, #tpu.dimension_semantics<subcore_parallel>], iteration_bounds = array<i64: 2, 16>, scalar_prefetch = 0 : i64, scratch_operands = 6 : i64, tpu.core_type = #tpu.core_type<sc_vector_subcore>, window_params = [{transform_indices = #map}, {transform_indices = #map1}, {transform_indices = #map1}, {transform_indices = #map}, {transform_indices = #map}]} {
    %mul3A = arith.constant 632 : i32
    %mul3A_0 = arith.muli %arg1, %mul3A : i32
    %eq3A = arith.constant 0 : i32
    %eq3A_1 = arith.cmpi eq, %arg0, %eq3A : i32
    %convert_element_type3A = arith.extui %eq3A_1 : i1 to i32
    %cond3A = arith.constant 0 : i32
    %cond3A_2 = arith.cmpi ne, %convert_element_type3A, %cond3A : i32
    scf.if %cond3A_2 {
      "tpu.region"() ({
        %run_scoped3A = tpu.sem_alloc : memref<!tpu.dma_semaphore, #tpu.memory_space<semaphore_mem>>
        %dma_start3A = arith.constant 0 : i32
        %dma_start3A_14 = tpu.memref_slice %arg10[%mul3A_0, %dma_start3A] : memref<10112x128xf32, #tpu.memory_space<vmem_shared>> -> memref<632x128xf32, #tpu.memory_space<vmem_shared>>
        %dma_start3A_15 = arith.constant 0 : i32
        %dma_start3A_16 = tpu.memref_slice %arg5[%mul3A_0, %dma_start3A_15] : memref<10240x128xf32, #tpu.memory_space<hbm>> -> memref<632x128xf32, #tpu.memory_space<hbm>>
        tpu.enqueue_dma source(%dma_start3A_16 : memref<632x128xf32, #tpu.memory_space<hbm>>) target(%dma_start3A_14 : memref<632x128xf32, #tpu.memory_space<vmem_shared>>) target_semaphore(%run_scoped3A : memref<!tpu.dma_semaphore, #tpu.memory_space<semaphore_mem>>)
        %dma_wait3A = arith.constant 0 : i32
        %dma_wait3A_17 = tpu.memref_slice %arg10[%mul3A_0, %dma_wait3A] : memref<10112x128xf32, #tpu.memory_space<vmem_shared>> -> memref<632x128xf32, #tpu.memory_space<vmem_shared>>
        %dma_wait3A_18 = arith.constant 0 : i32
        %dma_wait3A_19 = tpu.memref_slice %arg5[%mul3A_0, %dma_wait3A_18] : memref<10240x128xf32, #tpu.memory_space<hbm>> -> memref<632x128xf32, #tpu.memory_space<hbm>>
        tpu.wait_dma2 semaphore(%run_scoped3A : memref<!tpu.dma_semaphore, #tpu.memory_space<semaphore_mem>>) src(%dma_wait3A_19 : memref<632x128xf32, #tpu.memory_space<hbm>>) dst(%dma_wait3A_17 : memref<632x128xf32, #tpu.memory_space<vmem_shared>>)
        tpu.yield
      }) : () -> ()
      "tpu.region"() ({
        %run_scoped3A = tpu.sem_alloc : memref<!tpu.dma_semaphore, #tpu.memory_space<semaphore_mem>>
        %dma_start3A = arith.constant 0 : i32
        %dma_start3A_14 = arith.constant 0 : i32
        %dma_start3A_15 = tpu.memref_slice %arg3[%arg1, %dma_start3A, %dma_start3A_14] : memref<16x80x128xi32, #tpu.memory_space<hbm>> -> memref<1x80x128xi32, #tpu.memory_space<hbm>>
        %dma_start3A_16 = tpu.memref_squeeze %dma_start3A_15 : memref<1x80x128xi32, #tpu.memory_space<hbm>> -> memref<80x128xi32, #tpu.memory_space<hbm>>
        %dma_start3A_17 = arith.constant 0 : i32
        %dma_start3A_18 = arith.constant 0 : i32
        %dma_start3A_19 = tpu.memref_slice %arg3[%arg1, %dma_start3A_17, %dma_start3A_18] : memref<16x80x128xi32, #tpu.memory_space<hbm>> -> memref<1x80x128xi32, #tpu.memory_space<hbm>>
        %dma_start3A_20 = tpu.memref_squeeze %dma_start3A_19 : memref<1x80x128xi32, #tpu.memory_space<hbm>> -> memref<80x128xi32, #tpu.memory_space<hbm>>
        tpu.enqueue_dma source(%dma_start3A_20 : memref<80x128xi32, #tpu.memory_space<hbm>>) target(%arg7 : memref<80x128xi32, #tpu.memory_space<vmem>>) target_semaphore(%run_scoped3A : memref<!tpu.dma_semaphore, #tpu.memory_space<semaphore_mem>>)
        %dma_wait3A = arith.constant 0 : i32
        %dma_wait3A_21 = arith.constant 0 : i32
        %dma_wait3A_22 = tpu.memref_slice %arg3[%arg1, %dma_wait3A, %dma_wait3A_21] : memref<16x80x128xi32, #tpu.memory_space<hbm>> -> memref<1x80x128xi32, #tpu.memory_space<hbm>>
        %dma_wait3A_23 = tpu.memref_squeeze %dma_wait3A_22 : memref<1x80x128xi32, #tpu.memory_space<hbm>> -> memref<80x128xi32, #tpu.memory_space<hbm>>
        %dma_wait3A_24 = arith.constant 0 : i32
        %dma_wait3A_25 = arith.constant 0 : i32
        %dma_wait3A_26 = tpu.memref_slice %arg3[%arg1, %dma_wait3A_24, %dma_wait3A_25] : memref<16x80x128xi32, #tpu.memory_space<hbm>> -> memref<1x80x128xi32, #tpu.memory_space<hbm>>
        %dma_wait3A_27 = tpu.memref_squeeze %dma_wait3A_26 : memref<1x80x128xi32, #tpu.memory_space<hbm>> -> memref<80x128xi32, #tpu.memory_space<hbm>>
        tpu.wait_dma2 semaphore(%run_scoped3A : memref<!tpu.dma_semaphore, #tpu.memory_space<semaphore_mem>>) src(%dma_wait3A_27 : memref<80x128xi32, #tpu.memory_space<hbm>>) dst(%arg7 : memref<80x128xi32, #tpu.memory_space<vmem>>)
        tpu.yield
      }) : () -> ()
    } else {
    }
    %barrier3A = arith.constant 0 : index
    tpu.barrier barrier_id(%barrier3A)
    %eq3A_3 = arith.constant 0 : i32
    %eq3A_4 = arith.cmpi eq, %arg0, %eq3A_3 : i32
    %convert_element_type3A_5 = arith.extui %eq3A_4 : i1 to i32
    %cond3A_6 = arith.constant 0 : i32
    %cond3A_7 = arith.cmpi ne, %convert_element_type3A_5, %cond3A_6 : i32
    scf.if %cond3A_7 {
      %dma_start3A = arith.constant 0 : i32
      %dma_start3A_14 = arith.constant 0 : i32
      %dma_start3A_15 = arith.constant 0 : i32
      %dma_start3A_16 = tpu.memref_slice %arg8[%dma_start3A_14, %dma_start3A_15] : memref<2x128xi32, #tpu.memory_space<vmem>> -> memref<1x128xi32, #tpu.memory_space<vmem>>
      %dma_start3A_17 = tpu.memref_squeeze %dma_start3A_16 : memref<1x128xi32, #tpu.memory_space<vmem>> -> memref<128xi32, #tpu.memory_space<vmem>>
      %dma_start3A_18 = arith.constant 0 : i32
      %dma_start3A_19 = tpu.memref_slice %arg4[%arg1, %dma_start3A, %dma_start3A_18] : memref<16x80x128xi32, #tpu.memory_space<hbm>> -> memref<1x1x128xi32, #tpu.memory_space<hbm>>
      %dma_start3A_20 = tpu.memref_squeeze %dma_start3A_19 : memref<1x1x128xi32, #tpu.memory_space<hbm>> -> memref<128xi32, #tpu.memory_space<hbm>>
      %dma_start3A_21 = arith.constant 0 : i32
      %dma_start3A_22 = tpu.memref_slice %arg8[%dma_start3A_14, %dma_start3A_21] : memref<2x128xi32, #tpu.memory_space<vmem>> -> memref<1x128xi32, #tpu.memory_space<vmem>>
      %dma_start3A_23 = tpu.memref_squeeze %dma_start3A_22 : memref<1x128xi32, #tpu.memory_space<vmem>> -> memref<128xi32, #tpu.memory_space<vmem>>
      %dma_start3A_24 = arith.constant 0 : i32
      %dma_start3A_25 = tpu.memref_slice %arg4[%arg1, %dma_start3A, %dma_start3A_24] : memref<16x80x128xi32, #tpu.memory_space<hbm>> -> memref<1x1x128xi32, #tpu.memory_space<hbm>>
      %dma_start3A_26 = tpu.memref_squeeze %dma_start3A_25 : memref<1x1x128xi32, #tpu.memory_space<hbm>> -> memref<128xi32, #tpu.memory_space<hbm>>
      tpu.enqueue_dma source(%dma_start3A_26 : memref<128xi32, #tpu.memory_space<hbm>>) target(%dma_start3A_23 : memref<128xi32, #tpu.memory_space<vmem>>) target_semaphore(%arg11 : memref<!tpu.dma_semaphore, #tpu.memory_space<semaphore_mem>>)
      %dma_start3A_27 = arith.constant 0 : i32
      %dma_start3A_28 = arith.constant 0 : i32
      %dma_start3A_29 = arith.constant 0 : i32
      %dma_start3A_30 = arith.constant 0 : i32
      %dma_start3A_31 = tpu.memref_slice %arg9[%dma_start3A_28, %dma_start3A_29, %dma_start3A_30] : memref<2x128x128xf32, #tpu.memory_space<vmem>> -> memref<1x128x128xf32, #tpu.memory_space<vmem>>
      %dma_start3A_32 = tpu.memref_squeeze %dma_start3A_31 : memref<1x128x128xf32, #tpu.memory_space<vmem>> -> memref<128x128xf32, #tpu.memory_space<vmem>>
      %dma_start3A_33 = arith.constant 0 : i32
      %dma_start3A_34 = tpu.memref_slice %arg7[%dma_start3A_27, %dma_start3A_33] : memref<80x128xi32, #tpu.memory_space<vmem>> -> memref<1x128xi32, #tpu.memory_space<vmem>>
      %dma_start3A_35 = tpu.memref_squeeze %dma_start3A_34 : memref<1x128xi32, #tpu.memory_space<vmem>> -> memref<128xi32, #tpu.memory_space<vmem>>
      %dma_start3A_36 = arith.constant 0 : i32
      %dma_start3A_37 = arith.constant 0 : i32
      %dma_start3A_38 = tpu.memref_slice %arg2[%dma_start3A_36, %dma_start3A_37] : memref<10240x128xf32, #tpu.memory_space<hbm>> -> memref<10240x128xf32, #tpu.memory_space<hbm>>
      tpu.enqueue_indirect_dma source(%dma_start3A_38 : memref<10240x128xf32, #tpu.memory_space<hbm>>) target(%dma_start3A_32 : memref<128x128xf32, #tpu.memory_space<vmem>>) offsets(%dma_start3A_35 : memref<128xi32, #tpu.memory_space<vmem>>) semaphore(%arg11 : memref<!tpu.dma_semaphore, #tpu.memory_space<semaphore_mem>>)
      %dma_start3A_39 = arith.constant 1 : i32
      %dma_start3A_40 = arith.constant 1 : i32
      %dma_start3A_41 = arith.constant 0 : i32
      %dma_start3A_42 = tpu.memref_slice %arg8[%dma_start3A_40, %dma_start3A_41] : memref<2x128xi32, #tpu.memory_space<vmem>> -> memref<1x128xi32, #tpu.memory_space<vmem>>
      %dma_start3A_43 = tpu.memref_squeeze %dma_start3A_42 : memref<1x128xi32, #tpu.memory_space<vmem>> -> memref<128xi32, #tpu.memory_space<vmem>>
      %dma_start3A_44 = arith.constant 0 : i32
      %dma_start3A_45 = tpu.memref_slice %arg4[%arg1, %dma_start3A_39, %dma_start3A_44] : memref<16x80x128xi32, #tpu.memory_space<hbm>> -> memref<1x1x128xi32, #tpu.memory_space<hbm>>
      %dma_start3A_46 = tpu.memref_squeeze %dma_start3A_45 : memref<1x1x128xi32, #tpu.memory_space<hbm>> -> memref<128xi32, #tpu.memory_space<hbm>>
      %dma_start3A_47 = arith.constant 0 : i32
      %dma_start3A_48 = tpu.memref_slice %arg8[%dma_start3A_40, %dma_start3A_47] : memref<2x128xi32, #tpu.memory_space<vmem>> -> memref<1x128xi32, #tpu.memory_space<vmem>>
      %dma_start3A_49 = tpu.memref_squeeze %dma_start3A_48 : memref<1x128xi32, #tpu.memory_space<vmem>> -> memref<128xi32, #tpu.memory_space<vmem>>
      %dma_start3A_50 = arith.constant 0 : i32
      %dma_start3A_51 = tpu.memref_slice %arg4[%arg1, %dma_start3A_39, %dma_start3A_50] : memref<16x80x128xi32, #tpu.memory_space<hbm>> -> memref<1x1x128xi32, #tpu.memory_space<hbm>>
      %dma_start3A_52 = tpu.memref_squeeze %dma_start3A_51 : memref<1x1x128xi32, #tpu.memory_space<hbm>> -> memref<128xi32, #tpu.memory_space<hbm>>
      tpu.enqueue_dma source(%dma_start3A_52 : memref<128xi32, #tpu.memory_space<hbm>>) target(%dma_start3A_49 : memref<128xi32, #tpu.memory_space<vmem>>) target_semaphore(%arg12 : memref<!tpu.dma_semaphore, #tpu.memory_space<semaphore_mem>>)
      %dma_start3A_53 = arith.constant 1 : i32
      %dma_start3A_54 = arith.constant 1 : i32
      %dma_start3A_55 = arith.constant 0 : i32
      %dma_start3A_56 = arith.constant 0 : i32
      %dma_start3A_57 = tpu.memref_slice %arg9[%dma_start3A_54, %dma_start3A_55, %dma_start3A_56] : memref<2x128x128xf32, #tpu.memory_space<vmem>> -> memref<1x128x128xf32, #tpu.memory_space<vmem>>
      %dma_start3A_58 = tpu.memref_squeeze %dma_start3A_57 : memref<1x128x128xf32, #tpu.memory_space<vmem>> -> memref<128x128xf32, #tpu.memory_space<vmem>>
      %dma_start3A_59 = arith.constant 0 : i32
      %dma_start3A_60 = tpu.memref_slice %arg7[%dma_start3A_53, %dma_start3A_59] : memref<80x128xi32, #tpu.memory_space<vmem>> -> memref<1x128xi32, #tpu.memory_space<vmem>>
      %dma_start3A_61 = tpu.memref_squeeze %dma_start3A_60 : memref<1x128xi32, #tpu.memory_space<vmem>> -> memref<128xi32, #tpu.memory_space<vmem>>
      %dma_start3A_62 = arith.constant 0 : i32
      %dma_start3A_63 = arith.constant 0 : i32
      %dma_start3A_64 = tpu.memref_slice %arg2[%dma_start3A_62, %dma_start3A_63] : memref<10240x128xf32, #tpu.memory_space<hbm>> -> memref<10240x128xf32, #tpu.memory_space<hbm>>
      tpu.enqueue_indirect_dma source(%dma_start3A_64 : memref<10240x128xf32, #tpu.memory_space<hbm>>) target(%dma_start3A_58 : memref<128x128xf32, #tpu.memory_space<vmem>>) offsets(%dma_start3A_61 : memref<128xi32, #tpu.memory_space<vmem>>) semaphore(%arg12 : memref<!tpu.dma_semaphore, #tpu.memory_space<semaphore_mem>>)
      %scan3A = arith.constant 0 : i32
      %scan3A_65 = arith.constant 0 : i32
      %scan3A_66 = arith.constant 40 : i32
      %scan3A_67 = arith.addi %scan3A_65, %scan3A_66 : i32
      %scan3A_68 = arith.constant 1 : i32
      scf.for %scan3A_70 = %scan3A_65 to %scan3A_67 step %scan3A_68  : i32 {
        %dma_wait3A = arith.constant 0 : i32
        %dma_wait3A_71 = arith.constant 0 : i32
        %dma_wait3A_72 = arith.constant 0 : i32
        %dma_wait3A_73 = tpu.memref_slice %arg8[%dma_wait3A_71, %dma_wait3A_72] : memref<2x128xi32, #tpu.memory_space<vmem>> -> memref<1x128xi32, #tpu.memory_space<vmem>>
        %dma_wait3A_74 = tpu.memref_squeeze %dma_wait3A_73 : memref<1x128xi32, #tpu.memory_space<vmem>> -> memref<128xi32, #tpu.memory_space<vmem>>
        %dma_wait3A_75 = arith.constant 0 : i32
        %dma_wait3A_76 = tpu.memref_slice %arg4[%arg1, %dma_wait3A, %dma_wait3A_75] : memref<16x80x128xi32, #tpu.memory_space<hbm>> -> memref<1x1x128xi32, #tpu.memory_space<hbm>>
        %dma_wait3A_77 = tpu.memref_squeeze %dma_wait3A_76 : memref<1x1x128xi32, #tpu.memory_space<hbm>> -> memref<128xi32, #tpu.memory_space<hbm>>
        %dma_wait3A_78 = arith.constant 0 : i32
        %dma_wait3A_79 = tpu.memref_slice %arg8[%dma_wait3A_71, %dma_wait3A_78] : memref<2x128xi32, #tpu.memory_space<vmem>> -> memref<1x128xi32, #tpu.memory_space<vmem>>
        %dma_wait3A_80 = tpu.memref_squeeze %dma_wait3A_79 : memref<1x128xi32, #tpu.memory_space<vmem>> -> memref<128xi32, #tpu.memory_space<vmem>>
        %dma_wait3A_81 = arith.constant 0 : i32
        %dma_wait3A_82 = tpu.memref_slice %arg4[%arg1, %dma_wait3A, %dma_wait3A_81] : memref<16x80x128xi32, #tpu.memory_space<hbm>> -> memref<1x1x128xi32, #tpu.memory_space<hbm>>
        %dma_wait3A_83 = tpu.memref_squeeze %dma_wait3A_82 : memref<1x1x128xi32, #tpu.memory_space<hbm>> -> memref<128xi32, #tpu.memory_space<hbm>>
        tpu.wait_dma2 semaphore(%arg11 : memref<!tpu.dma_semaphore, #tpu.memory_space<semaphore_mem>>) src(%dma_wait3A_83 : memref<128xi32, #tpu.memory_space<hbm>>) dst(%dma_wait3A_80 : memref<128xi32, #tpu.memory_space<vmem>>)
        %dma_wait3A_84 = arith.constant 0 : i32
        %dma_wait3A_85 = arith.constant 0 : i32
        %dma_wait3A_86 = arith.constant 0 : i32
        %dma_wait3A_87 = tpu.memref_slice %arg9[%dma_wait3A_84, %dma_wait3A_85, %dma_wait3A_86] : memref<2x128x128xf32, #tpu.memory_space<vmem>> -> memref<1x128x128xf32, #tpu.memory_space<vmem>>
        %dma_wait3A_88 = tpu.memref_squeeze %dma_wait3A_87 : memref<1x128x128xf32, #tpu.memory_space<vmem>> -> memref<128x128xf32, #tpu.memory_space<vmem>>
        %dma_wait3A_89 = arith.constant 0 : i32
        %dma_wait3A_90 = arith.constant 0 : i32
        %dma_wait3A_91 = tpu.memref_slice %arg5[%dma_wait3A_89, %dma_wait3A_90] : memref<10240x128xf32, #tpu.memory_space<hbm>> -> memref<128x128xf32, #tpu.memory_space<hbm>>
        %dma_wait3A_92 = arith.constant 0 : i32
        %dma_wait3A_93 = arith.constant 0 : i32
        %dma_wait3A_94 = tpu.memref_slice %arg9[%dma_wait3A_84, %dma_wait3A_92, %dma_wait3A_93] : memref<2x128x128xf32, #tpu.memory_space<vmem>> -> memref<1x128x128xf32, #tpu.memory_space<vmem>>
        %dma_wait3A_95 = tpu.memref_squeeze %dma_wait3A_94 : memref<1x128x128xf32, #tpu.memory_space<vmem>> -> memref<128x128xf32, #tpu.memory_space<vmem>>
        %dma_wait3A_96 = arith.constant 0 : i32
        %dma_wait3A_97 = arith.constant 0 : i32
        %dma_wait3A_98 = tpu.memref_slice %arg5[%dma_wait3A_96, %dma_wait3A_97] : memref<10240x128xf32, #tpu.memory_space<hbm>> -> memref<128x128xf32, #tpu.memory_space<hbm>>
        tpu.wait_dma2 semaphore(%arg11 : memref<!tpu.dma_semaphore, #tpu.memory_space<semaphore_mem>>) src(%dma_wait3A_98 : memref<128x128xf32, #tpu.memory_space<hbm>>) dst(%dma_wait3A_95 : memref<128x128xf32, #tpu.memory_space<vmem>>)
        %run_scoped3A = arith.constant 0 : i32
        %run_scoped3A_99 = arith.constant 0 : i32
        "tpu.region"() ({
          %run_scoped3A_140 = tpu.sem_alloc : memref<!tpu.dma_semaphore, #tpu.memory_space<semaphore_mem>>
          %dma_start3A_141 = arith.constant 0 : i32
          %dma_start3A_142 = arith.constant 0 : i32
          %dma_start3A_143 = tpu.memref_slice %arg9[%run_scoped3A, %dma_start3A_141, %dma_start3A_142] : memref<2x128x128xf32, #tpu.memory_space<vmem>> -> memref<1x128x128xf32, #tpu.memory_space<vmem>>
          %dma_start3A_144 = tpu.memref_squeeze %dma_start3A_143 : memref<1x128x128xf32, #tpu.memory_space<vmem>> -> memref<128x128xf32, #tpu.memory_space<vmem>>
          %dma_start3A_145 = arith.constant 0 : i32
          %dma_start3A_146 = tpu.memref_slice %arg8[%run_scoped3A_99, %dma_start3A_145] : memref<2x128xi32, #tpu.memory_space<vmem>> -> memref<1x128xi32, #tpu.memory_space<vmem>>
          %dma_start3A_147 = tpu.memref_squeeze %dma_start3A_146 : memref<1x128xi32, #tpu.memory_space<vmem>> -> memref<128xi32, #tpu.memory_space<vmem>>
          %dma_start3A_148 = arith.constant 0 : i32
          %dma_start3A_149 = arith.constant 0 : i32
          %dma_start3A_150 = tpu.memref_slice %arg10[%dma_start3A_148, %dma_start3A_149] : memref<10112x128xf32, #tpu.memory_space<vmem_shared>> -> memref<10112x128xf32, #tpu.memory_space<vmem_shared>>
          tpu.enqueue_indirect_dma source(%dma_start3A_144 : memref<128x128xf32, #tpu.memory_space<vmem>>) target(%dma_start3A_150 : memref<10112x128xf32, #tpu.memory_space<vmem_shared>>) offsets(%dma_start3A_147 : memref<128xi32, #tpu.memory_space<vmem>>) semaphore(%run_scoped3A_140 : memref<!tpu.dma_semaphore, #tpu.memory_space<semaphore_mem>>) {add = true}
          %dma_wait3A_151 = arith.constant 0 : i32
          %dma_wait3A_152 = arith.constant 0 : i32
          %dma_wait3A_153 = tpu.memref_slice %arg9[%run_scoped3A, %dma_wait3A_151, %dma_wait3A_152] : memref<2x128x128xf32, #tpu.memory_space<vmem>> -> memref<1x128x128xf32, #tpu.memory_space<vmem>>
          %dma_wait3A_154 = tpu.memref_squeeze %dma_wait3A_153 : memref<1x128x128xf32, #tpu.memory_space<vmem>> -> memref<128x128xf32, #tpu.memory_space<vmem>>
          %dma_wait3A_155 = arith.constant 0 : i32
          %dma_wait3A_156 = tpu.memref_slice %arg8[%run_scoped3A_99, %dma_wait3A_155] : memref<2x128xi32, #tpu.memory_space<vmem>> -> memref<1x128xi32, #tpu.memory_space<vmem>>
          %dma_wait3A_157 = tpu.memref_squeeze %dma_wait3A_156 : memref<1x128xi32, #tpu.memory_space<vmem>> -> memref<128xi32, #tpu.memory_space<vmem>>
          %dma_wait3A_158 = arith.constant 0 : i32
          %dma_wait3A_159 = arith.constant 0 : i32
          %dma_wait3A_160 = tpu.memref_slice %arg10[%dma_wait3A_158, %dma_wait3A_159] : memref<10112x128xf32, #tpu.memory_space<vmem_shared>> -> memref<10112x128xf32, #tpu.memory_space<vmem_shared>>
          tpu.wait_indirect_dma semaphore(%run_scoped3A_140 : memref<!tpu.dma_semaphore, #tpu.memory_space<semaphore_mem>>) src(%dma_wait3A_154 : memref<128x128xf32, #tpu.memory_space<vmem>>) dst(%dma_wait3A_160 : memref<10112x128xf32, #tpu.memory_space<vmem_shared>>)
          tpu.yield
        }) : () -> ()
        %lt3A = arith.constant 39 : i32
        %lt3A_100 = arith.cmpi slt, %scan3A_70, %lt3A : i32
        %convert_element_type3A_101 = arith.extui %lt3A_100 : i1 to i32
        %cond3A_102 = arith.constant 0 : i32
        %cond3A_103 = arith.cmpi ne, %convert_element_type3A_101, %cond3A_102 : i32
        scf.if %cond3A_103 {
          %mul3A_140 = arith.constant 2 : i32
          %mul3A_141 = arith.muli %mul3A_140, %scan3A_70 : i32
          %add3A = arith.constant 2 : i32
          %add3A_142 = arith.addi %mul3A_141, %add3A : i32
          %dma_start3A_143 = arith.constant 0 : i32
          %dma_start3A_144 = arith.constant 0 : i32
          %dma_start3A_145 = tpu.memref_slice %arg8[%dma_start3A_143, %dma_start3A_144] : memref<2x128xi32, #tpu.memory_space<vmem>> -> memref<1x128xi32, #tpu.memory_space<vmem>>
          %dma_start3A_146 = tpu.memref_squeeze %dma_start3A_145 : memref<1x128xi32, #tpu.memory_space<vmem>> -> memref<128xi32, #tpu.memory_space<vmem>>
          %dma_start3A_147 = arith.constant 0 : i32
          %dma_start3A_148 = tpu.memref_slice %arg4[%arg1, %add3A_142, %dma_start3A_147] : memref<16x80x128xi32, #tpu.memory_space<hbm>> -> memref<1x1x128xi32, #tpu.memory_space<hbm>>
          %dma_start3A_149 = tpu.memref_squeeze %dma_start3A_148 : memref<1x1x128xi32, #tpu.memory_space<hbm>> -> memref<128xi32, #tpu.memory_space<hbm>>
          %dma_start3A_150 = arith.constant 0 : i32
          %dma_start3A_151 = tpu.memref_slice %arg8[%dma_start3A_143, %dma_start3A_150] : memref<2x128xi32, #tpu.memory_space<vmem>> -> memref<1x128xi32, #tpu.memory_space<vmem>>
          %dma_start3A_152 = tpu.memref_squeeze %dma_start3A_151 : memref<1x128xi32, #tpu.memory_space<vmem>> -> memref<128xi32, #tpu.memory_space<vmem>>
          %dma_start3A_153 = arith.constant 0 : i32
          %dma_start3A_154 = tpu.memref_slice %arg4[%arg1, %add3A_142, %dma_start3A_153] : memref<16x80x128xi32, #tpu.memory_space<hbm>> -> memref<1x1x128xi32, #tpu.memory_space<hbm>>
          %dma_start3A_155 = tpu.memref_squeeze %dma_start3A_154 : memref<1x1x128xi32, #tpu.memory_space<hbm>> -> memref<128xi32, #tpu.memory_space<hbm>>
          tpu.enqueue_dma source(%dma_start3A_155 : memref<128xi32, #tpu.memory_space<hbm>>) target(%dma_start3A_152 : memref<128xi32, #tpu.memory_space<vmem>>) target_semaphore(%arg11 : memref<!tpu.dma_semaphore, #tpu.memory_space<semaphore_mem>>)
          %dma_start3A_156 = arith.constant 0 : i32
          %dma_start3A_157 = arith.constant 0 : i32
          %dma_start3A_158 = arith.constant 0 : i32
          %dma_start3A_159 = tpu.memref_slice %arg9[%dma_start3A_156, %dma_start3A_157, %dma_start3A_158] : memref<2x128x128xf32, #tpu.memory_space<vmem>> -> memref<1x128x128xf32, #tpu.memory_space<vmem>>
          %dma_start3A_160 = tpu.memref_squeeze %dma_start3A_159 : memref<1x128x128xf32, #tpu.memory_space<vmem>> -> memref<128x128xf32, #tpu.memory_space<vmem>>
          %dma_start3A_161 = arith.constant 0 : i32
          %dma_start3A_162 = tpu.memref_slice %arg7[%add3A_142, %dma_start3A_161] : memref<80x128xi32, #tpu.memory_space<vmem>> -> memref<1x128xi32, #tpu.memory_space<vmem>>
          %dma_start3A_163 = tpu.memref_squeeze %dma_start3A_162 : memref<1x128xi32, #tpu.memory_space<vmem>> -> memref<128xi32, #tpu.memory_space<vmem>>
          %dma_start3A_164 = arith.constant 0 : i32
          %dma_start3A_165 = arith.constant 0 : i32
          %dma_start3A_166 = tpu.memref_slice %arg2[%dma_start3A_164, %dma_start3A_165] : memref<10240x128xf32, #tpu.memory_space<hbm>> -> memref<10240x128xf32, #tpu.memory_space<hbm>>
          tpu.enqueue_indirect_dma source(%dma_start3A_166 : memref<10240x128xf32, #tpu.memory_space<hbm>>) target(%dma_start3A_160 : memref<128x128xf32, #tpu.memory_space<vmem>>) offsets(%dma_start3A_163 : memref<128xi32, #tpu.memory_space<vmem>>) semaphore(%arg11 : memref<!tpu.dma_semaphore, #tpu.memory_space<semaphore_mem>>)
        } else {
        }
        %dma_wait3A_104 = arith.constant 0 : i32
        %dma_wait3A_105 = arith.constant 1 : i32
        %dma_wait3A_106 = arith.constant 0 : i32
        %dma_wait3A_107 = tpu.memref_slice %arg8[%dma_wait3A_105, %dma_wait3A_106] : memref<2x128xi32, #tpu.memory_space<vmem>> -> memref<1x128xi32, #tpu.memory_space<vmem>>
        %dma_wait3A_108 = tpu.memref_squeeze %dma_wait3A_107 : memref<1x128xi32, #tpu.memory_space<vmem>> -> memref<128xi32, #tpu.memory_space<vmem>>
        %dma_wait3A_109 = arith.constant 0 : i32
        %dma_wait3A_110 = tpu.memref_slice %arg4[%arg1, %dma_wait3A_104, %dma_wait3A_109] : memref<16x80x128xi32, #tpu.memory_space<hbm>> -> memref<1x1x128xi32, #tpu.memory_space<hbm>>
        %dma_wait3A_111 = tpu.memref_squeeze %dma_wait3A_110 : memref<1x1x128xi32, #tpu.memory_space<hbm>> -> memref<128xi32, #tpu.memory_space<hbm>>
        %dma_wait3A_112 = arith.constant 0 : i32
        %dma_wait3A_113 = tpu.memref_slice %arg8[%dma_wait3A_105, %dma_wait3A_112] : memref<2x128xi32, #tpu.memory_space<vmem>> -> memref<1x128xi32, #tpu.memory_space<vmem>>
        %dma_wait3A_114 = tpu.memref_squeeze %dma_wait3A_113 : memref<1x128xi32, #tpu.memory_space<vmem>> -> memref<128xi32, #tpu.memory_space<vmem>>
        %dma_wait3A_115 = arith.constant 0 : i32
        %dma_wait3A_116 = tpu.memref_slice %arg4[%arg1, %dma_wait3A_104, %dma_wait3A_115] : memref<16x80x128xi32, #tpu.memory_space<hbm>> -> memref<1x1x128xi32, #tpu.memory_space<hbm>>
        %dma_wait3A_117 = tpu.memref_squeeze %dma_wait3A_116 : memref<1x1x128xi32, #tpu.memory_space<hbm>> -> memref<128xi32, #tpu.memory_space<hbm>>
        tpu.wait_dma2 semaphore(%arg12 : memref<!tpu.dma_semaphore, #tpu.memory_space<semaphore_mem>>) src(%dma_wait3A_117 : memref<128xi32, #tpu.memory_space<hbm>>) dst(%dma_wait3A_114 : memref<128xi32, #tpu.memory_space<vmem>>)
        %dma_wait3A_118 = arith.constant 1 : i32
        %dma_wait3A_119 = arith.constant 0 : i32
        %dma_wait3A_120 = arith.constant 0 : i32
        %dma_wait3A_121 = tpu.memref_slice %arg9[%dma_wait3A_118, %dma_wait3A_119, %dma_wait3A_120] : memref<2x128x128xf32, #tpu.memory_space<vmem>> -> memref<1x128x128xf32, #tpu.memory_space<vmem>>
        %dma_wait3A_122 = tpu.memref_squeeze %dma_wait3A_121 : memref<1x128x128xf32, #tpu.memory_space<vmem>> -> memref<128x128xf32, #tpu.memory_space<vmem>>
        %dma_wait3A_123 = arith.constant 0 : i32
        %dma_wait3A_124 = arith.constant 0 : i32
        %dma_wait3A_125 = tpu.memref_slice %arg5[%dma_wait3A_123, %dma_wait3A_124] : memref<10240x128xf32, #tpu.memory_space<hbm>> -> memref<128x128xf32, #tpu.memory_space<hbm>>
        %dma_wait3A_126 = arith.constant 0 : i32
        %dma_wait3A_127 = arith.constant 0 : i32
        %dma_wait3A_128 = tpu.memref_slice %arg9[%dma_wait3A_118, %dma_wait3A_126, %dma_wait3A_127] : memref<2x128x128xf32, #tpu.memory_space<vmem>> -> memref<1x128x128xf32, #tpu.memory_space<vmem>>
        %dma_wait3A_129 = tpu.memref_squeeze %dma_wait3A_128 : memref<1x128x128xf32, #tpu.memory_space<vmem>> -> memref<128x128xf32, #tpu.memory_space<vmem>>
        %dma_wait3A_130 = arith.constant 0 : i32
        %dma_wait3A_131 = arith.constant 0 : i32
        %dma_wait3A_132 = tpu.memref_slice %arg5[%dma_wait3A_130, %dma_wait3A_131] : memref<10240x128xf32, #tpu.memory_space<hbm>> -> memref<128x128xf32, #tpu.memory_space<hbm>>
        tpu.wait_dma2 semaphore(%arg12 : memref<!tpu.dma_semaphore, #tpu.memory_space<semaphore_mem>>) src(%dma_wait3A_132 : memref<128x128xf32, #tpu.memory_space<hbm>>) dst(%dma_wait3A_129 : memref<128x128xf32, #tpu.memory_space<vmem>>)
        %run_scoped3A_133 = arith.constant 1 : i32
        %run_scoped3A_134 = arith.constant 1 : i32
        "tpu.region"() ({
          %run_scoped3A_140 = tpu.sem_alloc : memref<!tpu.dma_semaphore, #tpu.memory_space<semaphore_mem>>
          %dma_start3A_141 = arith.constant 0 : i32
          %dma_start3A_142 = arith.constant 0 : i32
          %dma_start3A_143 = tpu.memref_slice %arg9[%run_scoped3A_133, %dma_start3A_141, %dma_start3A_142] : memref<2x128x128xf32, #tpu.memory_space<vmem>> -> memref<1x128x128xf32, #tpu.memory_space<vmem>>
          %dma_start3A_144 = tpu.memref_squeeze %dma_start3A_143 : memref<1x128x128xf32, #tpu.memory_space<vmem>> -> memref<128x128xf32, #tpu.memory_space<vmem>>
          %dma_start3A_145 = arith.constant 0 : i32
          %dma_start3A_146 = tpu.memref_slice %arg8[%run_scoped3A_134, %dma_start3A_145] : memref<2x128xi32, #tpu.memory_space<vmem>> -> memref<1x128xi32, #tpu.memory_space<vmem>>
          %dma_start3A_147 = tpu.memref_squeeze %dma_start3A_146 : memref<1x128xi32, #tpu.memory_space<vmem>> -> memref<128xi32, #tpu.memory_space<vmem>>
          %dma_start3A_148 = arith.constant 0 : i32
          %dma_start3A_149 = arith.constant 0 : i32
          %dma_start3A_150 = tpu.memref_slice %arg10[%dma_start3A_148, %dma_start3A_149] : memref<10112x128xf32, #tpu.memory_space<vmem_shared>> -> memref<10112x128xf32, #tpu.memory_space<vmem_shared>>
          tpu.enqueue_indirect_dma source(%dma_start3A_144 : memref<128x128xf32, #tpu.memory_space<vmem>>) target(%dma_start3A_150 : memref<10112x128xf32, #tpu.memory_space<vmem_shared>>) offsets(%dma_start3A_147 : memref<128xi32, #tpu.memory_space<vmem>>) semaphore(%run_scoped3A_140 : memref<!tpu.dma_semaphore, #tpu.memory_space<semaphore_mem>>) {add = true}
          %dma_wait3A_151 = arith.constant 0 : i32
          %dma_wait3A_152 = arith.constant 0 : i32
          %dma_wait3A_153 = tpu.memref_slice %arg9[%run_scoped3A_133, %dma_wait3A_151, %dma_wait3A_152] : memref<2x128x128xf32, #tpu.memory_space<vmem>> -> memref<1x128x128xf32, #tpu.memory_space<vmem>>
          %dma_wait3A_154 = tpu.memref_squeeze %dma_wait3A_153 : memref<1x128x128xf32, #tpu.memory_space<vmem>> -> memref<128x128xf32, #tpu.memory_space<vmem>>
          %dma_wait3A_155 = arith.constant 0 : i32
          %dma_wait3A_156 = tpu.memref_slice %arg8[%run_scoped3A_134, %dma_wait3A_155] : memref<2x128xi32, #tpu.memory_space<vmem>> -> memref<1x128xi32, #tpu.memory_space<vmem>>
          %dma_wait3A_157 = tpu.memref_squeeze %dma_wait3A_156 : memref<1x128xi32, #tpu.memory_space<vmem>> -> memref<128xi32, #tpu.memory_space<vmem>>
          %dma_wait3A_158 = arith.constant 0 : i32
          %dma_wait3A_159 = arith.constant 0 : i32
          %dma_wait3A_160 = tpu.memref_slice %arg10[%dma_wait3A_158, %dma_wait3A_159] : memref<10112x128xf32, #tpu.memory_space<vmem_shared>> -> memref<10112x128xf32, #tpu.memory_space<vmem_shared>>
          tpu.wait_indirect_dma semaphore(%run_scoped3A_140 : memref<!tpu.dma_semaphore, #tpu.memory_space<semaphore_mem>>) src(%dma_wait3A_154 : memref<128x128xf32, #tpu.memory_space<vmem>>) dst(%dma_wait3A_160 : memref<10112x128xf32, #tpu.memory_space<vmem_shared>>)
          tpu.yield
        }) : () -> ()
        %lt3A_135 = arith.constant 39 : i32
        %lt3A_136 = arith.cmpi slt, %scan3A_70, %lt3A_135 : i32
        %convert_element_type3A_137 = arith.extui %lt3A_136 : i1 to i32
        %cond3A_138 = arith.constant 0 : i32
        %cond3A_139 = arith.cmpi ne, %convert_element_type3A_137, %cond3A_138 : i32
        scf.if %cond3A_139 {
          %mul3A_140 = arith.constant 2 : i32
          %mul3A_141 = arith.muli %mul3A_140, %scan3A_70 : i32
          %add3A = arith.constant 3 : i32
          %add3A_142 = arith.addi %mul3A_141, %add3A : i32
          %dma_start3A_143 = arith.constant 1 : i32
          %dma_start3A_144 = arith.constant 0 : i32
          %dma_start3A_145 = tpu.memref_slice %arg8[%dma_start3A_143, %dma_start3A_144] : memref<2x128xi32, #tpu.memory_space<vmem>> -> memref<1x128xi32, #tpu.memory_space<vmem>>
          %dma_start3A_146 = tpu.memref_squeeze %dma_start3A_145 : memref<1x128xi32, #tpu.memory_space<vmem>> -> memref<128xi32, #tpu.memory_space<vmem>>
          %dma_start3A_147 = arith.constant 0 : i32
          %dma_start3A_148 = tpu.memref_slice %arg4[%arg1, %add3A_142, %dma_start3A_147] : memref<16x80x128xi32, #tpu.memory_space<hbm>> -> memref<1x1x128xi32, #tpu.memory_space<hbm>>
          %dma_start3A_149 = tpu.memref_squeeze %dma_start3A_148 : memref<1x1x128xi32, #tpu.memory_space<hbm>> -> memref<128xi32, #tpu.memory_space<hbm>>
          %dma_start3A_150 = arith.constant 0 : i32
          %dma_start3A_151 = tpu.memref_slice %arg8[%dma_start3A_143, %dma_start3A_150] : memref<2x128xi32, #tpu.memory_space<vmem>> -> memref<1x128xi32, #tpu.memory_space<vmem>>
          %dma_start3A_152 = tpu.memref_squeeze %dma_start3A_151 : memref<1x128xi32, #tpu.memory_space<vmem>> -> memref<128xi32, #tpu.memory_space<vmem>>
          %dma_start3A_153 = arith.constant 0 : i32
          %dma_start3A_154 = tpu.memref_slice %arg4[%arg1, %add3A_142, %dma_start3A_153] : memref<16x80x128xi32, #tpu.memory_space<hbm>> -> memref<1x1x128xi32, #tpu.memory_space<hbm>>
          %dma_start3A_155 = tpu.memref_squeeze %dma_start3A_154 : memref<1x1x128xi32, #tpu.memory_space<hbm>> -> memref<128xi32, #tpu.memory_space<hbm>>
          tpu.enqueue_dma source(%dma_start3A_155 : memref<128xi32, #tpu.memory_space<hbm>>) target(%dma_start3A_152 : memref<128xi32, #tpu.memory_space<vmem>>) target_semaphore(%arg12 : memref<!tpu.dma_semaphore, #tpu.memory_space<semaphore_mem>>)
          %dma_start3A_156 = arith.constant 1 : i32
          %dma_start3A_157 = arith.constant 0 : i32
          %dma_start3A_158 = arith.constant 0 : i32
          %dma_start3A_159 = tpu.memref_slice %arg9[%dma_start3A_156, %dma_start3A_157, %dma_start3A_158] : memref<2x128x128xf32, #tpu.memory_space<vmem>> -> memref<1x128x128xf32, #tpu.memory_space<vmem>>
          %dma_start3A_160 = tpu.memref_squeeze %dma_start3A_159 : memref<1x128x128xf32, #tpu.memory_space<vmem>> -> memref<128x128xf32, #tpu.memory_space<vmem>>
          %dma_start3A_161 = arith.constant 0 : i32
          %dma_start3A_162 = tpu.memref_slice %arg7[%add3A_142, %dma_start3A_161] : memref<80x128xi32, #tpu.memory_space<vmem>> -> memref<1x128xi32, #tpu.memory_space<vmem>>
          %dma_start3A_163 = tpu.memref_squeeze %dma_start3A_162 : memref<1x128xi32, #tpu.memory_space<vmem>> -> memref<128xi32, #tpu.memory_space<vmem>>
          %dma_start3A_164 = arith.constant 0 : i32
          %dma_start3A_165 = arith.constant 0 : i32
          %dma_start3A_166 = tpu.memref_slice %arg2[%dma_start3A_164, %dma_start3A_165] : memref<10240x128xf32, #tpu.memory_space<hbm>> -> memref<10240x128xf32, #tpu.memory_space<hbm>>
          tpu.enqueue_indirect_dma source(%dma_start3A_166 : memref<10240x128xf32, #tpu.memory_space<hbm>>) target(%dma_start3A_160 : memref<128x128xf32, #tpu.memory_space<vmem>>) offsets(%dma_start3A_163 : memref<128xi32, #tpu.memory_space<vmem>>) semaphore(%arg12 : memref<!tpu.dma_semaphore, #tpu.memory_space<semaphore_mem>>)
        } else {
        }
      }
      %scan3A_69 = arith.constant 40 : i32
    } else {
    }
    %barrier3A_8 = arith.constant 0 : index
    tpu.barrier barrier_id(%barrier3A_8)
    %eq3A_9 = arith.constant 0 : i32
    %eq3A_10 = arith.cmpi eq, %arg0, %eq3A_9 : i32
    %convert_element_type3A_11 = arith.extui %eq3A_10 : i1 to i32
    %cond3A_12 = arith.constant 0 : i32
    %cond3A_13 = arith.cmpi ne, %convert_element_type3A_11, %cond3A_12 : i32
    scf.if %cond3A_13 {
      "tpu.region"() ({
        %run_scoped3A = tpu.sem_alloc : memref<!tpu.dma_semaphore, #tpu.memory_space<semaphore_mem>>
        %dma_start3A = arith.constant 0 : i32
        %dma_start3A_14 = tpu.memref_slice %arg6[%mul3A_0, %dma_start3A] : memref<10240x128xf32, #tpu.memory_space<hbm>> -> memref<632x128xf32, #tpu.memory_space<hbm>>
        %dma_start3A_15 = arith.constant 0 : i32
        %dma_start3A_16 = tpu.memref_slice %arg10[%mul3A_0, %dma_start3A_15] : memref<10112x128xf32, #tpu.memory_space<vmem_shared>> -> memref<632x128xf32, #tpu.memory_space<vmem_shared>>
        tpu.enqueue_dma source(%dma_start3A_16 : memref<632x128xf32, #tpu.memory_space<vmem_shared>>) target(%dma_start3A_14 : memref<632x128xf32, #tpu.memory_space<hbm>>) target_semaphore(%run_scoped3A : memref<!tpu.dma_semaphore, #tpu.memory_space<semaphore_mem>>)
        %dma_wait3A = arith.constant 0 : i32
        %dma_wait3A_17 = tpu.memref_slice %arg6[%mul3A_0, %dma_wait3A] : memref<10240x128xf32, #tpu.memory_space<hbm>> -> memref<632x128xf32, #tpu.memory_space<hbm>>
        %dma_wait3A_18 = arith.constant 0 : i32
        %dma_wait3A_19 = tpu.memref_slice %arg10[%mul3A_0, %dma_wait3A_18] : memref<10112x128xf32, #tpu.memory_space<vmem_shared>> -> memref<632x128xf32, #tpu.memory_space<vmem_shared>>
        tpu.wait_dma2 semaphore(%run_scoped3A : memref<!tpu.dma_semaphore, #tpu.memory_space<semaphore_mem>>) src(%dma_wait3A_19 : memref<632x128xf32, #tpu.memory_space<vmem_shared>>) dst(%dma_wait3A_17 : memref<632x128xf32, #tpu.memory_space<hbm>>)
        tpu.yield
      }) : () -> ()
    } else {
    }
    return
  }
}

module attributes {stable_mosaic.version = 14 : i64} {
  func.func @_lin_norm_body(%arg0: i32, %arg1: memref<1280x128xf32, #tpu.memory_space<vmem>>, %arg2: memref<128x128xf32, #tpu.memory_space<vmem>>, %arg3: memref<1x128xf32, #tpu.memory_space<vmem>>, %arg4: memref<1280x128xf32, #tpu.memory_space<vmem>>) attributes {dimension_semantics = [#tpu.dimension_semantics<arbitrary>], iteration_bounds = array<i64: 8>, scalar_prefetch = 0 : i64, scratch_operands = 0 : i64, tpu.core_type = #tpu.core_type<tc>, window_params = [{transform_indices = @transform_0, window_bounds = array<i64: 1280, 128>}, {pipeline_mode = #tpu.pipeline_mode<synchronous>, transform_indices = @transform_1, window_bounds = array<i64: 128, 128>}, {pipeline_mode = #tpu.pipeline_mode<synchronous>, transform_indices = @transform_2, window_bounds = array<i64: 1, 128>}, {transform_indices = @transform_3, window_bounds = array<i64: 1280, 128>}]} {
    %get3A = arith.constant 0 : index
    %get3A_0 = arith.constant 0 : index
    %get3A_1 = vector.load %arg1[%get3A, %get3A_0] : memref<1280x128xf32, #tpu.memory_space<vmem>>, vector<1280x128xf32>
    %get3A_2 = arith.constant 0 : index
    %get3A_3 = arith.constant 0 : index
    %get3A_4 = vector.load %arg2[%get3A_2, %get3A_3] : memref<128x128xf32, #tpu.memory_space<vmem>>, vector<128x128xf32>
    %dot_general3A = arith.constant dense<0.000000e+00> : vector<1280x128xf32>
    %dot_general3A_5 = tpu.matmul %get3A_1, %get3A_4, %dot_general3A {dimension_numbers = #tpu.dot_dimension_numbers<[1], [0], [0], [1], [0, 0, 1, 1], [], []>, transpose_lhs_hint = false} : vector<1280x128xf32>, vector<128x128xf32>, vector<1280x128xf32> -> vector<1280x128xf32>
    %get3A_6 = arith.constant 0 : index
    %get3A_7 = arith.constant 0 : index
    %get3A_8 = vector.load %arg3[%get3A_6, %get3A_7] : memref<1x128xf32, #tpu.memory_space<vmem>>, vector<1x128xf32>
    %add3A = vector.broadcast %get3A_8 : vector<1x128xf32> to vector<1280x128xf32>
    %add3A_9 = arith.addf %dot_general3A_5, %add3A : vector<1280x128xf32>
    %mul3A = arith.mulf %add3A_9, %add3A_9 : vector<1280x128xf32>
    %reduce_sum3A = arith.constant dense<0.000000e+00> : vector<1280xf32>
    %reduce_sum3A_10 = vector.multi_reduction <add>, %mul3A, %reduce_sum3A [1] : vector<1280x128xf32> to vector<1280xf32>
    %broadcast_in_dim3A = vector.shape_cast %reduce_sum3A_10 : vector<1280xf32> to vector<1280x1xf32>
    %sqrt3A = math.sqrt %broadcast_in_dim3A : vector<1280x1xf32>
    %max3A = arith.constant 9.99999996E-13 : f32
    %max3A_11 = vector.broadcast %max3A : f32 to vector<1280x1xf32>
    %max3A_12 = arith.maximumf %sqrt3A, %max3A_11 : vector<1280x1xf32>
    %div3A = vector.broadcast %max3A_12 : vector<1280x1xf32> to vector<1280x128xf32>
    %div3A_13 = arith.divf %add3A_9, %div3A : vector<1280x128xf32>
    %swap3A = arith.constant 0 : index
    %swap3A_14 = arith.constant 0 : index
    %swap3A_15 = vector.load %arg4[%swap3A, %swap3A_14] : memref<1280x128xf32, #tpu.memory_space<vmem>>, vector<1280x128xf32>
    tpu.vector_store %arg4[%swap3A, %swap3A_14], %div3A_13 {strides = array<i32>} : memref<1280x128xf32, #tpu.memory_space<vmem>>, vector<1280x128xf32>,
    return
  }
  func.func @transform_0(%arg0: i32) -> (i32, i32) {
    %c0_i32 = arith.constant 0 : i32
    %c0_i32_0 = arith.constant 0 : i32
    return %arg0, %c0_i32 : i32, i32
  }
  func.func @transform_1(%arg0: i32) -> (i32, i32) {
    %c0_i32 = arith.constant 0 : i32
    %c0_i32_0 = arith.constant 0 : i32
    %c0_i32_1 = arith.constant 0 : i32
    return %c0_i32, %c0_i32_0 : i32, i32
  }
  func.func @transform_2(%arg0: i32) -> (i32, i32) {
    %c0_i32 = arith.constant 0 : i32
    %c0_i32_0 = arith.constant 0 : i32
    %c0_i32_1 = arith.constant 0 : i32
    return %c0_i32, %c0_i32_0 : i32, i32
  }
  func.func @transform_3(%arg0: i32) -> (i32, i32) {
    %c0_i32 = arith.constant 0 : i32
    %c0_i32_0 = arith.constant 0 : i32
    return %arg0, %c0_i32 : i32, i32
  }
}

module attributes {stable_mosaic.version = 14 : i64} {
  func.func @_post_body(%arg0: i32, %arg1: memref<1280x128xf32, #tpu.memory_space<vmem>>, %arg2: memref<1280x128xf32, #tpu.memory_space<vmem>>, %arg3: memref<128x128xf32, #tpu.memory_space<vmem>>, %arg4: memref<1x128xf32, #tpu.memory_space<vmem>>, %arg5: memref<128x40xf32, #tpu.memory_space<vmem>>, %arg6: memref<1x40xf32, #tpu.memory_space<vmem>>, %arg7: memref<1280x40xf32, #tpu.memory_space<vmem>>) attributes {dimension_semantics = [#tpu.dimension_semantics<arbitrary>], iteration_bounds = array<i64: 8>, scalar_prefetch = 0 : i64, scratch_operands = 0 : i64, tpu.core_type = #tpu.core_type<tc>, window_params = [{transform_indices = @transform_0, window_bounds = array<i64: 1280, 128>}, {transform_indices = @transform_1, window_bounds = array<i64: 1280, 128>}, {pipeline_mode = #tpu.pipeline_mode<synchronous>, transform_indices = @transform_2, window_bounds = array<i64: 128, 128>}, {pipeline_mode = #tpu.pipeline_mode<synchronous>, transform_indices = @transform_3, window_bounds = array<i64: 1, 128>}, {pipeline_mode = #tpu.pipeline_mode<synchronous>, transform_indices = @transform_4, window_bounds = array<i64: 128, 40>}, {pipeline_mode = #tpu.pipeline_mode<synchronous>, transform_indices = @transform_5, window_bounds = array<i64: 1, 40>}, {transform_indices = @transform_6, window_bounds = array<i64: 1280, 40>}]} {
    %get3A = arith.constant 0 : index
    %get3A_0 = arith.constant 0 : index
    %get3A_1 = vector.load %arg1[%get3A, %get3A_0] : memref<1280x128xf32, #tpu.memory_space<vmem>>, vector<1280x128xf32>
    %get3A_2 = arith.constant 0 : index
    %get3A_3 = arith.constant 0 : index
    %get3A_4 = vector.load %arg2[%get3A_2, %get3A_3] : memref<1280x128xf32, #tpu.memory_space<vmem>>, vector<1280x1xf32>
    %max3A = arith.constant 1.000000e+00 : f32
    %max3A_5 = vector.broadcast %max3A : f32 to vector<1280x1xf32>
    %max3A_6 = arith.maximumf %get3A_4, %max3A_5 : vector<1280x1xf32>
    %div3A = vector.broadcast %max3A_6 : vector<1280x1xf32> to vector<1280x128xf32>
    %div3A_7 = arith.divf %get3A_1, %div3A : vector<1280x128xf32>
    %max3A_8 = arith.constant 0.000000e+00 : f32
    %max3A_9 = vector.broadcast %max3A_8 : f32 to vector<1280x128xf32>
    %max3A_10 = arith.maximumf %div3A_7, %max3A_9 : vector<1280x128xf32>
    %get3A_11 = arith.constant 0 : index
    %get3A_12 = arith.constant 0 : index
    %get3A_13 = vector.load %arg3[%get3A_11, %get3A_12] : memref<128x128xf32, #tpu.memory_space<vmem>>, vector<128x128xf32>
    %dot_general3A = arith.constant dense<0.000000e+00> : vector<1280x128xf32>
    %dot_general3A_14 = tpu.matmul %max3A_10, %get3A_13, %dot_general3A {dimension_numbers = #tpu.dot_dimension_numbers<[1], [0], [0], [1], [0, 0, 1, 1], [], []>, transpose_lhs_hint = false} : vector<1280x128xf32>, vector<128x128xf32>, vector<1280x128xf32> -> vector<1280x128xf32>
    %get3A_15 = arith.constant 0 : index
    %get3A_16 = arith.constant 0 : index
    %get3A_17 = vector.load %arg4[%get3A_15, %get3A_16] : memref<1x128xf32, #tpu.memory_space<vmem>>, vector<1x128xf32>
    %add3A = vector.broadcast %get3A_17 : vector<1x128xf32> to vector<1280x128xf32>
    %add3A_18 = arith.addf %dot_general3A_14, %add3A : vector<1280x128xf32>
    %get3A_19 = arith.constant 0 : index
    %get3A_20 = arith.constant 0 : index
    %get3A_21 = vector.load %arg5[%get3A_19, %get3A_20] : memref<128x40xf32, #tpu.memory_space<vmem>>, vector<128x40xf32>
    %dot_general3A_22 = arith.constant dense<0.000000e+00> : vector<1280x40xf32>
    %dot_general3A_23 = tpu.matmul %add3A_18, %get3A_21, %dot_general3A_22 {dimension_numbers = #tpu.dot_dimension_numbers<[1], [0], [0], [1], [0, 0, 1, 1], [], []>, transpose_lhs_hint = false} : vector<1280x128xf32>, vector<128x40xf32>, vector<1280x40xf32> -> vector<1280x40xf32>
    %get3A_24 = arith.constant 0 : index
    %get3A_25 = arith.constant 0 : index
    %get3A_26 = vector.load %arg6[%get3A_24, %get3A_25] : memref<1x40xf32, #tpu.memory_space<vmem>>, vector<1x40xf32>
    %add3A_27 = vector.broadcast %get3A_26 : vector<1x40xf32> to vector<1280x40xf32>
    %add3A_28 = arith.addf %dot_general3A_23, %add3A_27 : vector<1280x40xf32>
    %reduce_max3A = arith.constant dense<0xFF800000> : vector<1280xf32>
    %reduce_max3A_29 = vector.multi_reduction <maximumf>, %add3A_28, %reduce_max3A [1] : vector<1280x40xf32> to vector<1280xf32>
    %broadcast_in_dim3A = vector.shape_cast %reduce_max3A_29 : vector<1280xf32> to vector<1280x1xf32>
    %sub3A = vector.broadcast %broadcast_in_dim3A : vector<1280x1xf32> to vector<1280x40xf32>
    %sub3A_30 = arith.subf %add3A_28, %sub3A : vector<1280x40xf32>
    %exp3A = math.exp %sub3A_30 : vector<1280x40xf32>
    %reduce_sum3A = arith.constant dense<0.000000e+00> : vector<1280xf32>
    %reduce_sum3A_31 = vector.multi_reduction <add>, %exp3A, %reduce_sum3A [1] : vector<1280x40xf32> to vector<1280xf32>
    %broadcast_in_dim3A_32 = vector.shape_cast %reduce_sum3A_31 : vector<1280xf32> to vector<1280x1xf32>
    %sub3A_33 = vector.broadcast %broadcast_in_dim3A : vector<1280x1xf32> to vector<1280x40xf32>
    %sub3A_34 = arith.subf %add3A_28, %sub3A_33 : vector<1280x40xf32>
    %log3A = math.log %broadcast_in_dim3A_32 : vector<1280x1xf32>
    %sub3A_35 = vector.broadcast %log3A : vector<1280x1xf32> to vector<1280x40xf32>
    %sub3A_36 = arith.subf %sub3A_34, %sub3A_35 : vector<1280x40xf32>
    %swap3A = arith.constant 0 : index
    %swap3A_37 = arith.constant 0 : index
    %swap3A_38 = vector.load %arg7[%swap3A, %swap3A_37] : memref<1280x40xf32, #tpu.memory_space<vmem>>, vector<1280x40xf32>
    tpu.vector_store %arg7[%swap3A, %swap3A_37], %sub3A_36 {strides = array<i32>} : memref<1280x40xf32, #tpu.memory_space<vmem>>, vector<1280x40xf32>,
    return
  }
  func.func @transform_0(%arg0: i32) -> (i32, i32) {
    %c0_i32 = arith.constant 0 : i32
    %c0_i32_0 = arith.constant 0 : i32
    return %arg0, %c0_i32 : i32, i32
  }
  func.func @transform_1(%arg0: i32) -> (i32, i32) {
    %c0_i32 = arith.constant 0 : i32
    %c0_i32_0 = arith.constant 0 : i32
    return %arg0, %c0_i32 : i32, i32
  }
  func.func @transform_2(%arg0: i32) -> (i32, i32) {
    %c0_i32 = arith.constant 0 : i32
    %c0_i32_0 = arith.constant 0 : i32
    %c0_i32_1 = arith.constant 0 : i32
    return %c0_i32, %c0_i32_0 : i32, i32
  }
  func.func @transform_3(%arg0: i32) -> (i32, i32) {
    %c0_i32 = arith.constant 0 : i32
    %c0_i32_0 = arith.constant 0 : i32
    %c0_i32_1 = arith.constant 0 : i32
    return %c0_i32, %c0_i32_0 : i32, i32
  }
  func.func @transform_4(%arg0: i32) -> (i32, i32) {
    %c0_i32 = arith.constant 0 : i32
    %c0_i32_0 = arith.constant 0 : i32
    %c0_i32_1 = arith.constant 0 : i32
    return %c0_i32, %c0_i32_0 : i32, i32
  }
  func.func @transform_5(%arg0: i32) -> (i32, i32) {
    %c0_i32 = arith.constant 0 : i32
    %c0_i32_0 = arith.constant 0 : i32
    %c0_i32_1 = arith.constant 0 : i32
    return %c0_i32, %c0_i32_0 : i32, i32
  }
  func.func @transform_6(%arg0: i32) -> (i32, i32) {
    %c0_i32 = arith.constant 0 : i32
    %c0_i32_0 = arith.constant 0 : i32
    return %arg0, %c0_i32 : i32, i32
  }
}

module attributes {stable_mosaic.version = 14 : i64} {
  func.func @_combine_lin_norm_body(%arg0: i32, %arg1: memref<1280x128xf32, #tpu.memory_space<vmem>>, %arg2: memref<1280x128xf32, #tpu.memory_space<vmem>>, %arg3: memref<128x128xf32, #tpu.memory_space<vmem>>, %arg4: memref<1x128xf32, #tpu.memory_space<vmem>>, %arg5: memref<1280x128xf32, #tpu.memory_space<vmem>>) attributes {dimension_semantics = [#tpu.dimension_semantics<arbitrary>], iteration_bounds = array<i64: 8>, scalar_prefetch = 0 : i64, scratch_operands = 0 : i64, tpu.core_type = #tpu.core_type<tc>, window_params = [{transform_indices = @transform_0, window_bounds = array<i64: 1280, 128>}, {transform_indices = @transform_1, window_bounds = array<i64: 1280, 128>}, {pipeline_mode = #tpu.pipeline_mode<synchronous>, transform_indices = @transform_2, window_bounds = array<i64: 128, 128>}, {pipeline_mode = #tpu.pipeline_mode<synchronous>, transform_indices = @transform_3, window_bounds = array<i64: 1, 128>}, {transform_indices = @transform_4, window_bounds = array<i64: 1280, 128>}]} {
    %get3A = arith.constant 0 : index
    %get3A_0 = arith.constant 0 : index
    %get3A_1 = vector.load %arg1[%get3A, %get3A_0] : memref<1280x128xf32, #tpu.memory_space<vmem>>, vector<1280x128xf32>
    %get3A_2 = arith.constant 0 : index
    %get3A_3 = arith.constant 0 : index
    %get3A_4 = vector.load %arg2[%get3A_2, %get3A_3] : memref<1280x128xf32, #tpu.memory_space<vmem>>, vector<1280x1xf32>
    %max3A = arith.constant 1.000000e+00 : f32
    %max3A_5 = vector.broadcast %max3A : f32 to vector<1280x1xf32>
    %max3A_6 = arith.maximumf %get3A_4, %max3A_5 : vector<1280x1xf32>
    %div3A = vector.broadcast %max3A_6 : vector<1280x1xf32> to vector<1280x128xf32>
    %div3A_7 = arith.divf %get3A_1, %div3A : vector<1280x128xf32>
    %max3A_8 = arith.constant 0.000000e+00 : f32
    %max3A_9 = vector.broadcast %max3A_8 : f32 to vector<1280x128xf32>
    %max3A_10 = arith.maximumf %div3A_7, %max3A_9 : vector<1280x128xf32>
    %get3A_11 = arith.constant 0 : index
    %get3A_12 = arith.constant 0 : index
    %get3A_13 = vector.load %arg3[%get3A_11, %get3A_12] : memref<128x128xf32, #tpu.memory_space<vmem>>, vector<128x128xf32>
    %dot_general3A = arith.constant dense<0.000000e+00> : vector<1280x128xf32>
    %dot_general3A_14 = tpu.matmul %max3A_10, %get3A_13, %dot_general3A {dimension_numbers = #tpu.dot_dimension_numbers<[1], [0], [0], [1], [0, 0, 1, 1], [], []>, transpose_lhs_hint = false} : vector<1280x128xf32>, vector<128x128xf32>, vector<1280x128xf32> -> vector<1280x128xf32>
    %get3A_15 = arith.constant 0 : index
    %get3A_16 = arith.constant 0 : index
    %get3A_17 = vector.load %arg4[%get3A_15, %get3A_16] : memref<1x128xf32, #tpu.memory_space<vmem>>, vector<1x128xf32>
    %add3A = vector.broadcast %get3A_17 : vector<1x128xf32> to vector<1280x128xf32>
    %add3A_18 = arith.addf %dot_general3A_14, %add3A : vector<1280x128xf32>
    %mul3A = arith.mulf %add3A_18, %add3A_18 : vector<1280x128xf32>
    %reduce_sum3A = arith.constant dense<0.000000e+00> : vector<1280xf32>
    %reduce_sum3A_19 = vector.multi_reduction <add>, %mul3A, %reduce_sum3A [1] : vector<1280x128xf32> to vector<1280xf32>
    %broadcast_in_dim3A = vector.shape_cast %reduce_sum3A_19 : vector<1280xf32> to vector<1280x1xf32>
    %sqrt3A = math.sqrt %broadcast_in_dim3A : vector<1280x1xf32>
    %max3A_20 = arith.constant 9.99999996E-13 : f32
    %max3A_21 = vector.broadcast %max3A_20 : f32 to vector<1280x1xf32>
    %max3A_22 = arith.maximumf %sqrt3A, %max3A_21 : vector<1280x1xf32>
    %div3A_23 = vector.broadcast %max3A_22 : vector<1280x1xf32> to vector<1280x128xf32>
    %div3A_24 = arith.divf %add3A_18, %div3A_23 : vector<1280x128xf32>
    %swap3A = arith.constant 0 : index
    %swap3A_25 = arith.constant 0 : index
    %swap3A_26 = vector.load %arg5[%swap3A, %swap3A_25] : memref<1280x128xf32, #tpu.memory_space<vmem>>, vector<1280x128xf32>
    tpu.vector_store %arg5[%swap3A, %swap3A_25], %div3A_24 {strides = array<i32>} : memref<1280x128xf32, #tpu.memory_space<vmem>>, vector<1280x128xf32>,
    return
  }
  func.func @transform_0(%arg0: i32) -> (i32, i32) {
    %c0_i32 = arith.constant 0 : i32
    %c0_i32_0 = arith.constant 0 : i32
    return %arg0, %c0_i32 : i32, i32
  }
  func.func @transform_1(%arg0: i32) -> (i32, i32) {
    %c0_i32 = arith.constant 0 : i32
    %c0_i32_0 = arith.constant 0 : i32
    return %arg0, %c0_i32 : i32, i32
  }
  func.func @transform_2(%arg0: i32) -> (i32, i32) {
    %c0_i32 = arith.constant 0 : i32
    %c0_i32_0 = arith.constant 0 : i32
    %c0_i32_1 = arith.constant 0 : i32
    return %c0_i32, %c0_i32_0 : i32, i32
  }
  func.func @transform_3(%arg0: i32) -> (i32, i32) {
    %c0_i32 = arith.constant 0 : i32
    %c0_i32_0 = arith.constant 0 : i32
    %c0_i32_1 = arith.constant 0 : i32
    return %c0_i32, %c0_i32_0 : i32, i32
  }
  func.func @transform_4(%arg0: i32) -> (i32, i32) {
    %c0_i32 = arith.constant 0 : i32
    %c0_i32_0 = arith.constant 0 : i32
    return %arg0, %c0_i32 : i32, i32
  }
}

</mosaic_0001>

<sc_bundles>
// kernel: kernel.12.cloned.1.call-start
scs
__scs_entry_jumppad:
0x0: {  	(pc) =	sbr.rel $0x88, $3  }
0x1: {  	(tag) =	ssettag $0x0;
	lr =	simm.s32 $0x1  }
0x2: {  	[smem:$0x3F97] =	sst lr;
	_ =	strace $0xD0000000  }
0x3: {  	_ = 	snop  }
0x4: {  	_ = 	snop  }
0x5: {  	_ = 	snop  }
0x6: {  	_ = 	snop  }
0x7: {  	_ = 	snop  }
__scs_overlays_trampoline_lowered:
0x8: {  	[smem:$0x3FA6] =	sst s0  }
0x9: {  	[smem:$0x3FA7] =	sst s1  }
0xa: {  	[smem:$0x3FA8] =	sst s2  }
0xb: {  	[smem:$0x3FA9] =	sst s3  }
0xc: {  	[smem:$0x3FAA] =	sst s4  }
0xd: {  	[smem:$0x3FAB] =	sst s5  }
0xe: {  	[smem:$0x3FAC] =	sst s6  }
0xf: {  	[smem:$0x3FAD] =	sst s7  }
0x10: {  	[smem:$0x3FAE] =	sst s8  }
0x11: {  	[smem:$0x3FAF] =	sst s9;
	s0 =	simm.s32 @!p0 $0x0  }
0x12: {  	s1 =	sld [smem:$0x3F95];
	s0 =	simm.s32 @p0 $0x1  }
0x13: {  	[smem:$0x3FB0] =	sst s0;
	s0 =	simm.s32 @!p1 $0x0  }
0x14: {  	s2 =	sld [smem:$0x3F94];
	s0 =	simm.s32 @p1 $0x1  }
0x15: {  	[smem:$0x3FB1] =	sst s0;
	s0 =	simm.s32 @!p2 $0x0  }
0x16: {  	s3 =	sld [smem:$0x3FDB];
	s0 =	simm.s32 @p2 $0x1  }
0x17: {  	s4 =	simm.s32 $0x1BF5;
	[smem:$0x3FB3] =	sst s0  }
0x18: {  	s0 =	sld [smem:$0x3F96];
	_ =	swait.ge [sflag:s4], $0x0  }
0x19: {  	s7 =	sld [smem:$0x3F97]  }
0x1a: {  	s8 =	sadd.s32 $0xFFFFE003, lr  }
0x1b: {  	s9 =	sadd.s32 $0xFFFFFEF7, lr;
	s5 =	simm.s32 $0xFFFFFFFF;
	p2 =	slt.u32 s8, $0xFFFFF086  }
0x1c: {  	p1 =	slt.u32 s9, $0xF7A;
	s5 =	simm.s32 @!p2 $0x0  }
0x1d: {  	s5 =	simm.s32 @p1 $0x1;
	p0 =	seq.s32 s7, s2  }
0x1e: {  	s7 =	smul.u32 @!p0 $0xF7A, s2;
	p2 =	seq.s32 @!p0 s5, $0x0  }
0x1f: {  	s9 =	smul.u32 $0xF7A, s1;
	s8 =	simm.s32 @!p0 $0x1BF5;
	p2 =	por !p2, p0  }
0x20: {  	[sflag:s8] =	ssyncset.s32 @!p0 $0xFFFFF086;
	s6 =	sadd.s32 @!p0 s3, s7;
	s7 =	simm.s32 @!p0 $0x108  }
0x21: {  	s3 =	sadd.s32 s3, s9;
	s6 =	sadd.s32 @!p0 $0x88, s6;
	s7 =	simm.s32 @p2 $0x1082  }
0x22: {  	[simem:s7], [sflag:s8] =	dma.local @!p0 [hbm:s6], $0xF7A  }
0x23: {  	s9 =	sor.u32 $0xD0000000, s2;
	s6 =	simm.s32 $0x108;
	_ =	swait.ge @!p0 [sflag:s8], $0x0  }
0x24: {  	s3 =	sadd.s32 $0x88, s3;
	s6 =	simm.s32 @!p1 $0x1082;
	[sflag:s4] =	ssyncset.s32 $0xFFFFF086  }
0x25: {  	[simem:s6], [sflag:s4] =	dma.local [hbm:s3], $0xF7A  }
0x26: {  	[smem:$0x3F97] =	sst s1;
	(tag) =	ssettag s2;
	_ =	strace s9  }
0x27: {  	s1 =	sld [smem:$0x3FA7]  }
0x28: {  	s2 =	sld [smem:$0x3FA8]  }
0x29: {  	s4 =	sld [smem:$0x3FAA]  }
0x2a: {  	p0 =	seq.s32 s5, $0x0;
	s5 =	sld [smem:$0x3FAB]  }
0x2b: {  	s6 =	sld [smem:$0x3FAC]  }
0x2c: {  	s7 =	sld [smem:$0x3FAD]  }
0x2d: {  	s3 =	simm.s32 $0x108;
	s8 =	sld [smem:$0x3FAE]  }
0x2e: {  	s3 =	simm.s32 @!p0 $0x1082;
	s9 =	sld [smem:$0x3FAF]  }
0x2f: {  	lr =	sadd.s32 s0, s3;
	s0 =	sld [smem:$0x3FA6]  }
0x30: {  	s3 =	sld [smem:$0x3FA9]  }
0x31: {  	[smem:$0x3FB2] =	sst s10  }
0x32: {  	s10 =	sld [smem:$0x3FB0];
	_ =	sdelay $0x3  }
0x33: {  	p0 =	seq.s32 s10, $0x1;
	s10 =	sld [smem:$0x3FB2];
	_ =	sdelay $0x3  }
0x34: {  	[smem:$0x3FB2] =	sst s10  }
0x35: {  	s10 =	sld [smem:$0x3FB1];
	_ =	sdelay $0x3  }
0x36: {  	p1 =	seq.s32 s10, $0x1;
	s10 =	sld [smem:$0x3FB2];
	_ =	sdelay $0x3  }
0x37: {  	[smem:$0x3FB2] =	sst s10  }
0x38: {  	s10 =	sld [smem:$0x3FB3]  }
0x39: {  	_ = 	snop;
	(pc) =	sbr.ind lr, $3  }
0x3a: {  	_ = 	snop  }
0x3b: {  	_ = 	snop  }
0x3c: {  	p2 =	seq.s32 s10, $0x1;
	s10 =	sld [smem:$0x3FB2]  }
0x3d: {  	_ =	shalt  }
0x3e: {  	_ =	shalt  }
0x3f: {  	_ =	shalt  }
0x40: {  	_ =	shalt  }
0x41: {  	_ =	shalt  }
0x42: {  	_ =	shalt  }
0x43: {  	_ =	shalt  }
0x44: {  	_ =	shalt  }
0x45: {  	_ =	shalt  }
0x46: {  	_ =	shalt  }
0x47: {  	_ =	shalt  }
0x48: {  	_ =	shalt  }
0x49: {  	_ =	shalt  }
0x4a: {  	_ =	shalt  }
0x4b: {  	_ =	shalt  }
0x4c: {  	_ =	shalt  }
0x4d: {  	_ =	shalt  }
0x4e: {  	_ =	shalt  }
0x4f: {  	_ =	shalt  }
0x50: {  	_ =	shalt  }
0x51: {  	_ =	shalt  }
0x52: {  	_ =	shalt  }
0x53: {  	_ =	shalt  }
0x54: {  	_ =	shalt  }
0x55: {  	_ =	shalt  }
0x56: {  	_ =	shalt  }
0x57: {  	_ =	shalt  }
0x58: {  	_ =	shalt  }
0x59: {  	_ =	shalt  }
0x5a: {  	_ =	shalt  }
0x5b: {  	_ =	shalt  }
0x5c: {  	_ =	shalt  }
0x5d: {  	_ =	shalt  }
0x5e: {  	_ =	shalt  }
0x5f: {  	_ =	shalt  }
0x60: {  	_ =	shalt  }
0x61: {  	_ =	shalt  }
0x62: {  	_ =	shalt  }
0x63: {  	_ =	shalt  }
0x64: {  	_ =	shalt  }
0x65: {  	_ =	shalt  }
0x66: {  	_ =	shalt  }
0x67: {  	_ =	shalt  }
0x68: {  	_ =	shalt  }
0x69: {  	_ =	shalt  }
0x6a: {  	_ =	shalt  }
0x6b: {  	_ =	shalt  }
0x6c: {  	_ =	shalt  }
0x6d: {  	_ =	shalt  }
0x6e: {  	_ =	shalt  }
0x6f: {  	_ =	shalt  }
0x70: {  	_ =	shalt  }
0x71: {  	_ =	shalt  }
0x72: {  	_ =	shalt  }
0x73: {  	_ =	shalt  }
0x74: {  	_ =	shalt  }
0x75: {  	_ =	shalt  }
0x76: {  	_ =	shalt  }
0x77: {  	_ =	shalt  }
0x78: {  	_ =	shalt  }
0x79: {  	_ =	shalt  }
0x7a: {  	_ =	shalt  }
0x7b: {  	_ =	shalt  }
0x7c: {  	_ =	shalt  }
0x7d: {  	_ =	shalt  }
0x7e: {  	_ =	shalt  }
0x7f: {  	_ =	shalt  }
0x80: {  	_ =	shalt  }
0x81: {  	_ =	shalt  }
0x82: {  	_ =	shalt  }
0x83: {  	_ =	shalt  }
0x84: {  	_ =	shalt  }
0x85: {  	_ =	shalt  }
0x86: {  	_ =	shalt  }
0x87: {  	_ =	shalt  }
.Lfunc_end0:
.L_simem_size_0:
called_computation.1_lowered:
.L_overlay_start_0:
0x88: {  	s2 =	sld [smem:$0x3FD9]  }
0x89: {  	s3 =	sld [smem:$0x3FFE];
	_ =	sdelay $0x1  }
0x8a: {  	s1 =	srdreg.scid  }
0x8b: {  	s0 =	sand.u32 $0x1, s1  }
0x8c: {  	s17 =	sshll.u32 s0, $0xA;
	s2 =	sadd.s32 s3, s2  }
0x8d: {  	s2 =	sadd.s32 s2, s17  }
0x8e: {  	[smem:$0x3FBE] =	sst s2  }
0x8f: {  	_ = 	snop  }
0x90: {  	s2 =	sld [smem:$0x3FD0];
	(tm) =	ssettm $0x1  }
0x91: {  	s18 =	sld [smem:$0x3FFB];
	_ =	sdelay $0x3  }
0x92: {  	_ =	strace s18  }
0x93: {  	s3 =	sld [smem:$0x3FFC];
	_ =	sdelay $0x3  }
0x94: {  	_ =	strace s3  }
0x95: {  	s3 =	sld [smem:$0x3FFD];
	_ =	sdelay $0x3  }
0x96: {  	_ =	strace s3  }
0x97: {  	_ =	strace $0x8FFFFFFF  }
0x98: {  	s19 =	sld [smem:$0x3FDB];
	_ =	sdelay $0x1  }
0x99: {  	s4 =	simm.s32 $_scs_section_size  }
0x9a: {  	s5 =	simm.s32 $_size__tile_overlayer_lowered;
	s6 =	simm.s32 $_tile_overlayer_lowered  }
0x9b: {  	s22 =	simm.s32 $0x1BFF;
	s21 =	sshll.u32 s6, $0x1;
	s3 =	sadd.s32 s4, s19  }
0x9c: {  	s7 =	simm.s32 $0x0;
	s20 =	sshll.u32 s5, $0x1;
	s5 =	sadd.s32 s21, s3  }
0x9d: {  	[timem:s7], [sflag:s22] =	dma.local [hbm:s5], s20  }
0x9e: {  	_ =	swait.ge [sflag:s22], s20  }
0x9f: {  	s4 =	ssub.s32 $0x0, s20;
	[sflag:s22] =	ssyncset.done $0x0  }
0xa0: {  	[sflag:s22] =	ssyncadd.s32 s4;
	_ =	sdelay $0x1  }
0xa1: {  	s23 =	simm.s32 $0x1B8B  }
0xa2: {  	_ =	swait.ge [sflag:s23], $0x1  }
0xa3: {  	[sflag:s23] =	ssyncset.done $0x0  }
0xa4: {  	s25 =	simm.s32 $0x1B8E;
	s24 =	sld [smem:$0x3FFE];
	[sflag:s23] =	ssyncadd.s32 $0xFFFFFFFF  }
0xa5: {  	s26 =	simm.s32 $execute0_lowered;
	[smem:$0x3FD2] =	sst s25  }
0xa6: {  	s5 =	sshll.u32 s26, $0x1;
	_ =	strace $0x80000049;
	[dreg:$0x1] =	wrdreg $0xFFFFFFFF  }
0xa7: {  	s28 =	simm.s32 $_size_execute0_lowered;
	s3 =	sadd.s32 s3, s5;
	[dreg:$0x0] =	wrdreg $0x0  }
0xa8: {  	s5 =	sshll.u32 s28, $0x1;
	[dreg:$0x2] =	wrdreg s3  }
0xa9: {  	[dreg:$0x3] =	wrdreg s5  }
0xaa: {  	[dreg:$0x4] =	wrdreg $0xC0  }
0xab: {  	_ =	task [dreg:s7], $0x5FFFF  }
0xac: {  	[dreg:$0x1] =	wrdreg $0xFFFFFFFF  }
0xad: {  	[dreg:$0x0] =	wrdreg $0x60  }
0xae: {  	[dreg:$0x2] =	wrdreg s24  }
0xaf: {  	[dreg:$0x3] =	wrdreg s2  }
0xb0: {  	[dreg:$0x4] =	wrdreg $0xA9000  }
0xb1: {  	[dreg:$0x5] =	wrdreg $0x9  }
0xb2: {  	_ =	task.clear_ibuf [dreg:s7], $0x6FFFF;
	_ =	strace $0x90000049  }
0xb3: {  	s29 =	simm.s32 $0x9;
	_ =	strace $0x8000004B  }
0xb4: {  	_ =	swait.ge [sflag:s29], $0x1  }
0xb5: {  	[sflag:s29] =	ssyncadd.s32 $0xFFFFFFFF  }
0xb6: {  	_ =	strace $0x9000004B  }
0xb7: {  	_ =	sfence  }
0xb8: {  	s30 =	sld [smem:$0x0];
	_ =	sdelay $0x2  }
0xb9: {  	s31 =	sshll.u32 s1, $0xD;
	s1 =	sshrl.u32 s1, $0x2  }
0xba: {  	s3 =	sand.u32 $0x4000, s31;
	s1 =	sadd.s32 s1, s30  }
0xbb: {  	s0 =	sor.u32 s3, s0;
	s1 =	sshll.u32 s1, $0x11  }
0xbc: {  	s0 =	sor.u32 s1, s0  }
0xbd: {  	s0 =	sadd.s32 $0x8F2B, s0  }
0xbe: {  	[sflag:s0] =	ssyncadd.remote.s32 $0x1  }
0xbf: {  	_ =	sfence.sel $0xFFFF  }
0xc0: {  	[dreg:$0x0] =	wrdreg $0xFFFFFFFF;
	(pc) =	sbr.abs _section_cstart, $3  }
0xc1: {  	[dreg:$0x1] =	wrdreg $0xFFFFFFFF  }
0xc2: {  	_ =	task.clear_ibuf [dreg:s7], $0x2FFFF;
	_ =	strace $0x9FFFFFFF  }
0xc3: {  	(tm) =	ssettm $0x7FFFFFFF  }
tec
execute0_lowered:
.L_overlay_start_1:
0x0: {  	(tag) =	ssettag $0x1  }
0x1: {  	s0 =	rddreg [dreg:$0x0]  }
0x2: {  	s2 =	rddreg [dreg:$0x1]  }
0x3: {  	s3 =	rddreg [dreg:$0x2]  }
0x4: {  	s4 =	simm.s32 $0x0;
	s1 =	stileid.u32;
	s7 =	srdreg.scid  }
0x5: {  	s20 =	simm.s32 $0x3;
	s21 =	simm.s32 $0x2800;
	s22 =	simm.s32 $0x80  }
0x6: {  	s23 =	simm.s32 $0x2900;
	s28 =	simm.s32 $0x2;
	s12 =	smul.u32 $0x500, s1  }
0x7: {  	s29 =	simm.s32 $0x0;
	[smem:$0x7FF] =	sst s4;
	s5 =	smul.u32 $0x2780, s1  }
0x8: {  	s6 =	sadd.s32 $0xD200, s0;
	s18 =	sand.u32 $0x1, s7;
	s9 =	smul.u32 $0x4F000, s1  }
0x9: {  	s24 =	sadd.s32 $0x35200, s0;
	s25 =	sadd.s32 $0xB2A00, s0;
	s10 =	sadd.s32 $0xDAA00, s0  }
0xa: {  	s31 =	sshll.u32 s1, $0x6;
	_ =	strace $0x8000004A;
	[dreg:$0x4] =	wrdreg s24  }
0xb: {  	[dreg:$0x5] =	wrdreg s25;
	s11 =	ssub.s32 $0x2, s18;
	p0 =	sne.s32 s18, $0x0  }
0xc: {  	s18 =	sor.u32 $0x1C03, s31;
	s24 =	simm.s32 $0x2880;
	s25 =	simm.s32 $0x6900  }
0xd: {  	s14 =	sadd.s32 s12, s0;
	s16 =	sshrl.u32 s9, $0x2;
	s9 =	smul.u32 $0x2800, s1  }
.Ltmp0:
0xe: {  	s13 =	sadd.s32 s5, s0;
	s15 =	sshrl.u32 s11, $0x1;
	(pc) =	sbr.rel .LBB2_1-.Ltmp0, $4  }
0xf: {  	s12 =	sadd.s32 s2, s12;
	s26 =	ssub.s32 s11, s15;
	s19 =	sadd.s32 s16, s3  }
0x10: {  	s11 =	sadd.s32 $0x85A00, s13;
	s13 =	sadd.s32 $0x5DA00, s13;
	s30 =	sshrl.u32 s9, $0x3  }
0x11: {  	s14 =	sadd.s32 $0xADA00, s14;
	s17 =	smax.u32 s26, $0x1;
	s15 =	sadd.s32 s2, s30  }
0x12: {  	s19 =	sshrl.u32 s19, $0x3;
	s26 =	simm.s32 $0x1;
	s16 =	sadd.s32 $0x10, s15  }
.LBB2_7:
0x13: {  	[sflag:s20] =	ssyncadd.s32 $0xFFFFC000  }
0x14: {  	s0 =	smov.u32 s10;
	[bflag:$0x0] =	sbarrier.arrive $0xFFFF  }
.LBB2_8:
0x15: {  	s29 =	sadd.s32 $0x1, s29  }
0x16: {  	p1 =	sne.s32 s29, s17  }
.Ltmp1:
0x17: {  	s0 =	sadd.s32 s0, s5;
	(pc) =	sbr.rel @!p1 .LBB2_9-.Ltmp1, $4  }
0x18: {  	[hbm:s0], [sflag:s18] =	dma.local [spmem:s19], $0x2780  }
0x19: {  	_ =	swait.ge [sflag:s20], $0x2780  }
0x1a: {  	[sflag:s20] =	ssyncset.done $0x0  }
0x1b: {  	[sflag:s20] =	ssyncadd.s32 $0xFFFFD880  }
.LBB2_1:
.Ltmp2:
0x1c: {  	(pc) =	sbr.rel @p0 .LBB2_5-.Ltmp2, $1  }
0x1d: {  	_ =	sdelay $0x3  }
0x1e: {  	[spmem:s19], [sflag:s18] =	dma.local [hbm:s13], $0x2780  }
0x1f: {  	_ =	swait.ge [sflag:s20], $0x2780  }
0x20: {  	[sflag:s20] =	ssyncset.done $0x0  }
0x21: {  	[sflag:s20] =	ssyncadd.s32 $0xFFFFD880  }
0x22: {  	[tilespmem:s4], [sflag:$0x3] =	stream.linear.gather [hbm4b:s14+s4], $0x2800, $0x38;
	[tilespmem:$0x1E500] =	vst v63  }
0x23: {  	_ =	swait.ge [sflag:s20], $0x2800  }
0x24: {  	[sflag:s20] =	ssyncset.done $0x0  }
0x25: {  	[sflag:s20] =	ssyncadd.s32 $0xFFFFD800  }
0x26: {  	[bflag:$0x0] =	sbarrier.arrive $0xFFFF  }
0x27: {  	[tilespmem:s21], [sflag:$0x1] =	stream.linear.gather [hbm4b:s15+s4], $0x80, $0x38;
	[tilespmem:$0x1E500] =	vst v63  }
0x28: {  	_ = 	snop  }
0x29: {  	[tilespmem:s23], [sflag:$0x1] =	stream.indirect.gather [hbm4b:s6+s22], $0x80, s4, s22, $0xb8;
	[tilespmem:$0x1E500] =	vst v63  }
0x2a: {  	_ = 	snop  }
0x2b: {  	[tilespmem:s24], [sflag:$0x2] =	stream.linear.gather [hbm4b:s16+s4], $0x80, $0x38;
	[tilespmem:$0x1E500] =	vst v63  }
0x2c: {  	_ = 	snop  }
0x2d: {  	[tilespmem:s25], [sflag:$0x2] =	stream.indirect.gather [hbm4b:s6+s22], $0x80, s22, s22, $0xb8;
	[tilespmem:$0x1E500] =	vst v63  }
0x2e: {  	_ =	swait.ge [sflag:s26], $0x80  }
0x2f: {  	[sflag:s26] =	ssyncset.done $0x0  }
0x30: {  	[sflag:s26] =	ssyncadd.s32 $0xFFFFFF80  }
0x31: {  	s0 =	simm.s32 $0x100;
	_ =	swait.ge [sflag:s26], $0x4000  }
0x32: {  	s30 =	sand.u32 $0x7C00, s0;
	[sflag:s26] =	ssyncset.done $0x0  }
0x33: {  	s0 =	sand.u32 $0x300, s0;
	s30 =	sadd.s32 s9, s30;
	[sflag:s26] =	ssyncadd.s32 $0xFFFFC000  }
0x34: {  	[spmem:s3] =	stream.indirect.scatter.add.f32 [tilespmem:s23], [sflag:$0x3], $0x80, s21, s22, $0xb8;
	[tilespmem:$0x1E500] =	vst v63  }
0x35: {  	s0 =	sor.u32 s0, s30;
	_ =	swait.ge [sflag:s20], $0x4000  }
0x36: {  	s0 =	sshrl.u32 s0, $0x3;
	[sflag:s20] =	ssyncset.done $0x0  }
0x37: {  	s0 =	sadd.s32 s2, s0;
	[sflag:s20] =	ssyncadd.s32 $0xFFFFC000  }
0x38: {  	[tilespmem:s21], [sflag:$0x1] =	stream.linear.gather [hbm4b:s0+s4], $0x80, $0x38;
	[tilespmem:$0x1E500] =	vst v63  }
0x39: {  	s7 =	simm.s32 $0x100  }
0x3a: {  	[tilespmem:s23], [sflag:$0x1] =	stream.indirect.gather [hbm4b:s6+s22], $0x80, s7, s22, $0xb8;
	[tilespmem:$0x1E500] =	vst v63  }
0x3b: {  	_ =	swait.ge [sflag:s28], $0x80  }
0x3c: {  	[sflag:s28] =	ssyncset.done $0x0  }
0x3d: {  	[sflag:s28] =	ssyncadd.s32 $0xFFFFFF80  }
0x3e: {  	s30 =	simm.s32 $0x180;
	_ =	swait.ge [sflag:s28], $0x4000  }
0x3f: {  	s8 =	sand.u32 $0x7C00, s30;
	[sflag:s28] =	ssyncset.done $0x0  }
0x40: {  	s31 =	sand.u32 $0x380, s30;
	s0 =	sadd.s32 s9, s8;
	[sflag:s28] =	ssyncadd.s32 $0xFFFFC000  }
0x41: {  	[spmem:s3] =	stream.indirect.scatter.add.f32 [tilespmem:s25], [sflag:$0x3], $0x80, s24, s22, $0xb8;
	[tilespmem:$0x1E500] =	vst v63  }
0x42: {  	s0 =	sor.u32 s31, s0;
	_ =	swait.ge [sflag:s20], $0x4000  }
0x43: {  	s0 =	sshrl.u32 s0, $0x3;
	[sflag:s20] =	ssyncset.done $0x0  }
0x44: {  	s0 =	sadd.s32 s2, s0;
	[sflag:s20] =	ssyncadd.s32 $0xFFFFC000  }
0x45: {  	[tilespmem:s24], [sflag:$0x2] =	stream.linear.gather [hbm4b:s0+s4], $0x80, $0x38;
	[tilespmem:$0x1E500] =	vst v63  }
0x46: {  	s31 =	simm.s32 $0x280;
	s0 =	simm.s32 $0x180  }
.LBB2_3:
0x47: {  	p1 =	seq.s32 s31, $0x2780  }
0x48: {  	s30 =	sadd.s32 $0x100, s30;
	s1 =	smov.u32 s31;
	s31 =	sadd.s32 $0x100, s31  }
0x49: {  	[tilespmem:s25], [sflag:$0x2] =	stream.indirect.gather [hbm4b:s6+s22], $0x80, s0, s22, $0xb8;
	[tilespmem:$0x1E500] =	vst v63  }
0x4a: {  	s0 =	smov.u32 s30;
	_ =	swait.ge [sflag:s26], $0x80  }
0x4b: {  	[sflag:s26] =	ssyncset.done $0x0  }
0x4c: {  	[sflag:s26] =	ssyncadd.s32 $0xFFFFFF80  }
0x4d: {  	_ =	swait.ge [sflag:s26], $0x4000  }
0x4e: {  	s7 =	sadd.s32 $0xFFFFFF80, s1;
	[sflag:s26] =	ssyncset.done $0x0  }
0x4f: {  	s8 =	sand.u32 $0x7C00, s7;
	s7 =	sand.u32 $0x300, s7;
	[sflag:s26] =	ssyncadd.s32 $0xFFFFC000  }
0x50: {  	[spmem:s3] =	stream.indirect.scatter.add.f32 [tilespmem:s23], [sflag:$0x3], $0x80, s21, s22, $0xb8;
	[tilespmem:$0x1E500] =	vst v63  }
0x51: {  	s8 =	sadd.s32 s9, s8;
	_ =	swait.ge [sflag:s20], $0x4000  }
0x52: {  	s7 =	sor.u32 s7, s8;
	[sflag:s20] =	ssyncset.done $0x0  }
0x53: {  	s7 =	sshrl.u32 s7, $0x3;
	[sflag:s20] =	ssyncadd.s32 $0xFFFFC000  }
0x54: {  	s8 =	sadd.s32 $0xFFFFFF80, s30;
	s7 =	sadd.s32 s2, s7  }
0x55: {  	[tilespmem:s21], [sflag:$0x1] =	stream.linear.gather [hbm4b:s7+s4], $0x80, $0x38;
	[tilespmem:$0x1E500] =	vst v63  }
0x56: {  	_ = 	snop  }
0x57: {  	[tilespmem:s23], [sflag:$0x1] =	stream.indirect.gather [hbm4b:s6+s22], $0x80, s8, s22, $0xb8;
	[tilespmem:$0x1E500] =	vst v63  }
0x58: {  	_ =	swait.ge [sflag:s28], $0x80  }
0x59: {  	[sflag:s28] =	ssyncset.done $0x0  }
0x5a: {  	[sflag:s28] =	ssyncadd.s32 $0xFFFFFF80  }
0x5b: {  	_ =	swait.ge [sflag:s28], $0x4000  }
0x5c: {  	s7 =	sand.u32 $0x7C00, s1;
	[sflag:s28] =	ssyncset.done $0x0  }
0x5d: {  	s1 =	sand.u32 $0x380, s1;
	s7 =	sadd.s32 s9, s7;
	[sflag:s28] =	ssyncadd.s32 $0xFFFFC000  }
0x5e: {  	[spmem:s3] =	stream.indirect.scatter.add.f32 [tilespmem:s25], [sflag:$0x3], $0x80, s24, s22, $0xb8;
	[tilespmem:$0x1E500] =	vst v63  }
.Ltmp3:
0x5f: {  	_ = 	snop;
	(pc) =	sbr.rel @!p1 .LBB2_3-.Ltmp3, $4  }
0x60: {  	s1 =	sor.u32 s1, s7;
	_ =	swait.ge [sflag:s20], $0x4000  }
0x61: {  	s1 =	sshrl.u32 s1, $0x3;
	[sflag:s20] =	ssyncset.done $0x0  }
0x62: {  	s1 =	sadd.s32 s2, s1;
	[sflag:s20] =	ssyncadd.s32 $0xFFFFC000  }
0x63: {  	[tilespmem:s24], [sflag:$0x2] =	stream.linear.gather [hbm4b:s1+s4], $0x80, $0x38;
	[tilespmem:$0x1E500] =	vst v63  }
0x64: {  	[tilespmem:s25], [sflag:$0x2] =	stream.indirect.gather [hbm4b:s6+s22], $0x80, s0, s22, $0xb8;
	[tilespmem:$0x1E500] =	vst v63  }
0x65: {  	_ =	swait.ge [sflag:s26], $0x80  }
0x66: {  	[sflag:s26] =	ssyncset.done $0x0  }
0x67: {  	[sflag:s26] =	ssyncadd.s32 $0xFFFFFF80  }
0x68: {  	_ =	swait.ge [sflag:s26], $0x4000  }
0x69: {  	[sflag:s26] =	ssyncset.done $0x0  }
0x6a: {  	[sflag:s26] =	ssyncadd.s32 $0xFFFFC000  }
0x6b: {  	[spmem:s3] =	stream.indirect.scatter.add.f32 [tilespmem:s23], [sflag:$0x3], $0x80, s21, s22, $0xb8;
	[tilespmem:$0x1E500] =	vst v63  }
0x6c: {  	_ =	swait.ge [sflag:s20], $0x4000  }
0x6d: {  	[sflag:s20] =	ssyncset.done $0x0  }
0x6e: {  	[sflag:s20] =	ssyncadd.s32 $0xFFFFC000  }
0x6f: {  	_ =	swait.ge [sflag:s28], $0x80  }
0x70: {  	[sflag:s28] =	ssyncset.done $0x0  }
0x71: {  	[sflag:s28] =	ssyncadd.s32 $0xFFFFFF80  }
0x72: {  	_ =	swait.ge [sflag:s28], $0x4000  }
0x73: {  	[sflag:s28] =	ssyncset.done $0x0  }
0x74: {  	[sflag:s28] =	ssyncadd.s32 $0xFFFFC000  }
0x75: {  	[spmem:s3] =	stream.indirect.scatter.add.f32 [tilespmem:s25], [sflag:$0x3], $0x80, s24, s22, $0xb8;
	[tilespmem:$0x1E500] =	vst v63  }
.Ltmp4:
0x76: {  	_ =	swait.ge [sflag:s20], $0x4000;
	(pc) =	sbr.rel .LBB2_8-.Ltmp4, $4  }
0x77: {  	[sflag:s20] =	ssyncset.done $0x0  }
0x78: {  	[sflag:s20] =	ssyncadd.s32 $0xFFFFC000  }
0x79: {  	[bflag:$0x0] =	sbarrier.arrive $0xFFFF  }
0x7a: {  	s0 =	rddreg [dreg:$0x5]  }
.LBB2_5:
0x7b: {  	[spmem:s19], [sflag:s18] =	dma.local [hbm:s11], $0x2780  }
0x7c: {  	_ =	swait.ge [sflag:s20], $0x2780  }
0x7d: {  	[sflag:s20] =	ssyncset.done $0x0  }
0x7e: {  	s0 =	simm.s32 $0x0;
	s1 =	rddreg [dreg:$0x4];
	[sflag:s20] =	ssyncadd.s32 $0xFFFFD880  }
0x7f: {  	[tilespmem:s23], [sflag:$0x3] =	stream.linear.gather [hbm4b:s1+s0], $0x4000, $0x38;
	[tilespmem:$0x1E500] =	vst v63  }
0x80: {  	_ =	swait.ge [sflag:s20], $0x4000  }
0x81: {  	[sflag:s20] =	ssyncset.done $0x0  }
0x82: {  	[sflag:s20] =	ssyncadd.s32 $0xFFFFC000  }
0x83: {  	[tilespmem:s0], [sflag:$0x3] =	stream.linear.gather [hbm4b:s12+s0], $0x2800, $0x38;
	[tilespmem:$0x1E500] =	vst v63  }
0x84: {  	_ =	swait.ge [sflag:s20], $0x2800  }
0x85: {  	[sflag:s20] =	ssyncset.done $0x0  }
0x86: {  	[sflag:s20] =	ssyncadd.s32 $0xFFFFD800  }
0x87: {  	s31 =	simm.s32 $0x0;
	[bflag:$0x0] =	sbarrier.arrive $0xFFFF  }
0x88: {  	[spmem:s3] =	stream.indirect.scatter.add.f32 [tilespmem:s23], [sflag:$0x3], $0x80, s31, s22, $0xb8;
	[tilespmem:$0x1E500] =	vst v63  }
0x89: {  	_ =	swait.ge [sflag:s20], $0x4000  }
0x8a: {  	s0 =	simm.s32 $0x200;
	[sflag:s20] =	ssyncset.done $0x0  }
.LBB2_6:
0x8b: {  	s1 =	sshra.s32 s0, $0x2;
	[sflag:s20] =	ssyncadd.s32 $0xFFFFC000;
	p1 =	sne.s32 s0, $0x9E00  }
0x8c: {  	[spmem:s3] =	stream.indirect.scatter.add.f32 [tilespmem:s23], [sflag:$0x3], $0x80, s1, s22, $0xb8;
	[tilespmem:$0x1E500] =	vst v63  }
.Ltmp5:
0x8d: {  	_ = 	snop;
	(pc) =	sbr.rel @p1 .LBB2_6-.Ltmp5, $4  }
0x8e: {  	_ = 	snop  }
0x8f: {  	s0 =	sadd.s32 $0x200, s0  }
0x90: {  	_ =	swait.ge [sflag:s20], $0x4000  }
0x91: {  	[sflag:s20] =	ssyncset.done $0x0  }
.Ltmp6:
0x92: {  	_ = 	snop;
	(pc) =	sbr.rel .LBB2_7-.Ltmp6, $1  }
0x93: {  	_ =	sdelay $0x3  }
.LBB2_9:
0x94: {  	_ =	sfence.sel $0x180000  }
0x95: {  	[bflag:$0x0] =	sbarrier.arrive $0xFFFF  }
0x96: {  	_ =	strace $0x9000004A  }
0x97: {  	s0 =	stileid.u32;
	[bflag:$0x2] =	sbarrier.arrive $0xFFFF  }
0x98: {  	p0 =	sne.s32 s0, $0x0;
	s0 =	rddreg [dreg:$0x3]  }
0x99: {  	s0 =	sadd.s32 @!p0 $0x100000, s0  }
0x9a: {  	[sflag:s0] =	ssyncadd.tile.s32 @!p0 $0x1;
	_ =	shalt  }
.Lfunc_end2:
_tile_overlayer_lowered:
.L_overlay_start_2:
0x9b: {  	(tag) =	ssettag $0x2  }
0x9c: {  	s0 =	rddreg [dreg:$0x0];
	s2 =	stileid.u32  }
0x9d: {  	s1 =	rddreg [dreg:$0x1];
	p0 =	sne.s32 s2, $0x0  }
0x9e: {  	s3 =	rddreg [dreg:$0x2];
	[bflag:$0x3] =	sbarrier.arrive $0xFFFF;
	s2 =	simm.s32 @!p0 $0x1C03  }
0x9f: {  	[timem:s3], [sflag:s2] =	dma.local @!p0 [hbm:s0], s1  }
0xa0: {  	s0 =	simm.s32 @!p0 $0x3  }
0xa1: {  	_ =	swait.ge @!p0 [sflag:s0], s1  }
0xa2: {  	s1 =	ssub.s32 @!p0 $0x0, s1;
	[sflag:s0] =	ssyncset.done @!p0 $0x0  }
0xa3: {  	[sflag:s0] =	ssyncadd.s32 @!p0 s1  }
0xa4: {  	[bflag:$0x3] =	sbarrier.arrive $0xFFFF  }
0xa5: {  	_ =	shalt  }

// kernel: kernel.15.cloned.1.call-start
scs
__scs_entry_jumppad:
0x0: {  	(pc) =	sbr.rel $0x88, $3  }
0x1: {  	(tag) =	ssettag $0x0;
	lr =	simm.s32 $0x1  }
0x2: {  	[smem:$0x3F97] =	sst lr;
	_ =	strace $0xD0000000  }
0x3: {  	_ = 	snop  }
0x4: {  	_ = 	snop  }
0x5: {  	_ = 	snop  }
0x6: {  	_ = 	snop  }
0x7: {  	_ = 	snop  }
__scs_overlays_trampoline_lowered:
0x8: {  	[smem:$0x3FA6] =	sst s0  }
0x9: {  	[smem:$0x3FA7] =	sst s1  }
0xa: {  	[smem:$0x3FA8] =	sst s2  }
0xb: {  	[smem:$0x3FA9] =	sst s3  }
0xc: {  	[smem:$0x3FAA] =	sst s4  }
0xd: {  	[smem:$0x3FAB] =	sst s5  }
0xe: {  	[smem:$0x3FAC] =	sst s6  }
0xf: {  	[smem:$0x3FAD] =	sst s7  }
0x10: {  	[smem:$0x3FAE] =	sst s8  }
0x11: {  	[smem:$0x3FAF] =	sst s9;
	s0 =	simm.s32 @!p0 $0x0  }
0x12: {  	s1 =	sld [smem:$0x3F95];
	s0 =	simm.s32 @p0 $0x1  }
0x13: {  	[smem:$0x3FB0] =	sst s0;
	s0 =	simm.s32 @!p1 $0x0  }
0x14: {  	s2 =	sld [smem:$0x3F94];
	s0 =	simm.s32 @p1 $0x1  }
0x15: {  	[smem:$0x3FB1] =	sst s0;
	s0 =	simm.s32 @!p2 $0x0  }
0x16: {  	s3 =	sld [smem:$0x3FDB];
	s0 =	simm.s32 @p2 $0x1  }
0x17: {  	s4 =	simm.s32 $0x1BF5;
	[smem:$0x3FB3] =	sst s0  }
0x18: {  	s0 =	sld [smem:$0x3F96];
	_ =	swait.ge [sflag:s4], $0x0  }
0x19: {  	s7 =	sld [smem:$0x3F97]  }
0x1a: {  	s8 =	sadd.s32 $0xFFFFE003, lr  }
0x1b: {  	s9 =	sadd.s32 $0xFFFFFEF7, lr;
	s5 =	simm.s32 $0xFFFFFFFF;
	p2 =	slt.u32 s8, $0xFFFFF086  }
0x1c: {  	p1 =	slt.u32 s9, $0xF7A;
	s5 =	simm.s32 @!p2 $0x0  }
0x1d: {  	s5 =	simm.s32 @p1 $0x1;
	p0 =	seq.s32 s7, s2  }
0x1e: {  	s7 =	smul.u32 @!p0 $0xF7A, s2;
	p2 =	seq.s32 @!p0 s5, $0x0  }
0x1f: {  	s9 =	smul.u32 $0xF7A, s1;
	s8 =	simm.s32 @!p0 $0x1BF5;
	p2 =	por !p2, p0  }
0x20: {  	[sflag:s8] =	ssyncset.s32 @!p0 $0xFFFFF086;
	s6 =	sadd.s32 @!p0 s3, s7;
	s7 =	simm.s32 @!p0 $0x108  }
0x21: {  	s3 =	sadd.s32 s3, s9;
	s6 =	sadd.s32 @!p0 $0x88, s6;
	s7 =	simm.s32 @p2 $0x1082  }
0x22: {  	[simem:s7], [sflag:s8] =	dma.local @!p0 [hbm:s6], $0xF7A  }
0x23: {  	s9 =	sor.u32 $0xD0000000, s2;
	s6 =	simm.s32 $0x108;
	_ =	swait.ge @!p0 [sflag:s8], $0x0  }
0x24: {  	s3 =	sadd.s32 $0x88, s3;
	s6 =	simm.s32 @!p1 $0x1082;
	[sflag:s4] =	ssyncset.s32 $0xFFFFF086  }
0x25: {  	[simem:s6], [sflag:s4] =	dma.local [hbm:s3], $0xF7A  }
0x26: {  	[smem:$0x3F97] =	sst s1;
	(tag) =	ssettag s2;
	_ =	strace s9  }
0x27: {  	s1 =	sld [smem:$0x3FA7]  }
0x28: {  	s2 =	sld [smem:$0x3FA8]  }
0x29: {  	s4 =	sld [smem:$0x3FAA]  }
0x2a: {  	p0 =	seq.s32 s5, $0x0;
	s5 =	sld [smem:$0x3FAB]  }
0x2b: {  	s6 =	sld [smem:$0x3FAC]  }
0x2c: {  	s7 =	sld [smem:$0x3FAD]  }
0x2d: {  	s3 =	simm.s32 $0x108;
	s8 =	sld [smem:$0x3FAE]  }
0x2e: {  	s3 =	simm.s32 @!p0 $0x1082;
	s9 =	sld [smem:$0x3FAF]  }
0x2f: {  	lr =	sadd.s32 s0, s3;
	s0 =	sld [smem:$0x3FA6]  }
0x30: {  	s3 =	sld [smem:$0x3FA9]  }
0x31: {  	[smem:$0x3FB2] =	sst s10  }
0x32: {  	s10 =	sld [smem:$0x3FB0];
	_ =	sdelay $0x3  }
0x33: {  	p0 =	seq.s32 s10, $0x1;
	s10 =	sld [smem:$0x3FB2];
	_ =	sdelay $0x3  }
0x34: {  	[smem:$0x3FB2] =	sst s10  }
0x35: {  	s10 =	sld [smem:$0x3FB1];
	_ =	sdelay $0x3  }
0x36: {  	p1 =	seq.s32 s10, $0x1;
	s10 =	sld [smem:$0x3FB2];
	_ =	sdelay $0x3  }
0x37: {  	[smem:$0x3FB2] =	sst s10  }
0x38: {  	s10 =	sld [smem:$0x3FB3]  }
0x39: {  	_ = 	snop;
	(pc) =	sbr.ind lr, $3  }
0x3a: {  	_ = 	snop  }
0x3b: {  	_ = 	snop  }
0x3c: {  	p2 =	seq.s32 s10, $0x1;
	s10 =	sld [smem:$0x3FB2]  }
0x3d: {  	_ =	shalt  }
0x3e: {  	_ =	shalt  }
0x3f: {  	_ =	shalt  }
0x40: {  	_ =	shalt  }
0x41: {  	_ =	shalt  }
0x42: {  	_ =	shalt  }
0x43: {  	_ =	shalt  }
0x44: {  	_ =	shalt  }
0x45: {  	_ =	shalt  }
0x46: {  	_ =	shalt  }
0x47: {  	_ =	shalt  }
0x48: {  	_ =	shalt  }
0x49: {  	_ =	shalt  }
0x4a: {  	_ =	shalt  }
0x4b: {  	_ =	shalt  }
0x4c: {  	_ =	shalt  }
0x4d: {  	_ =	shalt  }
0x4e: {  	_ =	shalt  }
0x4f: {  	_ =	shalt  }
0x50: {  	_ =	shalt  }
0x51: {  	_ =	shalt  }
0x52: {  	_ =	shalt  }
0x53: {  	_ =	shalt  }
0x54: {  	_ =	shalt  }
0x55: {  	_ =	shalt  }
0x56: {  	_ =	shalt  }
0x57: {  	_ =	shalt  }
0x58: {  	_ =	shalt  }
0x59: {  	_ =	shalt  }
0x5a: {  	_ =	shalt  }
0x5b: {  	_ =	shalt  }
0x5c: {  	_ =	shalt  }
0x5d: {  	_ =	shalt  }
0x5e: {  	_ =	shalt  }
0x5f: {  	_ =	shalt  }
0x60: {  	_ =	shalt  }
0x61: {  	_ =	shalt  }
0x62: {  	_ =	shalt  }
0x63: {  	_ =	shalt  }
0x64: {  	_ =	shalt  }
0x65: {  	_ =	shalt  }
0x66: {  	_ =	shalt  }
0x67: {  	_ =	shalt  }
0x68: {  	_ =	shalt  }
0x69: {  	_ =	shalt  }
0x6a: {  	_ =	shalt  }
0x6b: {  	_ =	shalt  }
0x6c: {  	_ =	shalt  }
0x6d: {  	_ =	shalt  }
0x6e: {  	_ =	shalt  }
0x6f: {  	_ =	shalt  }
0x70: {  	_ =	shalt  }
0x71: {  	_ =	shalt  }
0x72: {  	_ =	shalt  }
0x73: {  	_ =	shalt  }
0x74: {  	_ =	shalt  }
0x75: {  	_ =	shalt  }
0x76: {  	_ =	shalt  }
0x77: {  	_ =	shalt  }
0x78: {  	_ =	shalt  }
0x79: {  	_ =	shalt  }
0x7a: {  	_ =	shalt  }
0x7b: {  	_ =	shalt  }
0x7c: {  	_ =	shalt  }
0x7d: {  	_ =	shalt  }
0x7e: {  	_ =	shalt  }
0x7f: {  	_ =	shalt  }
0x80: {  	_ =	shalt  }
0x81: {  	_ =	shalt  }
0x82: {  	_ =	shalt  }
0x83: {  	_ =	shalt  }
0x84: {  	_ =	shalt  }
0x85: {  	_ =	shalt  }
0x86: {  	_ =	shalt  }
0x87: {  	_ =	shalt  }
.Lfunc_end0:
.L_simem_size_0:
called_computation.2_lowered:
.L_overlay_start_0:
0x88: {  	s2 =	sld [smem:$0x3FD9]  }
0x89: {  	s3 =	sld [smem:$0x3FFE];
	_ =	sdelay $0x1  }
0x8a: {  	s1 =	srdreg.scid  }
0x8b: {  	s0 =	sand.u32 $0x1, s1  }
0x8c: {  	s16 =	sshll.u32 s0, $0xA;
	s2 =	sadd.s32 s3, s2  }
0x8d: {  	s2 =	sadd.s32 s2, s16  }
0x8e: {  	[smem:$0x3FBE] =	sst s2  }
0x8f: {  	_ = 	snop  }
0x90: {  	(tm) =	ssettm $0x1  }
0x91: {  	s17 =	sld [smem:$0x3FFB];
	_ =	sdelay $0x3  }
0x92: {  	_ =	strace s17  }
0x93: {  	s2 =	sld [smem:$0x3FFC];
	_ =	sdelay $0x3  }
0x94: {  	_ =	strace s2  }
0x95: {  	s2 =	sld [smem:$0x3FFD];
	_ =	sdelay $0x3  }
0x96: {  	_ =	strace s2  }
0x97: {  	_ =	strace $0x8FFFFFFF  }
0x98: {  	s18 =	sld [smem:$0x3FDB];
	_ =	sdelay $0x1  }
0x99: {  	s19 =	simm.s32 $_scs_section_size  }
0x9a: {  	s4 =	simm.s32 $_size__tile_overlayer_lowered;
	s5 =	simm.s32 $_tile_overlayer_lowered  }
0x9b: {  	s22 =	simm.s32 $0x1BFF;
	s21 =	sshll.u32 s5, $0x1;
	s2 =	sadd.s32 s19, s18  }
0x9c: {  	s6 =	simm.s32 $0x0;
	s20 =	sshll.u32 s4, $0x1;
	s4 =	sadd.s32 s21, s2  }
0x9d: {  	[timem:s6], [sflag:s22] =	dma.local [hbm:s4], s20  }
0x9e: {  	_ =	swait.ge [sflag:s22], s20  }
0x9f: {  	s3 =	ssub.s32 $0x0, s20;
	[sflag:s22] =	ssyncset.done $0x0  }
0xa0: {  	[sflag:s22] =	ssyncadd.s32 s3;
	_ =	sdelay $0x1  }
0xa1: {  	s23 =	simm.s32 $0x1B8B  }
0xa2: {  	_ =	swait.ge [sflag:s23], $0x1  }
0xa3: {  	[sflag:s23] =	ssyncset.done $0x0  }
0xa4: {  	s25 =	simm.s32 $0x1B8E;
	s24 =	sld [smem:$0x3FFE];
	[sflag:s23] =	ssyncadd.s32 $0xFFFFFFFF  }
0xa5: {  	s26 =	simm.s32 $execute0_lowered;
	[smem:$0x3FD2] =	sst s25  }
0xa6: {  	s4 =	sshll.u32 s26, $0x1;
	_ =	strace $0x8000004C;
	[dreg:$0x1] =	wrdreg $0xFFFFFFFF  }
0xa7: {  	s28 =	simm.s32 $_size_execute0_lowered;
	s2 =	sadd.s32 s2, s4;
	[dreg:$0x0] =	wrdreg $0x0  }
0xa8: {  	s4 =	sshll.u32 s28, $0x1;
	[dreg:$0x2] =	wrdreg s2  }
0xa9: {  	[dreg:$0x3] =	wrdreg s4  }
0xaa: {  	[dreg:$0x4] =	wrdreg $0xC0  }
0xab: {  	_ =	task [dreg:s6], $0x5FFFF  }
0xac: {  	[dreg:$0x1] =	wrdreg $0xFFFFFFFF  }
0xad: {  	[dreg:$0x0] =	wrdreg $0x60  }
0xae: {  	[dreg:$0x2] =	wrdreg s24  }
0xaf: {  	[dreg:$0x3] =	wrdreg $0xA9000  }
0xb0: {  	[dreg:$0x4] =	wrdreg $0x9  }
0xb1: {  	_ =	task.clear_ibuf [dreg:s6], $0x5FFFF;
	_ =	strace $0x9000004C  }
0xb2: {  	s29 =	simm.s32 $0x9;
	_ =	strace $0x8000004E  }
0xb3: {  	_ =	swait.ge [sflag:s29], $0x1  }
0xb4: {  	[sflag:s29] =	ssyncadd.s32 $0xFFFFFFFF  }
0xb5: {  	_ =	strace $0x9000004E  }
0xb6: {  	_ =	sfence  }
0xb7: {  	s30 =	sld [smem:$0x0];
	_ =	sdelay $0x2  }
0xb8: {  	s31 =	sshll.u32 s1, $0xD;
	s1 =	sshrl.u32 s1, $0x2  }
0xb9: {  	s3 =	sand.u32 $0x4000, s31;
	s1 =	sadd.s32 s1, s30  }
0xba: {  	s0 =	sor.u32 s3, s0;
	s1 =	sshll.u32 s1, $0x11  }
0xbb: {  	s0 =	sor.u32 s1, s0  }
0xbc: {  	s0 =	sadd.s32 $0x8F2B, s0  }
0xbd: {  	[sflag:s0] =	ssyncadd.remote.s32 $0x1  }
0xbe: {  	_ =	sfence.sel $0xFFFF  }
0xbf: {  	[dreg:$0x0] =	wrdreg $0xFFFFFFFF;
	(pc) =	sbr.abs _section_cstart, $3  }
0xc0: {  	[dreg:$0x1] =	wrdreg $0xFFFFFFFF  }
0xc1: {  	_ =	task.clear_ibuf [dreg:s6], $0x2FFFF;
	_ =	strace $0x9FFFFFFF  }
0xc2: {  	(tm) =	ssettm $0x7FFFFFFF  }
0xc3: {  	_ =	shalt  }
tec
execute0_lowered:
.L_overlay_start_1:
0x0: {  	(tag) =	ssettag $0x1  }
0x1: {  	s7 =	rddreg [dreg:$0x0]  }
0x2: {  	s2 =	rddreg [dreg:$0x1]  }
0x3: {  	s0 =	rddreg [dreg:$0x2]  }
0x4: {  	s3 =	simm.s32 $0x0;
	s1 =	stileid.u32;
	s6 =	srdreg.scid  }
0x5: {  	s16 =	simm.s32 $0x2800;
	s17 =	simm.s32 $0x80;
	s18 =	simm.s32 $0x2900  }
0x6: {  	s19 =	simm.s32 $0x2880;
	s20 =	simm.s32 $0x6900;
	s21 =	simm.s32 $0x1  }
0x7: {  	s22 =	simm.s32 $0x2;
	s23 =	simm.s32 $0x0;
	s4 =	smul.u32 $0x2800, s1  }
0x8: {  	[smem:$0x7FF] =	sst s3;
	s5 =	sadd.s32 $0xB2A00, s7;
	s8 =	smul.u32 $0x2780, s1  }
0x9: {  	s13 =	sand.u32 $0x1, s6;
	s10 =	smul.u32 $0x4F000, s1;
	s6 =	sadd.s32 $0x3200, s7  }
0xa: {  	s31 =	sshll.u32 s1, $0x6;
	_ =	strace $0x8000004D;
	s12 =	ssub.s32 $0x2, s13  }
0xb: {  	p0 =	sne.s32 s13, $0x0;
	s13 =	sor.u32 $0x1C03, s31;
	s9 =	sshrl.u32 s4, $0x3  }
.Ltmp0:
0xc: {  	s14 =	sadd.s32 s8, s7;
	s29 =	sshrl.u32 s12, $0x1;
	(pc) =	sbr.rel .LBB2_1-.Ltmp0, $4  }
0xd: {  	s30 =	sshrl.u32 s10, $0x2;
	s11 =	sadd.s32 s9, s7;
	s12 =	ssub.s32 s12, s29  }
0xe: {  	s15 =	sadd.s32 s30, s2;
	s7 =	sadd.s32 s6, s9;
	s8 =	sadd.s32 $0x35A00, s14  }
0xf: {  	s9 =	sadd.s32 $0x8200, s11;
	s10 =	sadd.s32 $0x10, s7;
	s11 =	sadd.s32 $0xD200, s14  }
0x10: {  	s12 =	smax.u32 s12, $0x1;
	s14 =	sshrl.u32 s15, $0x3;
	s15 =	simm.s32 $0x3  }
.LBB2_7:
0x11: {  	[bflag:$0x0] =	sbarrier.arrive $0xFFFF  }
0x12: {  	[bflag:$0x0] =	sbarrier.arrive $0xFFFF  }
.LBB2_5:
0x13: {  	s23 =	sadd.s32 $0x1, s23  }
0x14: {  	p1 =	sne.s32 s23, s12  }
.Ltmp1:
0x15: {  	_ = 	snop;
	(pc) =	sbr.rel @!p1 .LBB2_6-.Ltmp1, $1  }
0x16: {  	_ =	sdelay $0x3  }
.LBB2_1:
.Ltmp2:
0x17: {  	(pc) =	sbr.rel @p0 .LBB2_7-.Ltmp2, $1  }
0x18: {  	_ =	sdelay $0x3  }
0x19: {  	[spmem:s14], [sflag:s13] =	dma.local [hbm:s8], $0x2780  }
0x1a: {  	_ =	swait.ge [sflag:s15], $0x2780  }
0x1b: {  	[sflag:s15] =	ssyncset.done $0x0  }
0x1c: {  	[sflag:s15] =	ssyncadd.s32 $0xFFFFD880  }
0x1d: {  	[tilespmem:s3], [sflag:$0x3] =	stream.linear.gather [hbm4b:s9+s3], $0x2800, $0x38;
	[tilespmem:$0x1E500] =	vst v63  }
0x1e: {  	_ =	swait.ge [sflag:s15], $0x2800  }
0x1f: {  	[sflag:s15] =	ssyncset.done $0x0  }
0x20: {  	[sflag:s15] =	ssyncadd.s32 $0xFFFFD800  }
0x21: {  	[bflag:$0x0] =	sbarrier.arrive $0xFFFF  }
0x22: {  	[tilespmem:s16], [sflag:$0x1] =	stream.linear.gather [hbm4b:s7+s3], $0x80, $0x38;
	[tilespmem:$0x1E500] =	vst v63  }
0x23: {  	_ = 	snop  }
0x24: {  	[tilespmem:s18], [sflag:$0x1] =	stream.indirect.gather [hbm4b:s5+s17], $0x80, s3, s17, $0xb8;
	[tilespmem:$0x1E500] =	vst v63  }
0x25: {  	_ = 	snop  }
0x26: {  	[tilespmem:s19], [sflag:$0x2] =	stream.linear.gather [hbm4b:s10+s3], $0x80, $0x38;
	[tilespmem:$0x1E500] =	vst v63  }
0x27: {  	_ = 	snop  }
0x28: {  	[tilespmem:s20], [sflag:$0x2] =	stream.indirect.gather [hbm4b:s5+s17], $0x80, s17, s17, $0xb8;
	[tilespmem:$0x1E500] =	vst v63  }
0x29: {  	_ =	swait.ge [sflag:s21], $0x80  }
0x2a: {  	[sflag:s21] =	ssyncset.done $0x0  }
0x2b: {  	[sflag:s21] =	ssyncadd.s32 $0xFFFFFF80  }
0x2c: {  	s24 =	simm.s32 $0x100;
	_ =	swait.ge [sflag:s21], $0x4000  }
0x2d: {  	s25 =	sand.u32 $0x7C00, s24;
	[sflag:s21] =	ssyncset.done $0x0  }
0x2e: {  	s24 =	sand.u32 $0x300, s24;
	s25 =	sadd.s32 s4, s25;
	[sflag:s21] =	ssyncadd.s32 $0xFFFFC000  }
0x2f: {  	[spmem:s2] =	stream.indirect.scatter.add.f32 [tilespmem:s18], [sflag:$0x3], $0x80, s16, s17, $0xb8;
	[tilespmem:$0x1E500] =	vst v63  }
0x30: {  	s24 =	sor.u32 s24, s25;
	_ =	swait.ge [sflag:s15], $0x4000  }
0x31: {  	s24 =	sshrl.u32 s24, $0x3;
	[sflag:s15] =	ssyncset.done $0x0  }
0x32: {  	s24 =	sadd.s32 s6, s24;
	[sflag:s15] =	ssyncadd.s32 $0xFFFFC000  }
0x33: {  	[tilespmem:s16], [sflag:$0x1] =	stream.linear.gather [hbm4b:s24+s3], $0x80, $0x38;
	[tilespmem:$0x1E500] =	vst v63  }
0x34: {  	s30 =	simm.s32 $0x100  }
0x35: {  	[tilespmem:s18], [sflag:$0x1] =	stream.indirect.gather [hbm4b:s5+s17], $0x80, s30, s17, $0xb8;
	[tilespmem:$0x1E500] =	vst v63  }
0x36: {  	_ =	swait.ge [sflag:s22], $0x80  }
0x37: {  	[sflag:s22] =	ssyncset.done $0x0  }
0x38: {  	[sflag:s22] =	ssyncadd.s32 $0xFFFFFF80  }
0x39: {  	s24 =	simm.s32 $0x180;
	_ =	swait.ge [sflag:s22], $0x4000  }
0x3a: {  	s31 =	sand.u32 $0x7C00, s24;
	[sflag:s22] =	ssyncset.done $0x0  }
0x3b: {  	s26 =	sand.u32 $0x380, s24;
	s25 =	sadd.s32 s4, s31;
	[sflag:s22] =	ssyncadd.s32 $0xFFFFC000  }
0x3c: {  	[spmem:s2] =	stream.indirect.scatter.add.f32 [tilespmem:s20], [sflag:$0x3], $0x80, s19, s17, $0xb8;
	[tilespmem:$0x1E500] =	vst v63  }
0x3d: {  	s25 =	sor.u32 s26, s25;
	_ =	swait.ge [sflag:s15], $0x4000  }
0x3e: {  	s25 =	sshrl.u32 s25, $0x3;
	[sflag:s15] =	ssyncset.done $0x0  }
0x3f: {  	s25 =	sadd.s32 s6, s25;
	[sflag:s15] =	ssyncadd.s32 $0xFFFFC000  }
0x40: {  	[tilespmem:s19], [sflag:$0x2] =	stream.linear.gather [hbm4b:s25+s3], $0x80, $0x38;
	[tilespmem:$0x1E500] =	vst v63  }
0x41: {  	s26 =	simm.s32 $0x180;
	s25 =	simm.s32 $0x280  }
.LBB2_3:
0x42: {  	p1 =	seq.s32 s25, $0x2780  }
0x43: {  	s24 =	sadd.s32 $0x100, s24;
	s28 =	smov.u32 s25;
	s25 =	sadd.s32 $0x100, s25  }
0x44: {  	[tilespmem:s20], [sflag:$0x2] =	stream.indirect.gather [hbm4b:s5+s17], $0x80, s26, s17, $0xb8;
	[tilespmem:$0x1E500] =	vst v63  }
0x45: {  	s26 =	smov.u32 s24;
	_ =	swait.ge [sflag:s21], $0x80  }
0x46: {  	[sflag:s21] =	ssyncset.done $0x0  }
0x47: {  	[sflag:s21] =	ssyncadd.s32 $0xFFFFFF80  }
0x48: {  	_ =	swait.ge [sflag:s21], $0x4000  }
0x49: {  	s29 =	sadd.s32 $0xFFFFFF80, s28;
	[sflag:s21] =	ssyncset.done $0x0  }
0x4a: {  	s30 =	sand.u32 $0x7C00, s29;
	s29 =	sand.u32 $0x300, s29;
	[sflag:s21] =	ssyncadd.s32 $0xFFFFC000  }
0x4b: {  	[spmem:s2] =	stream.indirect.scatter.add.f32 [tilespmem:s18], [sflag:$0x3], $0x80, s16, s17, $0xb8;
	[tilespmem:$0x1E500] =	vst v63  }
0x4c: {  	s30 =	sadd.s32 s4, s30;
	_ =	swait.ge [sflag:s15], $0x4000  }
0x4d: {  	s29 =	sor.u32 s29, s30;
	[sflag:s15] =	ssyncset.done $0x0  }
0x4e: {  	s29 =	sshrl.u32 s29, $0x3;
	[sflag:s15] =	ssyncadd.s32 $0xFFFFC000  }
0x4f: {  	s30 =	sadd.s32 $0xFFFFFF80, s24;
	s29 =	sadd.s32 s6, s29  }
0x50: {  	[tilespmem:s16], [sflag:$0x1] =	stream.linear.gather [hbm4b:s29+s3], $0x80, $0x38;
	[tilespmem:$0x1E500] =	vst v63  }
0x51: {  	_ = 	snop  }
0x52: {  	[tilespmem:s18], [sflag:$0x1] =	stream.indirect.gather [hbm4b:s5+s17], $0x80, s30, s17, $0xb8;
	[tilespmem:$0x1E500] =	vst v63  }
0x53: {  	_ =	swait.ge [sflag:s22], $0x80  }
0x54: {  	[sflag:s22] =	ssyncset.done $0x0  }
0x55: {  	[sflag:s22] =	ssyncadd.s32 $0xFFFFFF80  }
0x56: {  	_ =	swait.ge [sflag:s22], $0x4000  }
0x57: {  	s29 =	sand.u32 $0x7C00, s28;
	[sflag:s22] =	ssyncset.done $0x0  }
0x58: {  	s28 =	sand.u32 $0x380, s28;
	s29 =	sadd.s32 s4, s29;
	[sflag:s22] =	ssyncadd.s32 $0xFFFFC000  }
0x59: {  	[spmem:s2] =	stream.indirect.scatter.add.f32 [tilespmem:s20], [sflag:$0x3], $0x80, s19, s17, $0xb8;
	[tilespmem:$0x1E500] =	vst v63  }
.Ltmp3:
0x5a: {  	_ = 	snop;
	(pc) =	sbr.rel @!p1 .LBB2_3-.Ltmp3, $4  }
0x5b: {  	s28 =	sor.u32 s28, s29;
	_ =	swait.ge [sflag:s15], $0x4000  }
0x5c: {  	s28 =	sshrl.u32 s28, $0x3;
	[sflag:s15] =	ssyncset.done $0x0  }
0x5d: {  	s28 =	sadd.s32 s6, s28;
	[sflag:s15] =	ssyncadd.s32 $0xFFFFC000  }
0x5e: {  	[tilespmem:s19], [sflag:$0x2] =	stream.linear.gather [hbm4b:s28+s3], $0x80, $0x38;
	[tilespmem:$0x1E500] =	vst v63  }
0x5f: {  	[tilespmem:s20], [sflag:$0x2] =	stream.indirect.gather [hbm4b:s5+s17], $0x80, s26, s17, $0xb8;
	[tilespmem:$0x1E500] =	vst v63  }
0x60: {  	_ =	swait.ge [sflag:s21], $0x80  }
0x61: {  	[sflag:s21] =	ssyncset.done $0x0  }
0x62: {  	[sflag:s21] =	ssyncadd.s32 $0xFFFFFF80  }
0x63: {  	_ =	swait.ge [sflag:s21], $0x4000  }
0x64: {  	[sflag:s21] =	ssyncset.done $0x0  }
0x65: {  	[sflag:s21] =	ssyncadd.s32 $0xFFFFC000  }
0x66: {  	[spmem:s2] =	stream.indirect.scatter.add.f32 [tilespmem:s18], [sflag:$0x3], $0x80, s16, s17, $0xb8;
	[tilespmem:$0x1E500] =	vst v63  }
0x67: {  	_ =	swait.ge [sflag:s15], $0x4000  }
0x68: {  	[sflag:s15] =	ssyncset.done $0x0  }
0x69: {  	[sflag:s15] =	ssyncadd.s32 $0xFFFFC000  }
0x6a: {  	_ =	swait.ge [sflag:s22], $0x80  }
0x6b: {  	[sflag:s22] =	ssyncset.done $0x0  }
0x6c: {  	[sflag:s22] =	ssyncadd.s32 $0xFFFFFF80  }
0x6d: {  	_ =	swait.ge [sflag:s22], $0x4000  }
0x6e: {  	[sflag:s22] =	ssyncset.done $0x0  }
0x6f: {  	[sflag:s22] =	ssyncadd.s32 $0xFFFFC000  }
0x70: {  	[spmem:s2] =	stream.indirect.scatter.add.f32 [tilespmem:s20], [sflag:$0x3], $0x80, s19, s17, $0xb8;
	[tilespmem:$0x1E500] =	vst v63  }
0x71: {  	_ =	swait.ge [sflag:s15], $0x4000  }
0x72: {  	[sflag:s15] =	ssyncset.done $0x0  }
0x73: {  	[sflag:s15] =	ssyncadd.s32 $0xFFFFC000  }
.Ltmp4:
0x74: {  	[bflag:$0x0] =	sbarrier.arrive $0xFFFF;
	(pc) =	sbr.rel .LBB2_5-.Ltmp4, $4  }
0x75: {  	[hbm:s11], [sflag:s13] =	dma.local [spmem:s14], $0x2780  }
0x76: {  	_ =	swait.ge [sflag:s15], $0x2780  }
0x77: {  	[sflag:s15] =	ssyncset.done $0x0  }
0x78: {  	[sflag:s15] =	ssyncadd.s32 $0xFFFFD880  }
.LBB2_6:
0x79: {  	_ =	sfence.sel $0x180000  }
0x7a: {  	[bflag:$0x0] =	sbarrier.arrive $0xFFFF  }
0x7b: {  	p0 =	sne.s32 s1, $0x0;
	_ =	strace $0x9000004D  }
0x7c: {  	s0 =	sadd.s32 @!p0 $0x100000, s0;
	[bflag:$0x2] =	sbarrier.arrive $0xFFFF  }
0x7d: {  	[sflag:s0] =	ssyncadd.tile.s32 @!p0 $0x1;
	_ =	shalt  }
.Lfunc_end2:
_tile_overlayer_lowered:
.L_overlay_start_2:
0x7e: {  	(tag) =	ssettag $0x2  }
0x7f: {  	s0 =	rddreg [dreg:$0x0];
	s2 =	stileid.u32  }
0x80: {  	s1 =	rddreg [dreg:$0x1];
	p0 =	sne.s32 s2, $0x0  }
0x81: {  	s3 =	rddreg [dreg:$0x2];
	[bflag:$0x3] =	sbarrier.arrive $0xFFFF;
	s2 =	simm.s32 @!p0 $0x1C03  }
0x82: {  	[timem:s3], [sflag:s2] =	dma.local @!p0 [hbm:s0], s1  }
0x83: {  	s0 =	simm.s32 @!p0 $0x3  }
0x84: {  	_ =	swait.ge @!p0 [sflag:s0], s1  }
0x85: {  	s1 =	ssub.s32 @!p0 $0x0, s1;
	[sflag:s0] =	ssyncset.done @!p0 $0x0  }
0x86: {  	[sflag:s0] =	ssyncadd.s32 @!p0 s1  }
0x87: {  	[bflag:$0x3] =	sbarrier.arrive $0xFFFF  }
0x88: {  	_ =	shalt  }

// kernel: kernel.18.cloned.1.call-start
scs
__scs_entry_jumppad:
0x0: {  	(pc) =	sbr.rel $0x88, $3  }
0x1: {  	(tag) =	ssettag $0x0;
	lr =	simm.s32 $0x1  }
0x2: {  	[smem:$0x3F97] =	sst lr;
	_ =	strace $0xD0000000  }
0x3: {  	_ = 	snop  }
0x4: {  	_ = 	snop  }
0x5: {  	_ = 	snop  }
0x6: {  	_ = 	snop  }
0x7: {  	_ = 	snop  }
__scs_overlays_trampoline_lowered:
0x8: {  	[smem:$0x3FA6] =	sst s0  }
0x9: {  	[smem:$0x3FA7] =	sst s1  }
0xa: {  	[smem:$0x3FA8] =	sst s2  }
0xb: {  	[smem:$0x3FA9] =	sst s3  }
0xc: {  	[smem:$0x3FAA] =	sst s4  }
0xd: {  	[smem:$0x3FAB] =	sst s5  }
0xe: {  	[smem:$0x3FAC] =	sst s6  }
0xf: {  	[smem:$0x3FAD] =	sst s7  }
0x10: {  	[smem:$0x3FAE] =	sst s8  }
0x11: {  	[smem:$0x3FAF] =	sst s9;
	s0 =	simm.s32 @!p0 $0x0  }
0x12: {  	s1 =	sld [smem:$0x3F95];
	s0 =	simm.s32 @p0 $0x1  }
0x13: {  	[smem:$0x3FB0] =	sst s0;
	s0 =	simm.s32 @!p1 $0x0  }
0x14: {  	s2 =	sld [smem:$0x3F94];
	s0 =	simm.s32 @p1 $0x1  }
0x15: {  	[smem:$0x3FB1] =	sst s0;
	s0 =	simm.s32 @!p2 $0x0  }
0x16: {  	s3 =	sld [smem:$0x3FDB];
	s0 =	simm.s32 @p2 $0x1  }
0x17: {  	s4 =	simm.s32 $0x1BF5;
	[smem:$0x3FB3] =	sst s0  }
0x18: {  	s0 =	sld [smem:$0x3F96];
	_ =	swait.ge [sflag:s4], $0x0  }
0x19: {  	s7 =	sld [smem:$0x3F97]  }
0x1a: {  	s8 =	sadd.s32 $0xFFFFE003, lr  }
0x1b: {  	s9 =	sadd.s32 $0xFFFFFEF7, lr;
	s5 =	simm.s32 $0xFFFFFFFF;
	p2 =	slt.u32 s8, $0xFFFFF086  }
0x1c: {  	p1 =	slt.u32 s9, $0xF7A;
	s5 =	simm.s32 @!p2 $0x0  }
0x1d: {  	s5 =	simm.s32 @p1 $0x1;
	p0 =	seq.s32 s7, s2  }
0x1e: {  	s7 =	smul.u32 @!p0 $0xF7A, s2;
	p2 =	seq.s32 @!p0 s5, $0x0  }
0x1f: {  	s9 =	smul.u32 $0xF7A, s1;
	s8 =	simm.s32 @!p0 $0x1BF5;
	p2 =	por !p2, p0  }
0x20: {  	[sflag:s8] =	ssyncset.s32 @!p0 $0xFFFFF086;
	s6 =	sadd.s32 @!p0 s3, s7;
	s7 =	simm.s32 @!p0 $0x108  }
0x21: {  	s3 =	sadd.s32 s3, s9;
	s6 =	sadd.s32 @!p0 $0x88, s6;
	s7 =	simm.s32 @p2 $0x1082  }
0x22: {  	[simem:s7], [sflag:s8] =	dma.local @!p0 [hbm:s6], $0xF7A  }
0x23: {  	s9 =	sor.u32 $0xD0000000, s2;
	s6 =	simm.s32 $0x108;
	_ =	swait.ge @!p0 [sflag:s8], $0x0  }
0x24: {  	s3 =	sadd.s32 $0x88, s3;
	s6 =	simm.s32 @!p1 $0x1082;
	[sflag:s4] =	ssyncset.s32 $0xFFFFF086  }
0x25: {  	[simem:s6], [sflag:s4] =	dma.local [hbm:s3], $0xF7A  }
0x26: {  	[smem:$0x3F97] =	sst s1;
	(tag) =	ssettag s2;
	_ =	strace s9  }
0x27: {  	s1 =	sld [smem:$0x3FA7]  }
0x28: {  	s2 =	sld [smem:$0x3FA8]  }
0x29: {  	s4 =	sld [smem:$0x3FAA]  }
0x2a: {  	p0 =	seq.s32 s5, $0x0;
	s5 =	sld [smem:$0x3FAB]  }
0x2b: {  	s6 =	sld [smem:$0x3FAC]  }
0x2c: {  	s7 =	sld [smem:$0x3FAD]  }
0x2d: {  	s3 =	simm.s32 $0x108;
	s8 =	sld [smem:$0x3FAE]  }
0x2e: {  	s3 =	simm.s32 @!p0 $0x1082;
	s9 =	sld [smem:$0x3FAF]  }
0x2f: {  	lr =	sadd.s32 s0, s3;
	s0 =	sld [smem:$0x3FA6]  }
0x30: {  	s3 =	sld [smem:$0x3FA9]  }
0x31: {  	[smem:$0x3FB2] =	sst s10  }
0x32: {  	s10 =	sld [smem:$0x3FB0];
	_ =	sdelay $0x3  }
0x33: {  	p0 =	seq.s32 s10, $0x1;
	s10 =	sld [smem:$0x3FB2];
	_ =	sdelay $0x3  }
0x34: {  	[smem:$0x3FB2] =	sst s10  }
0x35: {  	s10 =	sld [smem:$0x3FB1];
	_ =	sdelay $0x3  }
0x36: {  	p1 =	seq.s32 s10, $0x1;
	s10 =	sld [smem:$0x3FB2];
	_ =	sdelay $0x3  }
0x37: {  	[smem:$0x3FB2] =	sst s10  }
0x38: {  	s10 =	sld [smem:$0x3FB3]  }
0x39: {  	_ = 	snop;
	(pc) =	sbr.ind lr, $3  }
0x3a: {  	_ = 	snop  }
0x3b: {  	_ = 	snop  }
0x3c: {  	p2 =	seq.s32 s10, $0x1;
	s10 =	sld [smem:$0x3FB2]  }
0x3d: {  	_ =	shalt  }
0x3e: {  	_ =	shalt  }
0x3f: {  	_ =	shalt  }
0x40: {  	_ =	shalt  }
0x41: {  	_ =	shalt  }
0x42: {  	_ =	shalt  }
0x43: {  	_ =	shalt  }
0x44: {  	_ =	shalt  }
0x45: {  	_ =	shalt  }
0x46: {  	_ =	shalt  }
0x47: {  	_ =	shalt  }
0x48: {  	_ =	shalt  }
0x49: {  	_ =	shalt  }
0x4a: {  	_ =	shalt  }
0x4b: {  	_ =	shalt  }
0x4c: {  	_ =	shalt  }
0x4d: {  	_ =	shalt  }
0x4e: {  	_ =	shalt  }
0x4f: {  	_ =	shalt  }
0x50: {  	_ =	shalt  }
0x51: {  	_ =	shalt  }
0x52: {  	_ =	shalt  }
0x53: {  	_ =	shalt  }
0x54: {  	_ =	shalt  }
0x55: {  	_ =	shalt  }
0x56: {  	_ =	shalt  }
0x57: {  	_ =	shalt  }
0x58: {  	_ =	shalt  }
0x59: {  	_ =	shalt  }
0x5a: {  	_ =	shalt  }
0x5b: {  	_ =	shalt  }
0x5c: {  	_ =	shalt  }
0x5d: {  	_ =	shalt  }
0x5e: {  	_ =	shalt  }
0x5f: {  	_ =	shalt  }
0x60: {  	_ =	shalt  }
0x61: {  	_ =	shalt  }
0x62: {  	_ =	shalt  }
0x63: {  	_ =	shalt  }
0x64: {  	_ =	shalt  }
0x65: {  	_ =	shalt  }
0x66: {  	_ =	shalt  }
0x67: {  	_ =	shalt  }
0x68: {  	_ =	shalt  }
0x69: {  	_ =	shalt  }
0x6a: {  	_ =	shalt  }
0x6b: {  	_ =	shalt  }
0x6c: {  	_ =	shalt  }
0x6d: {  	_ =	shalt  }
0x6e: {  	_ =	shalt  }
0x6f: {  	_ =	shalt  }
0x70: {  	_ =	shalt  }
0x71: {  	_ =	shalt  }
0x72: {  	_ =	shalt  }
0x73: {  	_ =	shalt  }
0x74: {  	_ =	shalt  }
0x75: {  	_ =	shalt  }
0x76: {  	_ =	shalt  }
0x77: {  	_ =	shalt  }
0x78: {  	_ =	shalt  }
0x79: {  	_ =	shalt  }
0x7a: {  	_ =	shalt  }
0x7b: {  	_ =	shalt  }
0x7c: {  	_ =	shalt  }
0x7d: {  	_ =	shalt  }
0x7e: {  	_ =	shalt  }
0x7f: {  	_ =	shalt  }
0x80: {  	_ =	shalt  }
0x81: {  	_ =	shalt  }
0x82: {  	_ =	shalt  }
0x83: {  	_ =	shalt  }
0x84: {  	_ =	shalt  }
0x85: {  	_ =	shalt  }
0x86: {  	_ =	shalt  }
0x87: {  	_ =	shalt  }
.Lfunc_end0:
.L_simem_size_0:
called_computation.3_lowered:
.L_overlay_start_0:
0x88: {  	s2 =	sld [smem:$0x3FD9]  }
0x89: {  	s3 =	sld [smem:$0x3FFE];
	_ =	sdelay $0x1  }
0x8a: {  	s1 =	srdreg.scid  }
0x8b: {  	s0 =	sand.u32 $0x1, s1  }
0x8c: {  	s17 =	sshll.u32 s0, $0xA;
	s2 =	sadd.s32 s3, s2  }
0x8d: {  	s2 =	sadd.s32 s2, s17  }
0x8e: {  	[smem:$0x3FBE] =	sst s2  }
0x8f: {  	_ = 	snop  }
0x90: {  	s2 =	sld [smem:$0x3FD0];
	(tm) =	ssettm $0x1  }
0x91: {  	s18 =	sld [smem:$0x3FFB];
	_ =	sdelay $0x3  }
0x92: {  	_ =	strace s18  }
0x93: {  	s3 =	sld [smem:$0x3FFC];
	_ =	sdelay $0x3  }
0x94: {  	_ =	strace s3  }
0x95: {  	s3 =	sld [smem:$0x3FFD];
	_ =	sdelay $0x3  }
0x96: {  	_ =	strace s3  }
0x97: {  	_ =	strace $0x8FFFFFFF  }
0x98: {  	s19 =	sld [smem:$0x3FDB];
	_ =	sdelay $0x1  }
0x99: {  	s4 =	simm.s32 $_scs_section_size  }
0x9a: {  	s5 =	simm.s32 $_size__tile_overlayer_lowered;
	s6 =	simm.s32 $_tile_overlayer_lowered  }
0x9b: {  	s22 =	simm.s32 $0x1BFF;
	s21 =	sshll.u32 s6, $0x1;
	s3 =	sadd.s32 s4, s19  }
0x9c: {  	s7 =	simm.s32 $0x0;
	s20 =	sshll.u32 s5, $0x1;
	s5 =	sadd.s32 s21, s3  }
0x9d: {  	[timem:s7], [sflag:s22] =	dma.local [hbm:s5], s20  }
0x9e: {  	_ =	swait.ge [sflag:s22], s20  }
0x9f: {  	s4 =	ssub.s32 $0x0, s20;
	[sflag:s22] =	ssyncset.done $0x0  }
0xa0: {  	[sflag:s22] =	ssyncadd.s32 s4;
	_ =	sdelay $0x1  }
0xa1: {  	s23 =	simm.s32 $0x1B8B  }
0xa2: {  	_ =	swait.ge [sflag:s23], $0x1  }
0xa3: {  	[sflag:s23] =	ssyncset.done $0x0  }
0xa4: {  	s25 =	simm.s32 $0x1B8E;
	s24 =	sld [smem:$0x3FFE];
	[sflag:s23] =	ssyncadd.s32 $0xFFFFFFFF  }
0xa5: {  	s26 =	simm.s32 $execute0_lowered;
	[smem:$0x3FD2] =	sst s25  }
0xa6: {  	s5 =	sshll.u32 s26, $0x1;
	_ =	strace $0x8000004F;
	[dreg:$0x1] =	wrdreg $0xFFFFFFFF  }
0xa7: {  	s28 =	simm.s32 $_size_execute0_lowered;
	s3 =	sadd.s32 s3, s5;
	[dreg:$0x0] =	wrdreg $0x0  }
0xa8: {  	s5 =	sshll.u32 s28, $0x1;
	[dreg:$0x2] =	wrdreg s3  }
0xa9: {  	[dreg:$0x3] =	wrdreg s5  }
0xaa: {  	[dreg:$0x4] =	wrdreg $0xC0  }
0xab: {  	_ =	task [dreg:s7], $0x5FFFF  }
0xac: {  	[dreg:$0x1] =	wrdreg $0xFFFFFFFF  }
0xad: {  	[dreg:$0x0] =	wrdreg $0x60  }
0xae: {  	[dreg:$0x2] =	wrdreg s24  }
0xaf: {  	[dreg:$0x3] =	wrdreg s2  }
0xb0: {  	[dreg:$0x4] =	wrdreg $0xA9000  }
0xb1: {  	[dreg:$0x5] =	wrdreg $0x9  }
0xb2: {  	_ =	task.clear_ibuf [dreg:s7], $0x6FFFF;
	_ =	strace $0x9000004F  }
0xb3: {  	s29 =	simm.s32 $0x9;
	_ =	strace $0x80000051  }
0xb4: {  	_ =	swait.ge [sflag:s29], $0x1  }
0xb5: {  	[sflag:s29] =	ssyncadd.s32 $0xFFFFFFFF  }
0xb6: {  	_ =	strace $0x90000051  }
0xb7: {  	_ =	sfence  }
0xb8: {  	s30 =	sld [smem:$0x0];
	_ =	sdelay $0x2  }
0xb9: {  	s31 =	sshll.u32 s1, $0xD;
	s1 =	sshrl.u32 s1, $0x2  }
0xba: {  	s3 =	sand.u32 $0x4000, s31;
	s1 =	sadd.s32 s1, s30  }
0xbb: {  	s0 =	sor.u32 s3, s0;
	s1 =	sshll.u32 s1, $0x11  }
0xbc: {  	s0 =	sor.u32 s1, s0  }
0xbd: {  	s0 =	sadd.s32 $0x8F2B, s0  }
0xbe: {  	[sflag:s0] =	ssyncadd.remote.s32 $0x1  }
0xbf: {  	_ =	sfence.sel $0xFFFF  }
0xc0: {  	[dreg:$0x0] =	wrdreg $0xFFFFFFFF;
	(pc) =	sbr.abs _section_cstart, $3  }
0xc1: {  	[dreg:$0x1] =	wrdreg $0xFFFFFFFF  }
0xc2: {  	_ =	task.clear_ibuf [dreg:s7], $0x2FFFF;
	_ =	strace $0x9FFFFFFF  }
0xc3: {  	(tm) =	ssettm $0x7FFFFFFF  }
tec
execute0_lowered:
.L_overlay_start_1:
0x0: {  	(tag) =	ssettag $0x1  }
0x1: {  	s7 =	rddreg [dreg:$0x0]  }
0x2: {  	s2 =	rddreg [dreg:$0x1]  }
0x3: {  	s3 =	rddreg [dreg:$0x2]  }
0x4: {  	s0 =	rddreg [dreg:$0x3];
	s4 =	simm.s32 $0x0;
	s1 =	stileid.u32  }
0x5: {  	s6 =	srdreg.scid;
	s16 =	simm.s32 $0x2800;
	s17 =	simm.s32 $0x80  }
0x6: {  	s18 =	simm.s32 $0x2900;
	s19 =	simm.s32 $0x2880;
	s20 =	simm.s32 $0x6900  }
0x7: {  	s21 =	simm.s32 $0x1;
	s22 =	simm.s32 $0x2;
	s5 =	smul.u32 $0x2800, s1  }
0x8: {  	s23 =	simm.s32 $0x0;
	[smem:$0x7FF] =	sst s4;
	s8 =	smul.u32 $0x2780, s1  }
0x9: {  	s13 =	sand.u32 $0x1, s6;
	s10 =	smul.u32 $0x4F000, s1;
	s6 =	sadd.s32 $0xB2A00, s7  }
0xa: {  	s31 =	sshll.u32 s1, $0x6;
	_ =	strace $0x80000050;
	s12 =	ssub.s32 $0x2, s13  }
0xb: {  	p0 =	sne.s32 s13, $0x0;
	s13 =	sor.u32 $0x1C03, s31;
	s9 =	sshrl.u32 s5, $0x3  }
.Ltmp0:
0xc: {  	s14 =	sadd.s32 s8, s7;
	s29 =	sshrl.u32 s12, $0x1;
	(pc) =	sbr.rel .LBB2_1-.Ltmp0, $4  }
0xd: {  	s30 =	sshrl.u32 s10, $0x2;
	s11 =	sadd.s32 s9, s7;
	s12 =	ssub.s32 s12, s29  }
0xe: {  	s15 =	sadd.s32 s30, s3;
	s7 =	sadd.s32 s2, s9;
	s8 =	sadd.s32 $0xD200, s14  }
0xf: {  	s9 =	sadd.s32 $0xADA00, s11;
	s10 =	sadd.s32 $0x10, s7;
	s11 =	sadd.s32 $0x35200, s14  }
0x10: {  	s12 =	smax.u32 s12, $0x1;
	s14 =	sshrl.u32 s15, $0x3;
	s15 =	simm.s32 $0x3  }
.LBB2_7:
0x11: {  	[bflag:$0x0] =	sbarrier.arrive $0xFFFF  }
0x12: {  	[bflag:$0x0] =	sbarrier.arrive $0xFFFF  }
.LBB2_5:
0x13: {  	s23 =	sadd.s32 $0x1, s23  }
0x14: {  	p1 =	sne.s32 s23, s12  }
.Ltmp1:
0x15: {  	_ = 	snop;
	(pc) =	sbr.rel @!p1 .LBB2_6-.Ltmp1, $1  }
0x16: {  	_ =	sdelay $0x3  }
.LBB2_1:
.Ltmp2:
0x17: {  	(pc) =	sbr.rel @p0 .LBB2_7-.Ltmp2, $1  }
0x18: {  	_ =	sdelay $0x3  }
0x19: {  	[spmem:s14], [sflag:s13] =	dma.local [hbm:s8], $0x2780  }
0x1a: {  	_ =	swait.ge [sflag:s15], $0x2780  }
0x1b: {  	[sflag:s15] =	ssyncset.done $0x0  }
0x1c: {  	[sflag:s15] =	ssyncadd.s32 $0xFFFFD880  }
0x1d: {  	[tilespmem:s4], [sflag:$0x3] =	stream.linear.gather [hbm4b:s9+s4], $0x2800, $0x38;
	[tilespmem:$0x1E500] =	vst v63  }
0x1e: {  	_ =	swait.ge [sflag:s15], $0x2800  }
0x1f: {  	[sflag:s15] =	ssyncset.done $0x0  }
0x20: {  	[sflag:s15] =	ssyncadd.s32 $0xFFFFD800  }
0x21: {  	[bflag:$0x0] =	sbarrier.arrive $0xFFFF  }
0x22: {  	[tilespmem:s16], [sflag:$0x1] =	stream.linear.gather [hbm4b:s7+s4], $0x80, $0x38;
	[tilespmem:$0x1E500] =	vst v63  }
0x23: {  	_ = 	snop  }
0x24: {  	[tilespmem:s18], [sflag:$0x1] =	stream.indirect.gather [hbm4b:s6+s17], $0x80, s4, s17, $0xb8;
	[tilespmem:$0x1E500] =	vst v63  }
0x25: {  	_ = 	snop  }
0x26: {  	[tilespmem:s19], [sflag:$0x2] =	stream.linear.gather [hbm4b:s10+s4], $0x80, $0x38;
	[tilespmem:$0x1E500] =	vst v63  }
0x27: {  	_ = 	snop  }
0x28: {  	[tilespmem:s20], [sflag:$0x2] =	stream.indirect.gather [hbm4b:s6+s17], $0x80, s17, s17, $0xb8;
	[tilespmem:$0x1E500] =	vst v63  }
0x29: {  	_ =	swait.ge [sflag:s21], $0x80  }
0x2a: {  	[sflag:s21] =	ssyncset.done $0x0  }
0x2b: {  	[sflag:s21] =	ssyncadd.s32 $0xFFFFFF80  }
0x2c: {  	s24 =	simm.s32 $0x100;
	_ =	swait.ge [sflag:s21], $0x4000  }
0x2d: {  	s25 =	sand.u32 $0x7C00, s24;
	[sflag:s21] =	ssyncset.done $0x0  }
0x2e: {  	s24 =	sand.u32 $0x300, s24;
	s25 =	sadd.s32 s5, s25;
	[sflag:s21] =	ssyncadd.s32 $0xFFFFC000  }
0x2f: {  	[spmem:s3] =	stream.indirect.scatter.add.f32 [tilespmem:s18], [sflag:$0x3], $0x80, s16, s17, $0xb8;
	[tilespmem:$0x1E500] =	vst v63  }
0x30: {  	s24 =	sor.u32 s24, s25;
	_ =	swait.ge [sflag:s15], $0x4000  }
0x31: {  	s24 =	sshrl.u32 s24, $0x3;
	[sflag:s15] =	ssyncset.done $0x0  }
0x32: {  	s24 =	sadd.s32 s2, s24;
	[sflag:s15] =	ssyncadd.s32 $0xFFFFC000  }
0x33: {  	[tilespmem:s16], [sflag:$0x1] =	stream.linear.gather [hbm4b:s24+s4], $0x80, $0x38;
	[tilespmem:$0x1E500] =	vst v63  }
0x34: {  	s30 =	simm.s32 $0x100  }
0x35: {  	[tilespmem:s18], [sflag:$0x1] =	stream.indirect.gather [hbm4b:s6+s17], $0x80, s30, s17, $0xb8;
	[tilespmem:$0x1E500] =	vst v63  }
0x36: {  	_ =	swait.ge [sflag:s22], $0x80  }
0x37: {  	[sflag:s22] =	ssyncset.done $0x0  }
0x38: {  	[sflag:s22] =	ssyncadd.s32 $0xFFFFFF80  }
0x39: {  	s24 =	simm.s32 $0x180;
	_ =	swait.ge [sflag:s22], $0x4000  }
0x3a: {  	s31 =	sand.u32 $0x7C00, s24;
	[sflag:s22] =	ssyncset.done $0x0  }
0x3b: {  	s26 =	sand.u32 $0x380, s24;
	s25 =	sadd.s32 s5, s31;
	[sflag:s22] =	ssyncadd.s32 $0xFFFFC000  }
0x3c: {  	[spmem:s3] =	stream.indirect.scatter.add.f32 [tilespmem:s20], [sflag:$0x3], $0x80, s19, s17, $0xb8;
	[tilespmem:$0x1E500] =	vst v63  }
0x3d: {  	s25 =	sor.u32 s26, s25;
	_ =	swait.ge [sflag:s15], $0x4000  }
0x3e: {  	s25 =	sshrl.u32 s25, $0x3;
	[sflag:s15] =	ssyncset.done $0x0  }
0x3f: {  	s25 =	sadd.s32 s2, s25;
	[sflag:s15] =	ssyncadd.s32 $0xFFFFC000  }
0x40: {  	[tilespmem:s19], [sflag:$0x2] =	stream.linear.gather [hbm4b:s25+s4], $0x80, $0x38;
	[tilespmem:$0x1E500] =	vst v63  }
0x41: {  	s26 =	simm.s32 $0x180;
	s25 =	simm.s32 $0x280  }
.LBB2_3:
0x42: {  	p1 =	seq.s32 s25, $0x2780  }
0x43: {  	s24 =	sadd.s32 $0x100, s24;
	s28 =	smov.u32 s25;
	s25 =	sadd.s32 $0x100, s25  }
0x44: {  	[tilespmem:s20], [sflag:$0x2] =	stream.indirect.gather [hbm4b:s6+s17], $0x80, s26, s17, $0xb8;
	[tilespmem:$0x1E500] =	vst v63  }
0x45: {  	s26 =	smov.u32 s24;
	_ =	swait.ge [sflag:s21], $0x80  }
0x46: {  	[sflag:s21] =	ssyncset.done $0x0  }
0x47: {  	[sflag:s21] =	ssyncadd.s32 $0xFFFFFF80  }
0x48: {  	_ =	swait.ge [sflag:s21], $0x4000  }
0x49: {  	s29 =	sadd.s32 $0xFFFFFF80, s28;
	[sflag:s21] =	ssyncset.done $0x0  }
0x4a: {  	s30 =	sand.u32 $0x7C00, s29;
	s29 =	sand.u32 $0x300, s29;
	[sflag:s21] =	ssyncadd.s32 $0xFFFFC000  }
0x4b: {  	[spmem:s3] =	stream.indirect.scatter.add.f32 [tilespmem:s18], [sflag:$0x3], $0x80, s16, s17, $0xb8;
	[tilespmem:$0x1E500] =	vst v63  }
0x4c: {  	s30 =	sadd.s32 s5, s30;
	_ =	swait.ge [sflag:s15], $0x4000  }
0x4d: {  	s29 =	sor.u32 s29, s30;
	[sflag:s15] =	ssyncset.done $0x0  }
0x4e: {  	s29 =	sshrl.u32 s29, $0x3;
	[sflag:s15] =	ssyncadd.s32 $0xFFFFC000  }
0x4f: {  	s30 =	sadd.s32 $0xFFFFFF80, s24;
	s29 =	sadd.s32 s2, s29  }
0x50: {  	[tilespmem:s16], [sflag:$0x1] =	stream.linear.gather [hbm4b:s29+s4], $0x80, $0x38;
	[tilespmem:$0x1E500] =	vst v63  }
0x51: {  	_ = 	snop  }
0x52: {  	[tilespmem:s18], [sflag:$0x1] =	stream.indirect.gather [hbm4b:s6+s17], $0x80, s30, s17, $0xb8;
	[tilespmem:$0x1E500] =	vst v63  }
0x53: {  	_ =	swait.ge [sflag:s22], $0x80  }
0x54: {  	[sflag:s22] =	ssyncset.done $0x0  }
0x55: {  	[sflag:s22] =	ssyncadd.s32 $0xFFFFFF80  }
0x56: {  	_ =	swait.ge [sflag:s22], $0x4000  }
0x57: {  	s29 =	sand.u32 $0x7C00, s28;
	[sflag:s22] =	ssyncset.done $0x0  }
0x58: {  	s28 =	sand.u32 $0x380, s28;
	s29 =	sadd.s32 s5, s29;
	[sflag:s22] =	ssyncadd.s32 $0xFFFFC000  }
0x59: {  	[spmem:s3] =	stream.indirect.scatter.add.f32 [tilespmem:s20], [sflag:$0x3], $0x80, s19, s17, $0xb8;
	[tilespmem:$0x1E500] =	vst v63  }
.Ltmp3:
0x5a: {  	_ = 	snop;
	(pc) =	sbr.rel @!p1 .LBB2_3-.Ltmp3, $4  }
0x5b: {  	s28 =	sor.u32 s28, s29;
	_ =	swait.ge [sflag:s15], $0x4000  }
0x5c: {  	s28 =	sshrl.u32 s28, $0x3;
	[sflag:s15] =	ssyncset.done $0x0  }
0x5d: {  	s28 =	sadd.s32 s2, s28;
	[sflag:s15] =	ssyncadd.s32 $0xFFFFC000  }
0x5e: {  	[tilespmem:s19], [sflag:$0x2] =	stream.linear.gather [hbm4b:s28+s4], $0x80, $0x38;
	[tilespmem:$0x1E500] =	vst v63  }
0x5f: {  	[tilespmem:s20], [sflag:$0x2] =	stream.indirect.gather [hbm4b:s6+s17], $0x80, s26, s17, $0xb8;
	[tilespmem:$0x1E500] =	vst v63  }
0x60: {  	_ =	swait.ge [sflag:s21], $0x80  }
0x61: {  	[sflag:s21] =	ssyncset.done $0x0  }
0x62: {  	[sflag:s21] =	ssyncadd.s32 $0xFFFFFF80  }
0x63: {  	_ =	swait.ge [sflag:s21], $0x4000  }
0x64: {  	[sflag:s21] =	ssyncset.done $0x0  }
0x65: {  	[sflag:s21] =	ssyncadd.s32 $0xFFFFC000  }
0x66: {  	[spmem:s3] =	stream.indirect.scatter.add.f32 [tilespmem:s18], [sflag:$0x3], $0x80, s16, s17, $0xb8;
	[tilespmem:$0x1E500] =	vst v63  }
0x67: {  	_ =	swait.ge [sflag:s15], $0x4000  }
0x68: {  	[sflag:s15] =	ssyncset.done $0x0  }
0x69: {  	[sflag:s15] =	ssyncadd.s32 $0xFFFFC000  }
0x6a: {  	_ =	swait.ge [sflag:s22], $0x80  }
0x6b: {  	[sflag:s22] =	ssyncset.done $0x0  }
0x6c: {  	[sflag:s22] =	ssyncadd.s32 $0xFFFFFF80  }
0x6d: {  	_ =	swait.ge [sflag:s22], $0x4000  }
0x6e: {  	[sflag:s22] =	ssyncset.done $0x0  }
0x6f: {  	[sflag:s22] =	ssyncadd.s32 $0xFFFFC000  }
0x70: {  	[spmem:s3] =	stream.indirect.scatter.add.f32 [tilespmem:s20], [sflag:$0x3], $0x80, s19, s17, $0xb8;
	[tilespmem:$0x1E500] =	vst v63  }
0x71: {  	_ =	swait.ge [sflag:s15], $0x4000  }
0x72: {  	[sflag:s15] =	ssyncset.done $0x0  }
0x73: {  	[sflag:s15] =	ssyncadd.s32 $0xFFFFC000  }
.Ltmp4:
0x74: {  	[bflag:$0x0] =	sbarrier.arrive $0xFFFF;
	(pc) =	sbr.rel .LBB2_5-.Ltmp4, $4  }
0x75: {  	[hbm:s11], [sflag:s13] =	dma.local [spmem:s14], $0x2780  }
0x76: {  	_ =	swait.ge [sflag:s15], $0x2780  }
0x77: {  	[sflag:s15] =	ssyncset.done $0x0  }
0x78: {  	[sflag:s15] =	ssyncadd.s32 $0xFFFFD880  }
.LBB2_6:
0x79: {  	_ =	sfence.sel $0x180000  }
0x7a: {  	[bflag:$0x0] =	sbarrier.arrive $0xFFFF  }
0x7b: {  	p0 =	sne.s32 s1, $0x0;
	_ =	strace $0x90000050  }
0x7c: {  	s0 =	sadd.s32 @!p0 $0x100000, s0;
	[bflag:$0x2] =	sbarrier.arrive $0xFFFF  }
0x7d: {  	[sflag:s0] =	ssyncadd.tile.s32 @!p0 $0x1;
	_ =	shalt  }
.Lfunc_end2:
_tile_overlayer_lowered:
.L_overlay_start_2:
0x7e: {  	(tag) =	ssettag $0x2  }
0x7f: {  	s0 =	rddreg [dreg:$0x0];
	s2 =	stileid.u32  }
0x80: {  	s1 =	rddreg [dreg:$0x1];
	p0 =	sne.s32 s2, $0x0  }
0x81: {  	s3 =	rddreg [dreg:$0x2];
	[bflag:$0x3] =	sbarrier.arrive $0xFFFF;
	s2 =	simm.s32 @!p0 $0x1C03  }
0x82: {  	[timem:s3], [sflag:s2] =	dma.local @!p0 [hbm:s0], s1  }
0x83: {  	s0 =	simm.s32 @!p0 $0x3  }
0x84: {  	_ =	swait.ge @!p0 [sflag:s0], s1  }
0x85: {  	s1 =	ssub.s32 @!p0 $0x0, s1;
	[sflag:s0] =	ssyncset.done @!p0 $0x0  }
0x86: {  	[sflag:s0] =	ssyncadd.s32 @!p0 s1  }
0x87: {  	[bflag:$0x3] =	sbarrier.arrive $0xFFFF  }
0x88: {  	_ =	shalt  }

// kernel: kernel.9.cloned.1.call-start
scs
__scs_entry_jumppad:
0x0: {  	(pc) =	sbr.rel $0x88, $3  }
0x1: {  	(tag) =	ssettag $0x0;
	lr =	simm.s32 $0x1  }
0x2: {  	[smem:$0x3F97] =	sst lr;
	_ =	strace $0xD0000000  }
0x3: {  	_ = 	snop  }
0x4: {  	_ = 	snop  }
0x5: {  	_ = 	snop  }
0x6: {  	_ = 	snop  }
0x7: {  	_ = 	snop  }
__scs_overlays_trampoline_lowered:
0x8: {  	[smem:$0x3FA6] =	sst s0  }
0x9: {  	[smem:$0x3FA7] =	sst s1  }
0xa: {  	[smem:$0x3FA8] =	sst s2  }
0xb: {  	[smem:$0x3FA9] =	sst s3  }
0xc: {  	[smem:$0x3FAA] =	sst s4  }
0xd: {  	[smem:$0x3FAB] =	sst s5  }
0xe: {  	[smem:$0x3FAC] =	sst s6  }
0xf: {  	[smem:$0x3FAD] =	sst s7  }
0x10: {  	[smem:$0x3FAE] =	sst s8  }
0x11: {  	[smem:$0x3FAF] =	sst s9;
	s0 =	simm.s32 @!p0 $0x0  }
0x12: {  	s1 =	sld [smem:$0x3F95];
	s0 =	simm.s32 @p0 $0x1  }
0x13: {  	[smem:$0x3FB0] =	sst s0;
	s0 =	simm.s32 @!p1 $0x0  }
0x14: {  	s2 =	sld [smem:$0x3F94];
	s0 =	simm.s32 @p1 $0x1  }
0x15: {  	[smem:$0x3FB1] =	sst s0;
	s0 =	simm.s32 @!p2 $0x0  }
0x16: {  	s3 =	sld [smem:$0x3FDB];
	s0 =	simm.s32 @p2 $0x1  }
0x17: {  	s4 =	simm.s32 $0x1BF5;
	[smem:$0x3FB3] =	sst s0  }
0x18: {  	s0 =	sld [smem:$0x3F96];
	_ =	swait.ge [sflag:s4], $0x0  }
0x19: {  	s7 =	sld [smem:$0x3F97]  }
0x1a: {  	s8 =	sadd.s32 $0xFFFFE003, lr  }
0x1b: {  	s9 =	sadd.s32 $0xFFFFFEF7, lr;
	s5 =	simm.s32 $0xFFFFFFFF;
	p2 =	slt.u32 s8, $0xFFFFF086  }
0x1c: {  	p1 =	slt.u32 s9, $0xF7A;
	s5 =	simm.s32 @!p2 $0x0  }
0x1d: {  	s5 =	simm.s32 @p1 $0x1;
	p0 =	seq.s32 s7, s2  }
0x1e: {  	s7 =	smul.u32 @!p0 $0xF7A, s2;
	p2 =	seq.s32 @!p0 s5, $0x0  }
0x1f: {  	s9 =	smul.u32 $0xF7A, s1;
	s8 =	simm.s32 @!p0 $0x1BF5;
	p2 =	por !p2, p0  }
0x20: {  	[sflag:s8] =	ssyncset.s32 @!p0 $0xFFFFF086;
	s6 =	sadd.s32 @!p0 s3, s7;
	s7 =	simm.s32 @!p0 $0x108  }
0x21: {  	s3 =	sadd.s32 s3, s9;
	s6 =	sadd.s32 @!p0 $0x88, s6;
	s7 =	simm.s32 @p2 $0x1082  }
0x22: {  	[simem:s7], [sflag:s8] =	dma.local @!p0 [hbm:s6], $0xF7A  }
0x23: {  	s9 =	sor.u32 $0xD0000000, s2;
	s6 =	simm.s32 $0x108;
	_ =	swait.ge @!p0 [sflag:s8], $0x0  }
0x24: {  	s3 =	sadd.s32 $0x88, s3;
	s6 =	simm.s32 @!p1 $0x1082;
	[sflag:s4] =	ssyncset.s32 $0xFFFFF086  }
0x25: {  	[simem:s6], [sflag:s4] =	dma.local [hbm:s3], $0xF7A  }
0x26: {  	[smem:$0x3F97] =	sst s1;
	(tag) =	ssettag s2;
	_ =	strace s9  }
0x27: {  	s1 =	sld [smem:$0x3FA7]  }
0x28: {  	s2 =	sld [smem:$0x3FA8]  }
0x29: {  	s4 =	sld [smem:$0x3FAA]  }
0x2a: {  	p0 =	seq.s32 s5, $0x0;
	s5 =	sld [smem:$0x3FAB]  }
0x2b: {  	s6 =	sld [smem:$0x3FAC]  }
0x2c: {  	s7 =	sld [smem:$0x3FAD]  }
0x2d: {  	s3 =	simm.s32 $0x108;
	s8 =	sld [smem:$0x3FAE]  }
0x2e: {  	s3 =	simm.s32 @!p0 $0x1082;
	s9 =	sld [smem:$0x3FAF]  }
0x2f: {  	lr =	sadd.s32 s0, s3;
	s0 =	sld [smem:$0x3FA6]  }
0x30: {  	s3 =	sld [smem:$0x3FA9]  }
0x31: {  	[smem:$0x3FB2] =	sst s10  }
0x32: {  	s10 =	sld [smem:$0x3FB0];
	_ =	sdelay $0x3  }
0x33: {  	p0 =	seq.s32 s10, $0x1;
	s10 =	sld [smem:$0x3FB2];
	_ =	sdelay $0x3  }
0x34: {  	[smem:$0x3FB2] =	sst s10  }
0x35: {  	s10 =	sld [smem:$0x3FB1];
	_ =	sdelay $0x3  }
0x36: {  	p1 =	seq.s32 s10, $0x1;
	s10 =	sld [smem:$0x3FB2];
	_ =	sdelay $0x3  }
0x37: {  	[smem:$0x3FB2] =	sst s10  }
0x38: {  	s10 =	sld [smem:$0x3FB3]  }
0x39: {  	_ = 	snop;
	(pc) =	sbr.ind lr, $3  }
0x3a: {  	_ = 	snop  }
0x3b: {  	_ = 	snop  }
0x3c: {  	p2 =	seq.s32 s10, $0x1;
	s10 =	sld [smem:$0x3FB2]  }
0x3d: {  	_ =	shalt  }
0x3e: {  	_ =	shalt  }
0x3f: {  	_ =	shalt  }
0x40: {  	_ =	shalt  }
0x41: {  	_ =	shalt  }
0x42: {  	_ =	shalt  }
0x43: {  	_ =	shalt  }
0x44: {  	_ =	shalt  }
0x45: {  	_ =	shalt  }
0x46: {  	_ =	shalt  }
0x47: {  	_ =	shalt  }
0x48: {  	_ =	shalt  }
0x49: {  	_ =	shalt  }
0x4a: {  	_ =	shalt  }
0x4b: {  	_ =	shalt  }
0x4c: {  	_ =	shalt  }
0x4d: {  	_ =	shalt  }
0x4e: {  	_ =	shalt  }
0x4f: {  	_ =	shalt  }
0x50: {  	_ =	shalt  }
0x51: {  	_ =	shalt  }
0x52: {  	_ =	shalt  }
0x53: {  	_ =	shalt  }
0x54: {  	_ =	shalt  }
0x55: {  	_ =	shalt  }
0x56: {  	_ =	shalt  }
0x57: {  	_ =	shalt  }
0x58: {  	_ =	shalt  }
0x59: {  	_ =	shalt  }
0x5a: {  	_ =	shalt  }
0x5b: {  	_ =	shalt  }
0x5c: {  	_ =	shalt  }
0x5d: {  	_ =	shalt  }
0x5e: {  	_ =	shalt  }
0x5f: {  	_ =	shalt  }
0x60: {  	_ =	shalt  }
0x61: {  	_ =	shalt  }
0x62: {  	_ =	shalt  }
0x63: {  	_ =	shalt  }
0x64: {  	_ =	shalt  }
0x65: {  	_ =	shalt  }
0x66: {  	_ =	shalt  }
0x67: {  	_ =	shalt  }
0x68: {  	_ =	shalt  }
0x69: {  	_ =	shalt  }
0x6a: {  	_ =	shalt  }
0x6b: {  	_ =	shalt  }
0x6c: {  	_ =	shalt  }
0x6d: {  	_ =	shalt  }
0x6e: {  	_ =	shalt  }
0x6f: {  	_ =	shalt  }
0x70: {  	_ =	shalt  }
0x71: {  	_ =	shalt  }
0x72: {  	_ =	shalt  }
0x73: {  	_ =	shalt  }
0x74: {  	_ =	shalt  }
0x75: {  	_ =	shalt  }
0x76: {  	_ =	shalt  }
0x77: {  	_ =	shalt  }
0x78: {  	_ =	shalt  }
0x79: {  	_ =	shalt  }
0x7a: {  	_ =	shalt  }
0x7b: {  	_ =	shalt  }
0x7c: {  	_ =	shalt  }
0x7d: {  	_ =	shalt  }
0x7e: {  	_ =	shalt  }
0x7f: {  	_ =	shalt  }
0x80: {  	_ =	shalt  }
0x81: {  	_ =	shalt  }
0x82: {  	_ =	shalt  }
0x83: {  	_ =	shalt  }
0x84: {  	_ =	shalt  }
0x85: {  	_ =	shalt  }
0x86: {  	_ =	shalt  }
0x87: {  	_ =	shalt  }
.Lfunc_end0:
.L_simem_size_0:
called_computation_lowered:
.L_overlay_start_0:
0x88: {  	s2 =	sld [smem:$0x3FD9]  }
0x89: {  	s3 =	sld [smem:$0x3FFE];
	_ =	sdelay $0x1  }
0x8a: {  	s1 =	srdreg.scid  }
0x8b: {  	s0 =	sand.u32 $0x1, s1  }
0x8c: {  	s16 =	sshll.u32 s0, $0xA;
	s2 =	sadd.s32 s3, s2  }
0x8d: {  	s2 =	sadd.s32 s2, s16  }
0x8e: {  	[smem:$0x3FBE] =	sst s2  }
0x8f: {  	_ = 	snop  }
0x90: {  	(tm) =	ssettm $0x1  }
0x91: {  	s17 =	sld [smem:$0x3FFB];
	_ =	sdelay $0x3  }
0x92: {  	_ =	strace s17  }
0x93: {  	s2 =	sld [smem:$0x3FFC];
	_ =	sdelay $0x3  }
0x94: {  	_ =	strace s2  }
0x95: {  	s2 =	sld [smem:$0x3FFD];
	_ =	sdelay $0x3  }
0x96: {  	_ =	strace s2  }
0x97: {  	_ =	strace $0x8FFFFFFF  }
0x98: {  	s18 =	sld [smem:$0x3FDB];
	_ =	sdelay $0x1  }
0x99: {  	s19 =	simm.s32 $_scs_section_size  }
0x9a: {  	s4 =	simm.s32 $_size__tile_overlayer_lowered;
	s5 =	simm.s32 $_tile_overlayer_lowered  }
0x9b: {  	s22 =	simm.s32 $0x1BFF;
	s21 =	sshll.u32 s5, $0x1;
	s2 =	sadd.s32 s19, s18  }
0x9c: {  	s6 =	simm.s32 $0x0;
	s20 =	sshll.u32 s4, $0x1;
	s4 =	sadd.s32 s21, s2  }
0x9d: {  	[timem:s6], [sflag:s22] =	dma.local [hbm:s4], s20  }
0x9e: {  	_ =	swait.ge [sflag:s22], s20  }
0x9f: {  	s3 =	ssub.s32 $0x0, s20;
	[sflag:s22] =	ssyncset.done $0x0  }
0xa0: {  	[sflag:s22] =	ssyncadd.s32 s3;
	_ =	sdelay $0x1  }
0xa1: {  	s23 =	simm.s32 $0x1B8B  }
0xa2: {  	_ =	swait.ge [sflag:s23], $0x1  }
0xa3: {  	[sflag:s23] =	ssyncset.done $0x0  }
0xa4: {  	s25 =	simm.s32 $0x1B8E;
	s24 =	sld [smem:$0x3FFE];
	[sflag:s23] =	ssyncadd.s32 $0xFFFFFFFF  }
0xa5: {  	s26 =	simm.s32 $execute0_lowered;
	[smem:$0x3FD2] =	sst s25  }
0xa6: {  	s4 =	sshll.u32 s26, $0x1;
	_ =	strace $0x80000046;
	[dreg:$0x1] =	wrdreg $0xFFFFFFFF  }
0xa7: {  	s28 =	simm.s32 $_size_execute0_lowered;
	s2 =	sadd.s32 s2, s4;
	[dreg:$0x0] =	wrdreg $0x0  }
0xa8: {  	s4 =	sshll.u32 s28, $0x1;
	[dreg:$0x2] =	wrdreg s2  }
0xa9: {  	[dreg:$0x3] =	wrdreg s4  }
0xaa: {  	[dreg:$0x4] =	wrdreg $0xC0  }
0xab: {  	_ =	task [dreg:s6], $0x5FFFF  }
0xac: {  	[dreg:$0x1] =	wrdreg $0xFFFFFFFF  }
0xad: {  	[dreg:$0x0] =	wrdreg $0x60  }
0xae: {  	[dreg:$0x2] =	wrdreg s24  }
0xaf: {  	[dreg:$0x3] =	wrdreg $0xA9000  }
0xb0: {  	[dreg:$0x4] =	wrdreg $0x9  }
0xb1: {  	_ =	task.clear_ibuf [dreg:s6], $0x5FFFF;
	_ =	strace $0x90000046  }
0xb2: {  	s29 =	simm.s32 $0x9;
	_ =	strace $0x80000048  }
0xb3: {  	_ =	swait.ge [sflag:s29], $0x1  }
0xb4: {  	[sflag:s29] =	ssyncadd.s32 $0xFFFFFFFF  }
0xb5: {  	_ =	strace $0x90000048  }
0xb6: {  	_ =	sfence  }
0xb7: {  	s30 =	sld [smem:$0x0];
	_ =	sdelay $0x2  }
0xb8: {  	s31 =	sshll.u32 s1, $0xD;
	s1 =	sshrl.u32 s1, $0x2  }
0xb9: {  	s3 =	sand.u32 $0x4000, s31;
	s1 =	sadd.s32 s1, s30  }
0xba: {  	s0 =	sor.u32 s3, s0;
	s1 =	sshll.u32 s1, $0x11  }
0xbb: {  	s0 =	sor.u32 s1, s0  }
0xbc: {  	s0 =	sadd.s32 $0x8F2B, s0  }
0xbd: {  	[sflag:s0] =	ssyncadd.remote.s32 $0x1  }
0xbe: {  	_ =	sfence.sel $0xFFFF  }
0xbf: {  	[dreg:$0x0] =	wrdreg $0xFFFFFFFF;
	(pc) =	sbr.abs _section_cstart, $3  }
0xc0: {  	[dreg:$0x1] =	wrdreg $0xFFFFFFFF  }
0xc1: {  	_ =	task.clear_ibuf [dreg:s6], $0x2FFFF;
	_ =	strace $0x9FFFFFFF  }
0xc2: {  	(tm) =	ssettm $0x7FFFFFFF  }
0xc3: {  	_ =	shalt  }
tec
execute0_lowered:
.L_overlay_start_1:
0x0: {  	(tag) =	ssettag $0x1  }
0x1: {  	s10 =	rddreg [dreg:$0x0]  }
0x2: {  	s2 =	rddreg [dreg:$0x1];
	s3 =	simm.s32 $0x0;
	s0 =	stileid.u32  }
0x3: {  	s7 =	srdreg.scid;
	s20 =	simm.s32 $0x2800;
	s21 =	simm.s32 $0x80  }
0x4: {  	s22 =	simm.s32 $0x2900;
	s23 =	simm.s32 $0x2880;
	s24 =	simm.s32 $0x6900  }
0x5: {  	s25 =	simm.s32 $0x1;
	s26 =	simm.s32 $0x2;
	s12 =	smul.u32 $0x500, s0  }
0x6: {  	s28 =	simm.s32 $0x0;
	[smem:$0x7FF] =	sst s3;
	s4 =	smul.u32 $0x2780, s0  }
0x7: {  	s5 =	sadd.s32 $0xD200, s10;
	s6 =	sadd.s32 $0x3200, s10;
	s18 =	sand.u32 $0x1, s7  }
0x8: {  	s1 =	sadd.s32 $0x35200, s10;
	s15 =	smul.u32 $0x4F000, s0;
	s8 =	sadd.s32 $0x5DA00, s10  }
0x9: {  	s9 =	smul.u32 $0x2800, s0;
	s17 =	sshll.u32 s0, $0x6;
	_ =	strace $0x80000047  }
0xa: {  	[dreg:$0x3] =	wrdreg s1;
	s14 =	ssub.s32 $0x2, s18;
	s17 =	sor.u32 $0x1C03, s17  }
0xb: {  	p0 =	sne.s32 s18, $0x0;
	s13 =	sadd.s32 s12, s10;
	s11 =	sadd.s32 s4, s10  }
.Ltmp0:
0xc: {  	s16 =	sshrl.u32 s14, $0x1;
	s10 =	sadd.s32 $0x85A00, s10;
	(pc) =	sbr.rel .LBB2_1-.Ltmp0, $4  }
0xd: {  	s30 =	sshrl.u32 s15, $0x2;
	s31 =	sshrl.u32 s9, $0x3;
	s12 =	sadd.s32 s6, s12  }
0xe: {  	s16 =	ssub.s32 s14, s16;
	s19 =	sadd.s32 s30, s2;
	s14 =	sadd.s32 s6, s31  }
0xf: {  	s11 =	sadd.s32 $0x35A00, s11;
	s13 =	sadd.s32 $0x8200, s13;
	s15 =	sadd.s32 $0x10, s14  }
0x10: {  	s16 =	smax.u32 s16, $0x1;
	s18 =	sshrl.u32 s19, $0x3;
	s19 =	simm.s32 $0x3  }
.LBB2_7:
0x11: {  	[sflag:s19] =	ssyncadd.s32 $0xFFFFC000  }
0x12: {  	s29 =	smov.u32 s10;
	[bflag:$0x0] =	sbarrier.arrive $0xFFFF  }
.LBB2_8:
0x13: {  	s28 =	sadd.s32 $0x1, s28  }
0x14: {  	p1 =	sne.s32 s28, s16  }
.Ltmp1:
0x15: {  	s0 =	sadd.s32 s29, s4;
	(pc) =	sbr.rel @!p1 .LBB2_9-.Ltmp1, $4  }
0x16: {  	[hbm:s0], [sflag:s17] =	dma.local [spmem:s18], $0x2780  }
0x17: {  	_ =	swait.ge [sflag:s19], $0x2780  }
0x18: {  	[sflag:s19] =	ssyncset.done $0x0  }
0x19: {  	[sflag:s19] =	ssyncadd.s32 $0xFFFFD880  }
.LBB2_1:
.Ltmp2:
0x1a: {  	(pc) =	sbr.rel @p0 .LBB2_5-.Ltmp2, $4  }
0x1b: {  	[spmem:s18], [sflag:s17] =	dma.local [hbm:s11], $0x2780  }
0x1c: {  	_ =	swait.ge [sflag:s19], $0x2780  }
0x1d: {  	[sflag:s19] =	ssyncset.done $0x0  }
0x1e: {  	[sflag:s19] =	ssyncadd.s32 $0xFFFFD880  }
0x1f: {  	[tilespmem:s3], [sflag:$0x3] =	stream.linear.gather [hbm4b:s13+s3], $0x2800, $0x38;
	[tilespmem:$0x1E500] =	vst v63  }
0x20: {  	_ =	swait.ge [sflag:s19], $0x2800  }
0x21: {  	[sflag:s19] =	ssyncset.done $0x0  }
0x22: {  	[sflag:s19] =	ssyncadd.s32 $0xFFFFD800  }
0x23: {  	[bflag:$0x0] =	sbarrier.arrive $0xFFFF  }
0x24: {  	[tilespmem:s20], [sflag:$0x1] =	stream.linear.gather [hbm4b:s14+s3], $0x80, $0x38;
	[tilespmem:$0x1E500] =	vst v63  }
0x25: {  	_ = 	snop  }
0x26: {  	[tilespmem:s22], [sflag:$0x1] =	stream.indirect.gather [hbm4b:s5+s21], $0x80, s3, s21, $0xb8;
	[tilespmem:$0x1E500] =	vst v63  }
0x27: {  	_ = 	snop  }
0x28: {  	[tilespmem:s23], [sflag:$0x2] =	stream.linear.gather [hbm4b:s15+s3], $0x80, $0x38;
	[tilespmem:$0x1E500] =	vst v63  }
0x29: {  	_ = 	snop  }
0x2a: {  	[tilespmem:s24], [sflag:$0x2] =	stream.indirect.gather [hbm4b:s5+s21], $0x80, s21, s21, $0xb8;
	[tilespmem:$0x1E500] =	vst v63  }
0x2b: {  	_ =	swait.ge [sflag:s25], $0x80  }
0x2c: {  	[sflag:s25] =	ssyncset.done $0x0  }
0x2d: {  	[sflag:s25] =	ssyncadd.s32 $0xFFFFFF80  }
0x2e: {  	s29 =	simm.s32 $0x100;
	_ =	swait.ge [sflag:s25], $0x4000  }
0x2f: {  	s30 =	sand.u32 $0x7C00, s29;
	[sflag:s25] =	ssyncset.done $0x0  }
0x30: {  	s29 =	sand.u32 $0x300, s29;
	s30 =	sadd.s32 s9, s30;
	[sflag:s25] =	ssyncadd.s32 $0xFFFFC000  }
0x31: {  	[spmem:s2] =	stream.indirect.scatter.add.f32 [tilespmem:s22], [sflag:$0x3], $0x80, s20, s21, $0xb8;
	[tilespmem:$0x1E500] =	vst v63  }
0x32: {  	s29 =	sor.u32 s29, s30;
	_ =	swait.ge [sflag:s19], $0x4000  }
0x33: {  	s29 =	sshrl.u32 s29, $0x3;
	[sflag:s19] =	ssyncset.done $0x0  }
0x34: {  	s29 =	sadd.s32 s6, s29;
	[sflag:s19] =	ssyncadd.s32 $0xFFFFC000  }
0x35: {  	[tilespmem:s20], [sflag:$0x1] =	stream.linear.gather [hbm4b:s29+s3], $0x80, $0x38;
	[tilespmem:$0x1E500] =	vst v63  }
0x36: {  	s29 =	simm.s32 $0x100  }
0x37: {  	[tilespmem:s22], [sflag:$0x1] =	stream.indirect.gather [hbm4b:s5+s21], $0x80, s29, s21, $0xb8;
	[tilespmem:$0x1E500] =	vst v63  }
0x38: {  	_ =	swait.ge [sflag:s26], $0x80  }
0x39: {  	[sflag:s26] =	ssyncset.done $0x0  }
0x3a: {  	[sflag:s26] =	ssyncadd.s32 $0xFFFFFF80  }
0x3b: {  	s29 =	simm.s32 $0x180;
	_ =	swait.ge [sflag:s26], $0x4000  }
0x3c: {  	s30 =	sand.u32 $0x7C00, s29;
	[sflag:s26] =	ssyncset.done $0x0  }
0x3d: {  	s31 =	sand.u32 $0x380, s29;
	s30 =	sadd.s32 s9, s30;
	[sflag:s26] =	ssyncadd.s32 $0xFFFFC000  }
0x3e: {  	[spmem:s2] =	stream.indirect.scatter.add.f32 [tilespmem:s24], [sflag:$0x3], $0x80, s23, s21, $0xb8;
	[tilespmem:$0x1E500] =	vst v63  }
0x3f: {  	s30 =	sor.u32 s31, s30;
	_ =	swait.ge [sflag:s19], $0x4000  }
0x40: {  	s30 =	sshrl.u32 s30, $0x3;
	[sflag:s19] =	ssyncset.done $0x0  }
0x41: {  	s30 =	sadd.s32 s6, s30;
	[sflag:s19] =	ssyncadd.s32 $0xFFFFC000  }
0x42: {  	[tilespmem:s23], [sflag:$0x2] =	stream.linear.gather [hbm4b:s30+s3], $0x80, $0x38;
	[tilespmem:$0x1E500] =	vst v63  }
0x43: {  	s31 =	simm.s32 $0x180;
	s30 =	simm.s32 $0x280  }
.LBB2_3:
0x44: {  	p1 =	seq.s32 s30, $0x2780  }
0x45: {  	s29 =	sadd.s32 $0x100, s29;
	s0 =	smov.u32 s30;
	s30 =	sadd.s32 $0x100, s30  }
0x46: {  	[tilespmem:s24], [sflag:$0x2] =	stream.indirect.gather [hbm4b:s5+s21], $0x80, s31, s21, $0xb8;
	[tilespmem:$0x1E500] =	vst v63  }
0x47: {  	s31 =	smov.u32 s29;
	_ =	swait.ge [sflag:s25], $0x80  }
0x48: {  	[sflag:s25] =	ssyncset.done $0x0  }
0x49: {  	[sflag:s25] =	ssyncadd.s32 $0xFFFFFF80  }
0x4a: {  	_ =	swait.ge [sflag:s25], $0x4000  }
0x4b: {  	s1 =	sadd.s32 $0xFFFFFF80, s0;
	[sflag:s25] =	ssyncset.done $0x0  }
0x4c: {  	s7 =	sand.u32 $0x7C00, s1;
	s1 =	sand.u32 $0x300, s1;
	[sflag:s25] =	ssyncadd.s32 $0xFFFFC000  }
0x4d: {  	[spmem:s2] =	stream.indirect.scatter.add.f32 [tilespmem:s22], [sflag:$0x3], $0x80, s20, s21, $0xb8;
	[tilespmem:$0x1E500] =	vst v63  }
0x4e: {  	s7 =	sadd.s32 s9, s7;
	_ =	swait.ge [sflag:s19], $0x4000  }
0x4f: {  	s1 =	sor.u32 s1, s7;
	[sflag:s19] =	ssyncset.done $0x0  }
0x50: {  	s1 =	sshrl.u32 s1, $0x3;
	[sflag:s19] =	ssyncadd.s32 $0xFFFFC000  }
0x51: {  	s7 =	sadd.s32 $0xFFFFFF80, s29;
	s1 =	sadd.s32 s6, s1  }
0x52: {  	[tilespmem:s20], [sflag:$0x1] =	stream.linear.gather [hbm4b:s1+s3], $0x80, $0x38;
	[tilespmem:$0x1E500] =	vst v63  }
0x53: {  	_ = 	snop  }
0x54: {  	[tilespmem:s22], [sflag:$0x1] =	stream.indirect.gather [hbm4b:s5+s21], $0x80, s7, s21, $0xb8;
	[tilespmem:$0x1E500] =	vst v63  }
0x55: {  	_ =	swait.ge [sflag:s26], $0x80  }
0x56: {  	[sflag:s26] =	ssyncset.done $0x0  }
0x57: {  	[sflag:s26] =	ssyncadd.s32 $0xFFFFFF80  }
0x58: {  	_ =	swait.ge [sflag:s26], $0x4000  }
0x59: {  	s1 =	sand.u32 $0x7C00, s0;
	[sflag:s26] =	ssyncset.done $0x0  }
0x5a: {  	s0 =	sand.u32 $0x380, s0;
	s1 =	sadd.s32 s9, s1;
	[sflag:s26] =	ssyncadd.s32 $0xFFFFC000  }
0x5b: {  	[spmem:s2] =	stream.indirect.scatter.add.f32 [tilespmem:s24], [sflag:$0x3], $0x80, s23, s21, $0xb8;
	[tilespmem:$0x1E500] =	vst v63  }
.Ltmp3:
0x5c: {  	_ = 	snop;
	(pc) =	sbr.rel @!p1 .LBB2_3-.Ltmp3, $4  }
0x5d: {  	s0 =	sor.u32 s0, s1;
	_ =	swait.ge [sflag:s19], $0x4000  }
0x5e: {  	s0 =	sshrl.u32 s0, $0x3;
	[sflag:s19] =	ssyncset.done $0x0  }
0x5f: {  	s0 =	sadd.s32 s6, s0;
	[sflag:s19] =	ssyncadd.s32 $0xFFFFC000  }
0x60: {  	[tilespmem:s23], [sflag:$0x2] =	stream.linear.gather [hbm4b:s0+s3], $0x80, $0x38;
	[tilespmem:$0x1E500] =	vst v63  }
0x61: {  	[tilespmem:s24], [sflag:$0x2] =	stream.indirect.gather [hbm4b:s5+s21], $0x80, s31, s21, $0xb8;
	[tilespmem:$0x1E500] =	vst v63  }
0x62: {  	_ =	swait.ge [sflag:s25], $0x80  }
0x63: {  	[sflag:s25] =	ssyncset.done $0x0  }
0x64: {  	[sflag:s25] =	ssyncadd.s32 $0xFFFFFF80  }
0x65: {  	_ =	swait.ge [sflag:s25], $0x4000  }
0x66: {  	[sflag:s25] =	ssyncset.done $0x0  }
0x67: {  	[sflag:s25] =	ssyncadd.s32 $0xFFFFC000  }
0x68: {  	[spmem:s2] =	stream.indirect.scatter.add.f32 [tilespmem:s22], [sflag:$0x3], $0x80, s20, s21, $0xb8;
	[tilespmem:$0x1E500] =	vst v63  }
0x69: {  	_ =	swait.ge [sflag:s19], $0x4000  }
0x6a: {  	[sflag:s19] =	ssyncset.done $0x0  }
0x6b: {  	[sflag:s19] =	ssyncadd.s32 $0xFFFFC000  }
0x6c: {  	_ =	swait.ge [sflag:s26], $0x80  }
0x6d: {  	[sflag:s26] =	ssyncset.done $0x0  }
0x6e: {  	[sflag:s26] =	ssyncadd.s32 $0xFFFFFF80  }
0x6f: {  	_ =	swait.ge [sflag:s26], $0x4000  }
0x70: {  	[sflag:s26] =	ssyncset.done $0x0  }
0x71: {  	[sflag:s26] =	ssyncadd.s32 $0xFFFFC000  }
0x72: {  	[spmem:s2] =	stream.indirect.scatter.add.f32 [tilespmem:s24], [sflag:$0x3], $0x80, s23, s21, $0xb8;
	[tilespmem:$0x1E500] =	vst v63  }
.Ltmp4:
0x73: {  	_ =	swait.ge [sflag:s19], $0x4000;
	(pc) =	sbr.rel .LBB2_8-.Ltmp4, $4  }
0x74: {  	[sflag:s19] =	ssyncset.done $0x0  }
0x75: {  	[sflag:s19] =	ssyncadd.s32 $0xFFFFC000  }
0x76: {  	[bflag:$0x0] =	sbarrier.arrive $0xFFFF  }
0x77: {  	s29 =	smov.u32 s8  }
.LBB2_5:
0x78: {  	s0 =	simm.s32 $0x0;
	s1 =	rddreg [dreg:$0x3]  }
0x79: {  	[tilespmem:s22], [sflag:$0x3] =	stream.linear.gather [hbm4b:s1+s0], $0x4000, $0x38;
	[tilespmem:$0x1E500] =	vst v63  }
0x7a: {  	_ =	swait.ge [sflag:s19], $0x4000  }
0x7b: {  	[sflag:s19] =	ssyncset.done $0x0  }
0x7c: {  	[sflag:s19] =	ssyncadd.s32 $0xFFFFC000  }
0x7d: {  	[tilespmem:s0], [sflag:$0x3] =	stream.linear.gather [hbm4b:s12+s0], $0x2800, $0x38;
	[tilespmem:$0x1E500] =	vst v63  }
0x7e: {  	_ =	swait.ge [sflag:s19], $0x2800  }
0x7f: {  	[sflag:s19] =	ssyncset.done $0x0  }
0x80: {  	[sflag:s19] =	ssyncadd.s32 $0xFFFFD800  }
0x81: {  	s31 =	simm.s32 $0x0;
	[bflag:$0x0] =	sbarrier.arrive $0xFFFF  }
0x82: {  	[spmem:s2] =	stream.indirect.scatter.add.f32 [tilespmem:s22], [sflag:$0x3], $0x80, s31, s21, $0xb8;
	[tilespmem:$0x1E500] =	vst v63  }
0x83: {  	_ =	swait.ge [sflag:s19], $0x4000  }
0x84: {  	s29 =	simm.s32 $0x200;
	[sflag:s19] =	ssyncset.done $0x0  }
.LBB2_6:
0x85: {  	s0 =	sshra.s32 s29, $0x2;
	[sflag:s19] =	ssyncadd.s32 $0xFFFFC000;
	p1 =	sne.s32 s29, $0x9E00  }
0x86: {  	[spmem:s2] =	stream.indirect.scatter.add.f32 [tilespmem:s22], [sflag:$0x3], $0x80, s0, s21, $0xb8;
	[tilespmem:$0x1E500] =	vst v63  }
.Ltmp5:
0x87: {  	_ = 	snop;
	(pc) =	sbr.rel @p1 .LBB2_6-.Ltmp5, $4  }
0x88: {  	_ = 	snop  }
0x89: {  	s29 =	sadd.s32 $0x200, s29  }
0x8a: {  	_ =	swait.ge [sflag:s19], $0x4000  }
0x8b: {  	[sflag:s19] =	ssyncset.done $0x0  }
.Ltmp6:
0x8c: {  	_ = 	snop;
	(pc) =	sbr.rel .LBB2_7-.Ltmp6, $1  }
0x8d: {  	_ =	sdelay $0x3  }
.LBB2_9:
0x8e: {  	_ =	sfence.sel $0x180000  }
0x8f: {  	[bflag:$0x0] =	sbarrier.arrive $0xFFFF  }
0x90: {  	_ =	strace $0x90000047  }
0x91: {  	s0 =	stileid.u32;
	[bflag:$0x2] =	sbarrier.arrive $0xFFFF  }
0x92: {  	p0 =	sne.s32 s0, $0x0;
	s0 =	rddreg [dreg:$0x2]  }
0x93: {  	s0 =	sadd.s32 @!p0 $0x100000, s0  }
0x94: {  	[sflag:s0] =	ssyncadd.tile.s32 @!p0 $0x1;
	_ =	shalt  }
.Lfunc_end2:
_tile_overlayer_lowered:
.L_overlay_start_2:
0x95: {  	(tag) =	ssettag $0x2  }
0x96: {  	s0 =	rddreg [dreg:$0x0];
	s2 =	stileid.u32  }
0x97: {  	s1 =	rddreg [dreg:$0x1];
	p0 =	sne.s32 s2, $0x0  }
0x98: {  	s3 =	rddreg [dreg:$0x2];
	[bflag:$0x3] =	sbarrier.arrive $0xFFFF;
	s2 =	simm.s32 @!p0 $0x1C03  }
0x99: {  	[timem:s3], [sflag:s2] =	dma.local @!p0 [hbm:s0], s1  }
0x9a: {  	s0 =	simm.s32 @!p0 $0x3  }
0x9b: {  	_ =	swait.ge @!p0 [sflag:s0], s1  }
0x9c: {  	s1 =	ssub.s32 @!p0 $0x0, s1;
	[sflag:s0] =	ssyncset.done @!p0 $0x0  }
0x9d: {  	[sflag:s0] =	ssyncadd.s32 @!p0 s1  }
0x9e: {  	[bflag:$0x3] =	sbarrier.arrive $0xFFFF  }
0x9f: {  	_ =	shalt  }

</sc_bundles>
